<compile_context>
chip_gen: v7x
topology: tpu7x:2x2x1
jax: 0.10.2.dev20260603
libtpu: 0.0.44.dev20260713+nightly
codegen_flags: <defaults>
</compile_context>

<pallas_src>
import functools

import jax
import jax.numpy as jnp
from jax import lax
from jax.experimental import pallas as pl
from jax.experimental.pallas import tpu as pltpu
from jax.experimental.pallas import tpu_sc as plsc

N, E, D, H, O = 10000, 320000, 128, 128, 128
NC, NS, L = 2, 16, 16
DH = D // NC
CHUNK = 128
CH = 160
NSTG = 2
CHS = CH // NSTG
EPT = CH * CHUNK
E_PAD = EPT * NS
NPAD = 10240
RPT = NPAD // NS


def _grad_body(compute_deg, tab, srcs, dsts, s_out, deg_out,
               src_v, dst_v, rowa, rowb, ones_v, zcol, tab_sh, acc_sh,
               deg_sh, sema, semb, ssca, sscb):
    c = lax.axis_index("c")
    s = lax.axis_index("s")
    zero16 = jnp.zeros((L,), jnp.float32)

    def _zrow(i, _):
        for k in range(DH // L):
            rowa[i, pl.ds(k * L, L)] = zero16
        return 0
    lax.fori_loop(0, CHUNK, _zrow, 0)

    def _zcol(i, _):
        zcol[pl.ds(i * L, L)] = zero16
        return 0
    lax.fori_loop(0, RPT // L, _zcol, 0)
    for k in range(CHUNK // L):
        ones_v[pl.ds(k * L, L)] = jnp.ones((L,), jnp.float32)

    base = s * RPT
    for b in range(RPT // CHUNK):
        pltpu.sync_copy(rowa, acc_sh.at[pl.ds(base + b * CHUNK, CHUNK)])
    pltpu.sync_copy(zcol, deg_sh.at[pl.ds(base, RPT)])
    pltpu.sync_copy(tab.at[pl.ds(base, RPT), pl.ds(c * DH, DH)],
                    tab_sh.at[pl.ds(base, RPT)])
    plsc.subcore_barrier()

    bufs = ((rowa, sema, ssca, rowb, semb, sscb),
            (rowb, semb, sscb, rowa, sema, ssca))

    for stg in range(NSTG):
        pltpu.sync_copy(srcs.at[s, pl.ds(stg * CHS, CHS)], src_v)
        pltpu.sync_copy(dsts.at[s, pl.ds(stg * CHS, CHS)], dst_v)
        pltpu.async_copy(tab_sh.at[src_v.at[0]], rowa, sema)

        def _step(jj, _):
            for b, (buf, sem, ssc, obuf, osem, ossc) in enumerate(bufs):
                j = 2 * jj + b
                pltpu.make_async_copy(tab_sh.at[src_v.at[j]], buf, sem).wait()

                @pl.when(j + 1 < CHS)
                def _():
                    @pl.when(j >= 1)
                    def _():
                        pltpu.make_async_copy(
                            obuf, acc_sh.at[dst_v.at[j]], ossc).wait()
                    pltpu.async_copy(tab_sh.at[src_v.at[j + 1]], obuf, osem)

                pltpu.async_copy(buf, acc_sh.at[dst_v.at[j]], ssc, add=True)
                if compute_deg:
                    @pl.when(c == stg)
                    def _():
                        pltpu.sync_copy(
                            ones_v, deg_sh.at[dst_v.at[j]], add=True)
            return 0
        lax.fori_loop(0, CHS // 2, _step, 0)
        pltpu.make_async_copy(rowa, acc_sh.at[dst_v.at[0]], ssca).wait()
        pltpu.make_async_copy(rowb, acc_sh.at[dst_v.at[0]], sscb).wait()

    plsc.subcore_barrier()

    for b in range(RPT // CHUNK):
        r0 = base + b * CHUNK
        pltpu.sync_copy(acc_sh.at[pl.ds(r0, CHUNK)], rowa)
        pltpu.sync_copy(rowa, s_out.at[c, pl.ds(r0, CHUNK)])
    if compute_deg:
        pltpu.sync_copy(deg_sh.at[pl.ds(base, RPT)], zcol)
        pltpu.sync_copy(zcol, deg_out.at[c, pl.ds(base, RPT)])


def _make_grad(compute_deg):
    return pl.kernel(
        functools.partial(_grad_body, compute_deg),
        out_type=(
            jax.ShapeDtypeStruct((NC, NPAD, DH), jnp.float32),
            jax.ShapeDtypeStruct((NC, NPAD), jnp.float32),
        ),
        mesh=plsc.VectorSubcoreMesh(core_axis_name="c", subcore_axis_name="s"),
        compiler_params=pltpu.CompilerParams(use_tc_tiling_on_sc=False),
        scratch_types=[
            pltpu.VMEM((CHS, CHUNK), jnp.int32),
            pltpu.VMEM((CHS, CHUNK), jnp.int32),
            pltpu.VMEM((CHUNK, DH), jnp.float32),
            pltpu.VMEM((CHUNK, DH), jnp.float32),
            pltpu.VMEM((CHUNK,), jnp.float32),
            pltpu.VMEM((RPT,), jnp.float32),
            pltpu.VMEM_SHARED((NPAD, DH), jnp.float32),
            pltpu.VMEM_SHARED((NPAD, DH), jnp.float32),
            pltpu.VMEM_SHARED((NPAD,), jnp.float32),
            pltpu.SemaphoreType.DMA,
            pltpu.SemaphoreType.DMA,
            pltpu.SemaphoreType.DMA,
            pltpu.SemaphoreType.DMA,
        ],
    )


_grad_with_deg = _make_grad(True)
_grad_no_deg = _make_grad(False)

_ROWS_BLK = 512
_GRID = NPAD // _ROWS_BLK


def _combine_body(sa, sb, da, db, x, g1, inv, scl):
    deg = da[0] + db[0]
    iv = 1.0 / jnp.maximum(deg, 1.0)
    sc = deg * iv
    inv[...] = iv
    scl[...] = sc
    ssum = jnp.concatenate([sa[0], sb[0]], axis=1)
    g1[...] = ssum * iv - x[...] * sc


def _combine(s_halves, deg, x_pad):
    blk = pl.BlockSpec((_ROWS_BLK, D), lambda i: (i, 0))
    half0 = pl.BlockSpec((1, _ROWS_BLK, DH), lambda i: (0, i, 0))
    half1 = pl.BlockSpec((1, _ROWS_BLK, DH), lambda i: (1, i, 0))
    dcol0 = pl.BlockSpec((1, _ROWS_BLK, 1), lambda i: (0, i, 0))
    dcol1 = pl.BlockSpec((1, _ROWS_BLK, 1), lambda i: (1, i, 0))
    col = pl.BlockSpec((_ROWS_BLK, 1), lambda i: (i, 0))
    return pl.pallas_call(
        _combine_body,
        grid=(_GRID,),
        in_specs=[half0, half1, dcol0, dcol1, blk],
        out_specs=[blk, col, col],
        out_shape=[
            jax.ShapeDtypeStruct((NPAD, D), jnp.float32),
            jax.ShapeDtypeStruct((NPAD, 1), jnp.float32),
            jax.ShapeDtypeStruct((NPAD, 1), jnp.float32),
        ],
    )(s_halves, s_halves, deg, deg, x_pad)


def _mlp_body(x, g1, sa, sb, inv, scl, w1x, w1g, w1h, b1, w2, b2, out):
    s2 = jnp.concatenate([sa[0], sb[0]], axis=1)
    g2 = s2 * inv[...] - g1[...] * scl[...]
    h = (jnp.dot(x[...], w1x[...], preferred_element_type=jnp.float32)
         + jnp.dot(g1[...], w1g[...], preferred_element_type=jnp.float32)
         + jnp.dot(g2, w1h[...], preferred_element_type=jnp.float32)
         + b1[...])
    h = jnp.maximum(h, 0.0)
    out[...] = jnp.dot(h, w2[...], preferred_element_type=jnp.float32) + b2[...]


def _mlp(x_pad, g1, s2_halves, inv, scl, w1x, w1g, w1h, b1, w2, b2):
    blk = pl.BlockSpec((_ROWS_BLK, D), lambda i: (i, 0))
    half0 = pl.BlockSpec((1, _ROWS_BLK, DH), lambda i: (0, i, 0))
    half1 = pl.BlockSpec((1, _ROWS_BLK, DH), lambda i: (1, i, 0))
    col = pl.BlockSpec((_ROWS_BLK, 1), lambda i: (i, 0))
    wblk = pl.BlockSpec((D, H), lambda i: (0, 0))
    bblk = pl.BlockSpec((1, H), lambda i: (0, 0))
    return pl.pallas_call(
        _mlp_body,
        grid=(_GRID,),
        in_specs=[blk, blk, half0, half1, col, col,
                  wblk, wblk, wblk, bblk,
                  pl.BlockSpec((H, O), lambda i: (0, 0)),
                  pl.BlockSpec((1, O), lambda i: (0, 0))],
        out_specs=pl.BlockSpec((_ROWS_BLK, O), lambda i: (i, 0)),
        out_shape=jax.ShapeDtypeStruct((NPAD, O), jnp.float32),
    )(x_pad, g1, s2_halves, s2_halves, inv, scl,
      w1x, w1g, w1h, b1, w2, b2)


def kernel(x, edge_index, W1, b1, W2, b2):
    src = edge_index[0]
    dst = edge_index[1]
    pad = E_PAD - E
    srcs = jnp.concatenate(
        [src, jnp.zeros((pad,), jnp.int32)]).reshape(NS, CH, CHUNK)
    dsts = jnp.concatenate(
        [dst, jnp.full((pad,), N, jnp.int32)]).reshape(NS, CH, CHUNK)
    x_pad = jnp.pad(x, ((0, NPAD - N), (0, 0)))

    s1, deg = _grad_with_deg(x_pad, srcs, dsts)
    g1, inv, scl = _combine(s1, deg.reshape(NC, NPAD, 1), x_pad)
    s2, _ = _grad_no_deg(g1, srcs, dsts)
    out = _mlp(x_pad, g1, s2, inv, scl,
               W1[:D], W1[D:2 * D], W1[2 * D:], b1.reshape(1, H),
               W2, b2.reshape(1, O))
    return out[:N]

# --- scband reference (transcript-rebuilt; emitter-appended) ---
"""Pipeline reference for scband-net-42434276885041 (READ-ONLY COPY).

The authoritative reference and input builder live on the scoring server;
editing this copy changes nothing except your own understanding.
"""

import jax, jax.numpy as jnp
import numpy as np

N, E, D, H, O, ORDER = 10000, 320000, 128, 128, 128, 2

def setup_inputs(seed: int = 0) -> dict:
    key = jax.random.key(seed)
    k1, k2, k3, k4, k5, k6 = jax.random.split(key, 6)
    x = jax.random.normal(k1, (N, D), dtype=jnp.float32)
    edge_index = jax.random.randint(k2, (2, E), 0, N, dtype=jnp.int32)
    W1 = jax.random.normal(k3, ((ORDER + 1) * D, H), dtype=jnp.float32) * 0.02
    b1 = jnp.zeros((H,), dtype=jnp.float32)
    W2 = jax.random.normal(k4, (H, O), dtype=jnp.float32) * 0.02
    b2 = jnp.zeros((O,), dtype=jnp.float32)
    return {"x": x, "edge_index": edge_index, "W1": W1, "b1": b1, "W2": W2, "b2": b2}

def reference(x, edge_index, W1, b1, W2, b2):
    # MARBLE-style forward: directional-derivative (gradient) features up to
    # `order` via message passing, concatenated with the signal (include_self),
    # followed by an MLP readout.
    src = edge_index[0]
    dst = edge_index[1]
    n = x.shape[0]
    deg = jax.ops.segment_sum(jnp.ones(src.shape[0], dtype=x.dtype), dst, num_segments=n)
    deg = jnp.clip(deg, 1.0)[:, None]

    def grad_op(f):
        # per-edge finite difference gathered from neighbours, scatter-mean to dst
        diff = f[src] - f[dst]
        return jax.ops.segment_sum(diff, dst, num_segments=n) / deg

    feats = [x]
    g = x
    for _ in range(ORDER):
        g = grad_op(g)
        feats.append(g)
    feats = jnp.concatenate(feats, axis=-1)
    h = jax.nn.relu(feats @ W1 + b1)
    out = h @ W2 + b2
    return out

if __name__ == "__main__":
    import jax
    _d = setup_inputs()
    print(jax.jit(kernel)(*tuple(_d.values())))

</pallas_src>

<mosaic_0001>
#map = affine_map<(d0, d1) -> (0, 0)>
#map1 = affine_map<(d0, d1) -> (0, 0, 0)>
module attributes {stable_mosaic.version = 14 : i64} {
  func.func @_grad_body(%arg0: i32, %arg1: i32, %arg2: memref<10240x128xf32, #tpu.memory_space<hbm>>, %arg3: memref<16x160x128xi32, #tpu.memory_space<hbm>>, %arg4: memref<16x160x128xi32, #tpu.memory_space<hbm>>, %arg5: memref<2x10240x64xf32, #tpu.memory_space<hbm>>, %arg6: memref<2x10240xf32, #tpu.memory_space<hbm>>, %arg7: memref<80x128xi32, #tpu.memory_space<vmem>>, %arg8: memref<80x128xi32, #tpu.memory_space<vmem>>, %arg9: memref<128x64xf32, #tpu.memory_space<vmem>>, %arg10: memref<128x64xf32, #tpu.memory_space<vmem>>, %arg11: memref<128xf32, #tpu.memory_space<vmem>>, %arg12: memref<640xf32, #tpu.memory_space<vmem>>, %arg13: memref<10240x64xf32, #tpu.memory_space<vmem_shared>>, %arg14: memref<10240x64xf32, #tpu.memory_space<vmem_shared>>, %arg15: memref<10240xf32, #tpu.memory_space<vmem_shared>>, %arg16: memref<!tpu.dma_semaphore, #tpu.memory_space<semaphore_mem>>, %arg17: memref<!tpu.dma_semaphore, #tpu.memory_space<semaphore_mem>>, %arg18: memref<!tpu.dma_semaphore, #tpu.memory_space<semaphore_mem>>, %arg19: memref<!tpu.dma_semaphore, #tpu.memory_space<semaphore_mem>>) attributes {dimension_semantics = [#tpu.dimension_semantics<core_parallel>, #tpu.dimension_semantics<subcore_parallel>], iteration_bounds = array<i64: 2, 16>, scalar_prefetch = 0 : i64, scratch_operands = 13 : i64, tpu.core_type = #tpu.core_type<sc_vector_subcore>, window_params = [{transform_indices = #map}, {transform_indices = #map1}, {transform_indices = #map1}, {transform_indices = #map1}, {transform_indices = #map}]} {
    %broadcast_in_dim3A = arith.constant 0.000000e+00 : f32
    %broadcast_in_dim3A_0 = vector.broadcast %broadcast_in_dim3A : f32 to vector<16xf32>
    %scan3A = arith.constant 0 : i32
    %scan3A_1 = arith.constant 0 : i32
    %scan3A_2 = arith.constant 128 : i32
    %scan3A_3 = arith.addi %scan3A_1, %scan3A_2 : i32
    %scan3A_4 = arith.constant 1 : i32
    %scan3A_5 = scf.for %scan3A_138 = %scan3A_1 to %scan3A_3 step %scan3A_4 iter_args(%scan3A_139 = %scan3A) -> (i32)  : i32 {
      %swap3A_140 = arith.index_cast %scan3A_138 : i32 to index
      %swap3A_141 = arith.constant 0 : index
      %swap3A_142 = tpu.vector_load %arg9[%swap3A_140, %swap3A_141] {strides = array<i32>} : memref<128x64xf32, #tpu.memory_space<vmem>>, vector<1x16xf32>,
      %swap3A_143 = vector.shape_cast %swap3A_142 : vector<1x16xf32> to vector<16xf32>
      %swap3A_144 = vector.shape_cast %broadcast_in_dim3A_0 : vector<16xf32> to vector<1x16xf32>
      tpu.vector_store %arg9[%swap3A_140, %swap3A_141], %swap3A_144 {strides = array<i32>} : memref<128x64xf32, #tpu.memory_space<vmem>>, vector<1x16xf32>,
      %swap3A_145 = arith.index_cast %scan3A_138 : i32 to index
      %swap3A_146 = arith.constant 16 : index
      %swap3A_147 = tpu.vector_load %arg9[%swap3A_145, %swap3A_146] {strides = array<i32>} : memref<128x64xf32, #tpu.memory_space<vmem>>, vector<1x16xf32>,
      %swap3A_148 = vector.shape_cast %swap3A_147 : vector<1x16xf32> to vector<16xf32>
      %swap3A_149 = vector.shape_cast %broadcast_in_dim3A_0 : vector<16xf32> to vector<1x16xf32>
      tpu.vector_store %arg9[%swap3A_145, %swap3A_146], %swap3A_149 {strides = array<i32>} : memref<128x64xf32, #tpu.memory_space<vmem>>, vector<1x16xf32>,
      %swap3A_150 = arith.index_cast %scan3A_138 : i32 to index
      %swap3A_151 = arith.constant 32 : index
      %swap3A_152 = tpu.vector_load %arg9[%swap3A_150, %swap3A_151] {strides = array<i32>} : memref<128x64xf32, #tpu.memory_space<vmem>>, vector<1x16xf32>,
      %swap3A_153 = vector.shape_cast %swap3A_152 : vector<1x16xf32> to vector<16xf32>
      %swap3A_154 = vector.shape_cast %broadcast_in_dim3A_0 : vector<16xf32> to vector<1x16xf32>
      tpu.vector_store %arg9[%swap3A_150, %swap3A_151], %swap3A_154 {strides = array<i32>} : memref<128x64xf32, #tpu.memory_space<vmem>>, vector<1x16xf32>,
      %swap3A_155 = arith.index_cast %scan3A_138 : i32 to index
      %swap3A_156 = arith.constant 48 : index
      %swap3A_157 = tpu.vector_load %arg9[%swap3A_155, %swap3A_156] {strides = array<i32>} : memref<128x64xf32, #tpu.memory_space<vmem>>, vector<1x16xf32>,
      %swap3A_158 = vector.shape_cast %swap3A_157 : vector<1x16xf32> to vector<16xf32>
      %swap3A_159 = vector.shape_cast %broadcast_in_dim3A_0 : vector<16xf32> to vector<1x16xf32>
      tpu.vector_store %arg9[%swap3A_155, %swap3A_156], %swap3A_159 {strides = array<i32>} : memref<128x64xf32, #tpu.memory_space<vmem>>, vector<1x16xf32>,
      %scan3A_160 = arith.constant 0 : i32
      scf.yield %scan3A_160 : i32
    }
    %scan3A_6 = arith.constant 128 : i32
    %scan3A_7 = arith.constant 0 : i32
    %scan3A_8 = arith.constant 0 : i32
    %scan3A_9 = arith.constant 40 : i32
    %scan3A_10 = arith.addi %scan3A_8, %scan3A_9 : i32
    %scan3A_11 = arith.constant 1 : i32
    %scan3A_12 = scf.for %scan3A_138 = %scan3A_8 to %scan3A_10 step %scan3A_11 iter_args(%scan3A_139 = %scan3A_7) -> (i32)  : i32 {
      %mul3A_140 = arith.constant 16 : i32
      %mul3A_141 = arith.muli %scan3A_138, %mul3A_140 : i32
      %swap3A_142 = arith.index_cast %mul3A_141 : i32 to index
      %swap3A_143 = tpu.vector_load %arg12[%swap3A_142] {strides = array<i32>} : memref<640xf32, #tpu.memory_space<vmem>>, vector<16xf32>,
      %swap3A_144 = vector.shape_cast %swap3A_143 : vector<16xf32> to vector<16xf32>
      %swap3A_145 = vector.shape_cast %broadcast_in_dim3A_0 : vector<16xf32> to vector<16xf32>
      tpu.vector_store %arg12[%swap3A_142], %swap3A_145 {strides = array<i32>} : memref<640xf32, #tpu.memory_space<vmem>>, vector<16xf32>,
      %scan3A_146 = arith.constant 0 : i32
      scf.yield %scan3A_146 : i32
    }
    %scan3A_13 = arith.constant 40 : i32
    %broadcast_in_dim3A_14 = arith.constant 1.000000e+00 : f32
    %broadcast_in_dim3A_15 = vector.broadcast %broadcast_in_dim3A_14 : f32 to vector<16xf32>
    %swap3A = arith.constant 0 : index
    %swap3A_16 = tpu.vector_load %arg11[%swap3A] {strides = array<i32>} : memref<128xf32, #tpu.memory_space<vmem>>, vector<16xf32>,
    %swap3A_17 = vector.shape_cast %swap3A_16 : vector<16xf32> to vector<16xf32>
    %swap3A_18 = vector.shape_cast %broadcast_in_dim3A_15 : vector<16xf32> to vector<16xf32>
    tpu.vector_store %arg11[%swap3A], %swap3A_18 {strides = array<i32>} : memref<128xf32, #tpu.memory_space<vmem>>, vector<16xf32>,
    %broadcast_in_dim3A_19 = arith.constant 1.000000e+00 : f32
    %broadcast_in_dim3A_20 = vector.broadcast %broadcast_in_dim3A_19 : f32 to vector<16xf32>
    %swap3A_21 = arith.constant 16 : index
    %swap3A_22 = tpu.vector_load %arg11[%swap3A_21] {strides = array<i32>} : memref<128xf32, #tpu.memory_space<vmem>>, vector<16xf32>,
    %swap3A_23 = vector.shape_cast %swap3A_22 : vector<16xf32> to vector<16xf32>
    %swap3A_24 = vector.shape_cast %broadcast_in_dim3A_20 : vector<16xf32> to vector<16xf32>
    tpu.vector_store %arg11[%swap3A_21], %swap3A_24 {strides = array<i32>} : memref<128xf32, #tpu.memory_space<vmem>>, vector<16xf32>,
    %broadcast_in_dim3A_25 = arith.constant 1.000000e+00 : f32
    %broadcast_in_dim3A_26 = vector.broadcast %broadcast_in_dim3A_25 : f32 to vector<16xf32>
    %swap3A_27 = arith.constant 32 : index
    %swap3A_28 = tpu.vector_load %arg11[%swap3A_27] {strides = array<i32>} : memref<128xf32, #tpu.memory_space<vmem>>, vector<16xf32>,
    %swap3A_29 = vector.shape_cast %swap3A_28 : vector<16xf32> to vector<16xf32>
    %swap3A_30 = vector.shape_cast %broadcast_in_dim3A_26 : vector<16xf32> to vector<16xf32>
    tpu.vector_store %arg11[%swap3A_27], %swap3A_30 {strides = array<i32>} : memref<128xf32, #tpu.memory_space<vmem>>, vector<16xf32>,
    %broadcast_in_dim3A_31 = arith.constant 1.000000e+00 : f32
    %broadcast_in_dim3A_32 = vector.broadcast %broadcast_in_dim3A_31 : f32 to vector<16xf32>
    %swap3A_33 = arith.constant 48 : index
    %swap3A_34 = tpu.vector_load %arg11[%swap3A_33] {strides = array<i32>} : memref<128xf32, #tpu.memory_space<vmem>>, vector<16xf32>,
    %swap3A_35 = vector.shape_cast %swap3A_34 : vector<16xf32> to vector<16xf32>
    %swap3A_36 = vector.shape_cast %broadcast_in_dim3A_32 : vector<16xf32> to vector<16xf32>
    tpu.vector_store %arg11[%swap3A_33], %swap3A_36 {strides = array<i32>} : memref<128xf32, #tpu.memory_space<vmem>>, vector<16xf32>,
    %broadcast_in_dim3A_37 = arith.constant 1.000000e+00 : f32
    %broadcast_in_dim3A_38 = vector.broadcast %broadcast_in_dim3A_37 : f32 to vector<16xf32>
    %swap3A_39 = arith.constant 64 : index
    %swap3A_40 = tpu.vector_load %arg11[%swap3A_39] {strides = array<i32>} : memref<128xf32, #tpu.memory_space<vmem>>, vector<16xf32>,
    %swap3A_41 = vector.shape_cast %swap3A_40 : vector<16xf32> to vector<16xf32>
    %swap3A_42 = vector.shape_cast %broadcast_in_dim3A_38 : vector<16xf32> to vector<16xf32>
    tpu.vector_store %arg11[%swap3A_39], %swap3A_42 {strides = array<i32>} : memref<128xf32, #tpu.memory_space<vmem>>, vector<16xf32>,
    %broadcast_in_dim3A_43 = arith.constant 1.000000e+00 : f32
    %broadcast_in_dim3A_44 = vector.broadcast %broadcast_in_dim3A_43 : f32 to vector<16xf32>
    %swap3A_45 = arith.constant 80 : index
    %swap3A_46 = tpu.vector_load %arg11[%swap3A_45] {strides = array<i32>} : memref<128xf32, #tpu.memory_space<vmem>>, vector<16xf32>,
    %swap3A_47 = vector.shape_cast %swap3A_46 : vector<16xf32> to vector<16xf32>
    %swap3A_48 = vector.shape_cast %broadcast_in_dim3A_44 : vector<16xf32> to vector<16xf32>
    tpu.vector_store %arg11[%swap3A_45], %swap3A_48 {strides = array<i32>} : memref<128xf32, #tpu.memory_space<vmem>>, vector<16xf32>,
    %broadcast_in_dim3A_49 = arith.constant 1.000000e+00 : f32
    %broadcast_in_dim3A_50 = vector.broadcast %broadcast_in_dim3A_49 : f32 to vector<16xf32>
    %swap3A_51 = arith.constant 96 : index
    %swap3A_52 = tpu.vector_load %arg11[%swap3A_51] {strides = array<i32>} : memref<128xf32, #tpu.memory_space<vmem>>, vector<16xf32>,
    %swap3A_53 = vector.shape_cast %swap3A_52 : vector<16xf32> to vector<16xf32>
    %swap3A_54 = vector.shape_cast %broadcast_in_dim3A_50 : vector<16xf32> to vector<16xf32>
    tpu.vector_store %arg11[%swap3A_51], %swap3A_54 {strides = array<i32>} : memref<128xf32, #tpu.memory_space<vmem>>, vector<16xf32>,
    %broadcast_in_dim3A_55 = arith.constant 1.000000e+00 : f32
    %broadcast_in_dim3A_56 = vector.broadcast %broadcast_in_dim3A_55 : f32 to vector<16xf32>
    %swap3A_57 = arith.constant 112 : index
    %swap3A_58 = tpu.vector_load %arg11[%swap3A_57] {strides = array<i32>} : memref<128xf32, #tpu.memory_space<vmem>>, vector<16xf32>,
    %swap3A_59 = vector.shape_cast %swap3A_58 : vector<16xf32> to vector<16xf32>
    %swap3A_60 = vector.shape_cast %broadcast_in_dim3A_56 : vector<16xf32> to vector<16xf32>
    tpu.vector_store %arg11[%swap3A_57], %swap3A_60 {strides = array<i32>} : memref<128xf32, #tpu.memory_space<vmem>>, vector<16xf32>,
    %mul3A = arith.constant 640 : i32
    %mul3A_61 = arith.muli %arg1, %mul3A : i32
    %add3A = arith.constant 0 : i32
    %add3A_62 = arith.addi %mul3A_61, %add3A : i32
    "tpu.region"() ({
      %run_scoped3A = tpu.sem_alloc : memref<!tpu.dma_semaphore, #tpu.memory_space<semaphore_mem>>
      %dma_start3A_138 = arith.constant 0 : i32
      %dma_start3A_139 = tpu.memref_slice %arg14[%add3A_62, %dma_start3A_138] : memref<10240x64xf32, #tpu.memory_space<vmem_shared>> -> memref<128x64xf32, #tpu.memory_space<vmem_shared>>
      %dma_start3A_140 = arith.constant 0 : i32
      %dma_start3A_141 = tpu.memref_slice %arg14[%add3A_62, %dma_start3A_140] : memref<10240x64xf32, #tpu.memory_space<vmem_shared>> -> memref<128x64xf32, #tpu.memory_space<vmem_shared>>
      tpu.enqueue_dma source(%arg9 : memref<128x64xf32, #tpu.memory_space<vmem>>) target(%dma_start3A_141 : memref<128x64xf32, #tpu.memory_space<vmem_shared>>) target_semaphore(%run_scoped3A : memref<!tpu.dma_semaphore, #tpu.memory_space<semaphore_mem>>)
      %dma_wait3A_142 = arith.constant 0 : i32
      %dma_wait3A_143 = tpu.memref_slice %arg14[%add3A_62, %dma_wait3A_142] : memref<10240x64xf32, #tpu.memory_space<vmem_shared>> -> memref<128x64xf32, #tpu.memory_space<vmem_shared>>
      %dma_wait3A_144 = arith.constant 0 : i32
      %dma_wait3A_145 = tpu.memref_slice %arg14[%add3A_62, %dma_wait3A_144] : memref<10240x64xf32, #tpu.memory_space<vmem_shared>> -> memref<128x64xf32, #tpu.memory_space<vmem_shared>>
      tpu.wait_dma2 semaphore(%run_scoped3A : memref<!tpu.dma_semaphore, #tpu.memory_space<semaphore_mem>>) src(%arg9 : memref<128x64xf32, #tpu.memory_space<vmem>>) dst(%dma_wait3A_145 : memref<128x64xf32, #tpu.memory_space<vmem_shared>>)
      tpu.yield
    }) : () -> ()
    %add3A_63 = arith.constant 128 : i32
    %add3A_64 = arith.addi %mul3A_61, %add3A_63 : i32
    "tpu.region"() ({
      %run_scoped3A = tpu.sem_alloc : memref<!tpu.dma_semaphore, #tpu.memory_space<semaphore_mem>>
      %dma_start3A_138 = arith.constant 0 : i32
      %dma_start3A_139 = tpu.memref_slice %arg14[%add3A_64, %dma_start3A_138] : memref<10240x64xf32, #tpu.memory_space<vmem_shared>> -> memref<128x64xf32, #tpu.memory_space<vmem_shared>>
      %dma_start3A_140 = arith.constant 0 : i32
      %dma_start3A_141 = tpu.memref_slice %arg14[%add3A_64, %dma_start3A_140] : memref<10240x64xf32, #tpu.memory_space<vmem_shared>> -> memref<128x64xf32, #tpu.memory_space<vmem_shared>>
      tpu.enqueue_dma source(%arg9 : memref<128x64xf32, #tpu.memory_space<vmem>>) target(%dma_start3A_141 : memref<128x64xf32, #tpu.memory_space<vmem_shared>>) target_semaphore(%run_scoped3A : memref<!tpu.dma_semaphore, #tpu.memory_space<semaphore_mem>>)
      %dma_wait3A_142 = arith.constant 0 : i32
      %dma_wait3A_143 = tpu.memref_slice %arg14[%add3A_64, %dma_wait3A_142] : memref<10240x64xf32, #tpu.memory_space<vmem_shared>> -> memref<128x64xf32, #tpu.memory_space<vmem_shared>>
      %dma_wait3A_144 = arith.constant 0 : i32
      %dma_wait3A_145 = tpu.memref_slice %arg14[%add3A_64, %dma_wait3A_144] : memref<10240x64xf32, #tpu.memory_space<vmem_shared>> -> memref<128x64xf32, #tpu.memory_space<vmem_shared>>
      tpu.wait_dma2 semaphore(%run_scoped3A : memref<!tpu.dma_semaphore, #tpu.memory_space<semaphore_mem>>) src(%arg9 : memref<128x64xf32, #tpu.memory_space<vmem>>) dst(%dma_wait3A_145 : memref<128x64xf32, #tpu.memory_space<vmem_shared>>)
      tpu.yield
    }) : () -> ()
    %add3A_65 = arith.constant 256 : i32
    %add3A_66 = arith.addi %mul3A_61, %add3A_65 : i32
    "tpu.region"() ({
      %run_scoped3A = tpu.sem_alloc : memref<!tpu.dma_semaphore, #tpu.memory_space<semaphore_mem>>
      %dma_start3A_138 = arith.constant 0 : i32
      %dma_start3A_139 = tpu.memref_slice %arg14[%add3A_66, %dma_start3A_138] : memref<10240x64xf32, #tpu.memory_space<vmem_shared>> -> memref<128x64xf32, #tpu.memory_space<vmem_shared>>
      %dma_start3A_140 = arith.constant 0 : i32
      %dma_start3A_141 = tpu.memref_slice %arg14[%add3A_66, %dma_start3A_140] : memref<10240x64xf32, #tpu.memory_space<vmem_shared>> -> memref<128x64xf32, #tpu.memory_space<vmem_shared>>
      tpu.enqueue_dma source(%arg9 : memref<128x64xf32, #tpu.memory_space<vmem>>) target(%dma_start3A_141 : memref<128x64xf32, #tpu.memory_space<vmem_shared>>) target_semaphore(%run_scoped3A : memref<!tpu.dma_semaphore, #tpu.memory_space<semaphore_mem>>)
      %dma_wait3A_142 = arith.constant 0 : i32
      %dma_wait3A_143 = tpu.memref_slice %arg14[%add3A_66, %dma_wait3A_142] : memref<10240x64xf32, #tpu.memory_space<vmem_shared>> -> memref<128x64xf32, #tpu.memory_space<vmem_shared>>
      %dma_wait3A_144 = arith.constant 0 : i32
      %dma_wait3A_145 = tpu.memref_slice %arg14[%add3A_66, %dma_wait3A_144] : memref<10240x64xf32, #tpu.memory_space<vmem_shared>> -> memref<128x64xf32, #tpu.memory_space<vmem_shared>>
      tpu.wait_dma2 semaphore(%run_scoped3A : memref<!tpu.dma_semaphore, #tpu.memory_space<semaphore_mem>>) src(%arg9 : memref<128x64xf32, #tpu.memory_space<vmem>>) dst(%dma_wait3A_145 : memref<128x64xf32, #tpu.memory_space<vmem_shared>>)
      tpu.yield
    }) : () -> ()
    %add3A_67 = arith.constant 384 : i32
    %add3A_68 = arith.addi %mul3A_61, %add3A_67 : i32
    "tpu.region"() ({
      %run_scoped3A = tpu.sem_alloc : memref<!tpu.dma_semaphore, #tpu.memory_space<semaphore_mem>>
      %dma_start3A_138 = arith.constant 0 : i32
      %dma_start3A_139 = tpu.memref_slice %arg14[%add3A_68, %dma_start3A_138] : memref<10240x64xf32, #tpu.memory_space<vmem_shared>> -> memref<128x64xf32, #tpu.memory_space<vmem_shared>>
      %dma_start3A_140 = arith.constant 0 : i32
      %dma_start3A_141 = tpu.memref_slice %arg14[%add3A_68, %dma_start3A_140] : memref<10240x64xf32, #tpu.memory_space<vmem_shared>> -> memref<128x64xf32, #tpu.memory_space<vmem_shared>>
      tpu.enqueue_dma source(%arg9 : memref<128x64xf32, #tpu.memory_space<vmem>>) target(%dma_start3A_141 : memref<128x64xf32, #tpu.memory_space<vmem_shared>>) target_semaphore(%run_scoped3A : memref<!tpu.dma_semaphore, #tpu.memory_space<semaphore_mem>>)
      %dma_wait3A_142 = arith.constant 0 : i32
      %dma_wait3A_143 = tpu.memref_slice %arg14[%add3A_68, %dma_wait3A_142] : memref<10240x64xf32, #tpu.memory_space<vmem_shared>> -> memref<128x64xf32, #tpu.memory_space<vmem_shared>>
      %dma_wait3A_144 = arith.constant 0 : i32
      %dma_wait3A_145 = tpu.memref_slice %arg14[%add3A_68, %dma_wait3A_144] : memref<10240x64xf32, #tpu.memory_space<vmem_shared>> -> memref<128x64xf32, #tpu.memory_space<vmem_shared>>
      tpu.wait_dma2 semaphore(%run_scoped3A : memref<!tpu.dma_semaphore, #tpu.memory_space<semaphore_mem>>) src(%arg9 : memref<128x64xf32, #tpu.memory_space<vmem>>) dst(%dma_wait3A_145 : memref<128x64xf32, #tpu.memory_space<vmem_shared>>)
      tpu.yield
    }) : () -> ()
    %add3A_69 = arith.constant 512 : i32
    %add3A_70 = arith.addi %mul3A_61, %add3A_69 : i32
    "tpu.region"() ({
      %run_scoped3A = tpu.sem_alloc : memref<!tpu.dma_semaphore, #tpu.memory_space<semaphore_mem>>
      %dma_start3A_138 = arith.constant 0 : i32
      %dma_start3A_139 = tpu.memref_slice %arg14[%add3A_70, %dma_start3A_138] : memref<10240x64xf32, #tpu.memory_space<vmem_shared>> -> memref<128x64xf32, #tpu.memory_space<vmem_shared>>
      %dma_start3A_140 = arith.constant 0 : i32
      %dma_start3A_141 = tpu.memref_slice %arg14[%add3A_70, %dma_start3A_140] : memref<10240x64xf32, #tpu.memory_space<vmem_shared>> -> memref<128x64xf32, #tpu.memory_space<vmem_shared>>
      tpu.enqueue_dma source(%arg9 : memref<128x64xf32, #tpu.memory_space<vmem>>) target(%dma_start3A_141 : memref<128x64xf32, #tpu.memory_space<vmem_shared>>) target_semaphore(%run_scoped3A : memref<!tpu.dma_semaphore, #tpu.memory_space<semaphore_mem>>)
      %dma_wait3A_142 = arith.constant 0 : i32
      %dma_wait3A_143 = tpu.memref_slice %arg14[%add3A_70, %dma_wait3A_142] : memref<10240x64xf32, #tpu.memory_space<vmem_shared>> -> memref<128x64xf32, #tpu.memory_space<vmem_shared>>
      %dma_wait3A_144 = arith.constant 0 : i32
      %dma_wait3A_145 = tpu.memref_slice %arg14[%add3A_70, %dma_wait3A_144] : memref<10240x64xf32, #tpu.memory_space<vmem_shared>> -> memref<128x64xf32, #tpu.memory_space<vmem_shared>>
      tpu.wait_dma2 semaphore(%run_scoped3A : memref<!tpu.dma_semaphore, #tpu.memory_space<semaphore_mem>>) src(%arg9 : memref<128x64xf32, #tpu.memory_space<vmem>>) dst(%dma_wait3A_145 : memref<128x64xf32, #tpu.memory_space<vmem_shared>>)
      tpu.yield
    }) : () -> ()
    "tpu.region"() ({
      %run_scoped3A = tpu.sem_alloc : memref<!tpu.dma_semaphore, #tpu.memory_space<semaphore_mem>>
      %dma_start3A_138 = tpu.memref_slice %arg15[%mul3A_61] : memref<10240xf32, #tpu.memory_space<vmem_shared>> -> memref<640xf32, #tpu.memory_space<vmem_shared>>
      %dma_start3A_139 = tpu.memref_slice %arg15[%mul3A_61] : memref<10240xf32, #tpu.memory_space<vmem_shared>> -> memref<640xf32, #tpu.memory_space<vmem_shared>>
      tpu.enqueue_dma source(%arg12 : memref<640xf32, #tpu.memory_space<vmem>>) target(%dma_start3A_139 : memref<640xf32, #tpu.memory_space<vmem_shared>>) target_semaphore(%run_scoped3A : memref<!tpu.dma_semaphore, #tpu.memory_space<semaphore_mem>>)
      %dma_wait3A_140 = tpu.memref_slice %arg15[%mul3A_61] : memref<10240xf32, #tpu.memory_space<vmem_shared>> -> memref<640xf32, #tpu.memory_space<vmem_shared>>
      %dma_wait3A_141 = tpu.memref_slice %arg15[%mul3A_61] : memref<10240xf32, #tpu.memory_space<vmem_shared>> -> memref<640xf32, #tpu.memory_space<vmem_shared>>
      tpu.wait_dma2 semaphore(%run_scoped3A : memref<!tpu.dma_semaphore, #tpu.memory_space<semaphore_mem>>) src(%arg12 : memref<640xf32, #tpu.memory_space<vmem>>) dst(%dma_wait3A_141 : memref<640xf32, #tpu.memory_space<vmem_shared>>)
      tpu.yield
    }) : () -> ()
    %mul3A_71 = arith.constant 64 : i32
    %mul3A_72 = arith.muli %arg0, %mul3A_71 : i32
    "tpu.region"() ({
      %run_scoped3A = tpu.sem_alloc : memref<!tpu.dma_semaphore, #tpu.memory_space<semaphore_mem>>
      %dma_start3A_138 = arith.constant 0 : i32
      %dma_start3A_139 = tpu.memref_slice %arg13[%mul3A_61, %dma_start3A_138] : memref<10240x64xf32, #tpu.memory_space<vmem_shared>> -> memref<640x64xf32, #tpu.memory_space<vmem_shared>>
      %dma_start3A_140 = tpu.memref_slice %arg2[%mul3A_61, %mul3A_72] : memref<10240x128xf32, #tpu.memory_space<hbm>> -> memref<640x64xf32, #tpu.memory_space<hbm>>
      tpu.enqueue_dma source(%dma_start3A_140 : memref<640x64xf32, #tpu.memory_space<hbm>>) target(%dma_start3A_139 : memref<640x64xf32, #tpu.memory_space<vmem_shared>>) target_semaphore(%run_scoped3A : memref<!tpu.dma_semaphore, #tpu.memory_space<semaphore_mem>>)
      %dma_wait3A_141 = arith.constant 0 : i32
      %dma_wait3A_142 = tpu.memref_slice %arg13[%mul3A_61, %dma_wait3A_141] : memref<10240x64xf32, #tpu.memory_space<vmem_shared>> -> memref<640x64xf32, #tpu.memory_space<vmem_shared>>
      %dma_wait3A_143 = tpu.memref_slice %arg2[%mul3A_61, %mul3A_72] : memref<10240x128xf32, #tpu.memory_space<hbm>> -> memref<640x64xf32, #tpu.memory_space<hbm>>
      tpu.wait_dma2 semaphore(%run_scoped3A : memref<!tpu.dma_semaphore, #tpu.memory_space<semaphore_mem>>) src(%dma_wait3A_143 : memref<640x64xf32, #tpu.memory_space<hbm>>) dst(%dma_wait3A_142 : memref<640x64xf32, #tpu.memory_space<vmem_shared>>)
      tpu.yield
    }) : () -> ()
    %barrier3A = arith.constant 0 : index
    tpu.barrier barrier_id(%barrier3A)
    "tpu.region"() ({
      %run_scoped3A = tpu.sem_alloc : memref<!tpu.dma_semaphore, #tpu.memory_space<semaphore_mem>>
      %dma_start3A_138 = arith.constant 0 : i32
      %dma_start3A_139 = arith.constant 0 : i32
      %dma_start3A_140 = tpu.memref_slice %arg3[%arg1, %dma_start3A_138, %dma_start3A_139] : memref<16x160x128xi32, #tpu.memory_space<hbm>> -> memref<1x80x128xi32, #tpu.memory_space<hbm>>
      %dma_start3A_141 = tpu.memref_squeeze %dma_start3A_140 : memref<1x80x128xi32, #tpu.memory_space<hbm>> -> memref<80x128xi32, #tpu.memory_space<hbm>>
      %dma_start3A_142 = arith.constant 0 : i32
      %dma_start3A_143 = arith.constant 0 : i32
      %dma_start3A_144 = tpu.memref_slice %arg3[%arg1, %dma_start3A_142, %dma_start3A_143] : memref<16x160x128xi32, #tpu.memory_space<hbm>> -> memref<1x80x128xi32, #tpu.memory_space<hbm>>
      %dma_start3A_145 = tpu.memref_squeeze %dma_start3A_144 : memref<1x80x128xi32, #tpu.memory_space<hbm>> -> memref<80x128xi32, #tpu.memory_space<hbm>>
      tpu.enqueue_dma source(%dma_start3A_145 : memref<80x128xi32, #tpu.memory_space<hbm>>) target(%arg7 : memref<80x128xi32, #tpu.memory_space<vmem>>) target_semaphore(%run_scoped3A : memref<!tpu.dma_semaphore, #tpu.memory_space<semaphore_mem>>)
      %dma_wait3A_146 = arith.constant 0 : i32
      %dma_wait3A_147 = arith.constant 0 : i32
      %dma_wait3A_148 = tpu.memref_slice %arg3[%arg1, %dma_wait3A_146, %dma_wait3A_147] : memref<16x160x128xi32, #tpu.memory_space<hbm>> -> memref<1x80x128xi32, #tpu.memory_space<hbm>>
      %dma_wait3A_149 = tpu.memref_squeeze %dma_wait3A_148 : memref<1x80x128xi32, #tpu.memory_space<hbm>> -> memref<80x128xi32, #tpu.memory_space<hbm>>
      %dma_wait3A_150 = arith.constant 0 : i32
      %dma_wait3A_151 = arith.constant 0 : i32
      %dma_wait3A_152 = tpu.memref_slice %arg3[%arg1, %dma_wait3A_150, %dma_wait3A_151] : memref<16x160x128xi32, #tpu.memory_space<hbm>> -> memref<1x80x128xi32, #tpu.memory_space<hbm>>
      %dma_wait3A_153 = tpu.memref_squeeze %dma_wait3A_152 : memref<1x80x128xi32, #tpu.memory_space<hbm>> -> memref<80x128xi32, #tpu.memory_space<hbm>>
      tpu.wait_dma2 semaphore(%run_scoped3A : memref<!tpu.dma_semaphore, #tpu.memory_space<semaphore_mem>>) src(%dma_wait3A_153 : memref<80x128xi32, #tpu.memory_space<hbm>>) dst(%arg7 : memref<80x128xi32, #tpu.memory_space<vmem>>)
      tpu.yield
    }) : () -> ()
    "tpu.region"() ({
      %run_scoped3A = tpu.sem_alloc : memref<!tpu.dma_semaphore, #tpu.memory_space<semaphore_mem>>
      %dma_start3A_138 = arith.constant 0 : i32
      %dma_start3A_139 = arith.constant 0 : i32
      %dma_start3A_140 = tpu.memref_slice %arg4[%arg1, %dma_start3A_138, %dma_start3A_139] : memref<16x160x128xi32, #tpu.memory_space<hbm>> -> memref<1x80x128xi32, #tpu.memory_space<hbm>>
      %dma_start3A_141 = tpu.memref_squeeze %dma_start3A_140 : memref<1x80x128xi32, #tpu.memory_space<hbm>> -> memref<80x128xi32, #tpu.memory_space<hbm>>
      %dma_start3A_142 = arith.constant 0 : i32
      %dma_start3A_143 = arith.constant 0 : i32
      %dma_start3A_144 = tpu.memref_slice %arg4[%arg1, %dma_start3A_142, %dma_start3A_143] : memref<16x160x128xi32, #tpu.memory_space<hbm>> -> memref<1x80x128xi32, #tpu.memory_space<hbm>>
      %dma_start3A_145 = tpu.memref_squeeze %dma_start3A_144 : memref<1x80x128xi32, #tpu.memory_space<hbm>> -> memref<80x128xi32, #tpu.memory_space<hbm>>
      tpu.enqueue_dma source(%dma_start3A_145 : memref<80x128xi32, #tpu.memory_space<hbm>>) target(%arg8 : memref<80x128xi32, #tpu.memory_space<vmem>>) target_semaphore(%run_scoped3A : memref<!tpu.dma_semaphore, #tpu.memory_space<semaphore_mem>>)
      %dma_wait3A_146 = arith.constant 0 : i32
      %dma_wait3A_147 = arith.constant 0 : i32
      %dma_wait3A_148 = tpu.memref_slice %arg4[%arg1, %dma_wait3A_146, %dma_wait3A_147] : memref<16x160x128xi32, #tpu.memory_space<hbm>> -> memref<1x80x128xi32, #tpu.memory_space<hbm>>
      %dma_wait3A_149 = tpu.memref_squeeze %dma_wait3A_148 : memref<1x80x128xi32, #tpu.memory_space<hbm>> -> memref<80x128xi32, #tpu.memory_space<hbm>>
      %dma_wait3A_150 = arith.constant 0 : i32
      %dma_wait3A_151 = arith.constant 0 : i32
      %dma_wait3A_152 = tpu.memref_slice %arg4[%arg1, %dma_wait3A_150, %dma_wait3A_151] : memref<16x160x128xi32, #tpu.memory_space<hbm>> -> memref<1x80x128xi32, #tpu.memory_space<hbm>>
      %dma_wait3A_153 = tpu.memref_squeeze %dma_wait3A_152 : memref<1x80x128xi32, #tpu.memory_space<hbm>> -> memref<80x128xi32, #tpu.memory_space<hbm>>
      tpu.wait_dma2 semaphore(%run_scoped3A : memref<!tpu.dma_semaphore, #tpu.memory_space<semaphore_mem>>) src(%dma_wait3A_153 : memref<80x128xi32, #tpu.memory_space<hbm>>) dst(%arg8 : memref<80x128xi32, #tpu.memory_space<vmem>>)
      tpu.yield
    }) : () -> ()
    %dma_start3A = arith.constant 0 : i32
    %dma_start3A_73 = arith.constant 0 : i32
    %dma_start3A_74 = tpu.memref_slice %arg7[%dma_start3A, %dma_start3A_73] : memref<80x128xi32, #tpu.memory_space<vmem>> -> memref<1x128xi32, #tpu.memory_space<vmem>>
    %dma_start3A_75 = tpu.memref_squeeze %dma_start3A_74 : memref<1x128xi32, #tpu.memory_space<vmem>> -> memref<128xi32, #tpu.memory_space<vmem>>
    %dma_start3A_76 = arith.constant 0 : i32
    %dma_start3A_77 = arith.constant 0 : i32
    %dma_start3A_78 = tpu.memref_slice %arg13[%dma_start3A_76, %dma_start3A_77] : memref<10240x64xf32, #tpu.memory_space<vmem_shared>> -> memref<10240x64xf32, #tpu.memory_space<vmem_shared>>
    tpu.enqueue_indirect_dma source(%dma_start3A_78 : memref<10240x64xf32, #tpu.memory_space<vmem_shared>>) target(%arg9 : memref<128x64xf32, #tpu.memory_space<vmem>>) offsets(%dma_start3A_75 : memref<128xi32, #tpu.memory_space<vmem>>) semaphore(%arg16 : memref<!tpu.dma_semaphore, #tpu.memory_space<semaphore_mem>>)
    %scan3A_79 = arith.constant 0 : i32
    %scan3A_80 = arith.constant 0 : i32
    %scan3A_81 = arith.constant 40 : i32
    %scan3A_82 = arith.addi %scan3A_80, %scan3A_81 : i32
    %scan3A_83 = arith.constant 1 : i32
    %scan3A_84 = scf.for %scan3A_138 = %scan3A_80 to %scan3A_82 step %scan3A_83 iter_args(%scan3A_139 = %scan3A_79) -> (i32)  : i32 {
      %mul3A_140 = arith.constant 2 : i32
      %mul3A_141 = arith.muli %mul3A_140, %scan3A_138 : i32
      %add3A_142 = arith.constant 0 : i32
      %add3A_143 = arith.addi %mul3A_141, %add3A_142 : i32
      %dma_wait3A_144 = arith.constant 0 : i32
      %dma_wait3A_145 = tpu.memref_slice %arg7[%add3A_143, %dma_wait3A_144] : memref<80x128xi32, #tpu.memory_space<vmem>> -> memref<1x128xi32, #tpu.memory_space<vmem>>
      %dma_wait3A_146 = tpu.memref_squeeze %dma_wait3A_145 : memref<1x128xi32, #tpu.memory_space<vmem>> -> memref<128xi32, #tpu.memory_space<vmem>>
      %dma_wait3A_147 = arith.constant 0 : i32
      %dma_wait3A_148 = arith.constant 0 : i32
      %dma_wait3A_149 = tpu.memref_slice %arg13[%dma_wait3A_147, %dma_wait3A_148] : memref<10240x64xf32, #tpu.memory_space<vmem_shared>> -> memref<10240x64xf32, #tpu.memory_space<vmem_shared>>
      tpu.wait_indirect_dma semaphore(%arg16 : memref<!tpu.dma_semaphore, #tpu.memory_space<semaphore_mem>>) src(%dma_wait3A_149 : memref<10240x64xf32, #tpu.memory_space<vmem_shared>>) dst(%arg9 : memref<128x64xf32, #tpu.memory_space<vmem>>)
      %add3A_150 = arith.constant 1 : i32
      %add3A_151 = arith.addi %add3A_143, %add3A_150 : i32
      %lt3A = arith.constant 80 : i32
      %lt3A_152 = arith.cmpi slt, %add3A_151, %lt3A : i32
      %convert_element_type3A = arith.extui %lt3A_152 : i1 to i32
      %cond3A = arith.constant 0 : i32
      %cond3A_153 = arith.cmpi ne, %convert_element_type3A, %cond3A : i32
      scf.if %cond3A_153 {
        %ge3A = arith.constant 1 : i32
        %ge3A_193 = arith.cmpi sge, %add3A_143, %ge3A : i32
        %convert_element_type3A_194 = arith.extui %ge3A_193 : i1 to i32
        %cond3A_195 = arith.constant 0 : i32
        %cond3A_196 = arith.cmpi ne, %convert_element_type3A_194, %cond3A_195 : i32
        scf.if %cond3A_196 {
          %dma_wait3A_205 = arith.constant 0 : i32
          %dma_wait3A_206 = tpu.memref_slice %arg8[%add3A_143, %dma_wait3A_205] : memref<80x128xi32, #tpu.memory_space<vmem>> -> memref<1x128xi32, #tpu.memory_space<vmem>>
          %dma_wait3A_207 = tpu.memref_squeeze %dma_wait3A_206 : memref<1x128xi32, #tpu.memory_space<vmem>> -> memref<128xi32, #tpu.memory_space<vmem>>
          %dma_wait3A_208 = arith.constant 0 : i32
          %dma_wait3A_209 = arith.constant 0 : i32
          %dma_wait3A_210 = tpu.memref_slice %arg14[%dma_wait3A_208, %dma_wait3A_209] : memref<10240x64xf32, #tpu.memory_space<vmem_shared>> -> memref<10240x64xf32, #tpu.memory_space<vmem_shared>>
          tpu.wait_indirect_dma semaphore(%arg19 : memref<!tpu.dma_semaphore, #tpu.memory_space<semaphore_mem>>) src(%arg10 : memref<128x64xf32, #tpu.memory_space<vmem>>) dst(%dma_wait3A_210 : memref<10240x64xf32, #tpu.memory_space<vmem_shared>>)
        } else {
        }
        %add3A_197 = arith.constant 1 : i32
        %add3A_198 = arith.addi %add3A_143, %add3A_197 : i32
        %dma_start3A_199 = arith.constant 0 : i32
        %dma_start3A_200 = tpu.memref_slice %arg7[%add3A_198, %dma_start3A_199] : memref<80x128xi32, #tpu.memory_space<vmem>> -> memref<1x128xi32, #tpu.memory_space<vmem>>
        %dma_start3A_201 = tpu.memref_squeeze %dma_start3A_200 : memref<1x128xi32, #tpu.memory_space<vmem>> -> memref<128xi32, #tpu.memory_space<vmem>>
        %dma_start3A_202 = arith.constant 0 : i32
        %dma_start3A_203 = arith.constant 0 : i32
        %dma_start3A_204 = tpu.memref_slice %arg13[%dma_start3A_202, %dma_start3A_203] : memref<10240x64xf32, #tpu.memory_space<vmem_shared>> -> memref<10240x64xf32, #tpu.memory_space<vmem_shared>>
        tpu.enqueue_indirect_dma source(%dma_start3A_204 : memref<10240x64xf32, #tpu.memory_space<vmem_shared>>) target(%arg10 : memref<128x64xf32, #tpu.memory_space<vmem>>) offsets(%dma_start3A_201 : memref<128xi32, #tpu.memory_space<vmem>>) semaphore(%arg17 : memref<!tpu.dma_semaphore, #tpu.memory_space<semaphore_mem>>)
      } else {
      }
      %dma_start3A_154 = arith.constant 0 : i32
      %dma_start3A_155 = tpu.memref_slice %arg8[%add3A_143, %dma_start3A_154] : memref<80x128xi32, #tpu.memory_space<vmem>> -> memref<1x128xi32, #tpu.memory_space<vmem>>
      %dma_start3A_156 = tpu.memref_squeeze %dma_start3A_155 : memref<1x128xi32, #tpu.memory_space<vmem>> -> memref<128xi32, #tpu.memory_space<vmem>>
      %dma_start3A_157 = arith.constant 0 : i32
      %dma_start3A_158 = arith.constant 0 : i32
      %dma_start3A_159 = tpu.memref_slice %arg14[%dma_start3A_157, %dma_start3A_158] : memref<10240x64xf32, #tpu.memory_space<vmem_shared>> -> memref<10240x64xf32, #tpu.memory_space<vmem_shared>>
      tpu.enqueue_indirect_dma source(%arg9 : memref<128x64xf32, #tpu.memory_space<vmem>>) target(%dma_start3A_159 : memref<10240x64xf32, #tpu.memory_space<vmem_shared>>) offsets(%dma_start3A_156 : memref<128xi32, #tpu.memory_space<vmem>>) semaphore(%arg18 : memref<!tpu.dma_semaphore, #tpu.memory_space<semaphore_mem>>) {add = true}
      %eq3A = arith.constant 0 : i32
      %eq3A_160 = arith.cmpi eq, %arg0, %eq3A : i32
      %convert_element_type3A_161 = arith.extui %eq3A_160 : i1 to i32
      %cond3A_162 = arith.constant 0 : i32
      %cond3A_163 = arith.cmpi ne, %convert_element_type3A_161, %cond3A_162 : i32
      scf.if %cond3A_163 {
        "tpu.region"() ({
          %run_scoped3A = tpu.sem_alloc : memref<!tpu.dma_semaphore, #tpu.memory_space<semaphore_mem>>
          %dma_start3A_193 = arith.constant 0 : i32
          %dma_start3A_194 = tpu.memref_slice %arg8[%add3A_143, %dma_start3A_193] : memref<80x128xi32, #tpu.memory_space<vmem>> -> memref<1x128xi32, #tpu.memory_space<vmem>>
          %dma_start3A_195 = tpu.memref_squeeze %dma_start3A_194 : memref<1x128xi32, #tpu.memory_space<vmem>> -> memref<128xi32, #tpu.memory_space<vmem>>
          %dma_start3A_196 = arith.constant 0 : i32
          %dma_start3A_197 = tpu.memref_slice %arg15[%dma_start3A_196] : memref<10240xf32, #tpu.memory_space<vmem_shared>> -> memref<10240xf32, #tpu.memory_space<vmem_shared>>
          tpu.enqueue_indirect_dma source(%arg11 : memref<128xf32, #tpu.memory_space<vmem>>) target(%dma_start3A_197 : memref<10240xf32, #tpu.memory_space<vmem_shared>>) offsets(%dma_start3A_195 : memref<128xi32, #tpu.memory_space<vmem>>) semaphore(%run_scoped3A : memref<!tpu.dma_semaphore, #tpu.memory_space<semaphore_mem>>) {add = true}
          %dma_wait3A_198 = arith.constant 0 : i32
          %dma_wait3A_199 = tpu.memref_slice %arg8[%add3A_143, %dma_wait3A_198] : memref<80x128xi32, #tpu.memory_space<vmem>> -> memref<1x128xi32, #tpu.memory_space<vmem>>
          %dma_wait3A_200 = tpu.memref_squeeze %dma_wait3A_199 : memref<1x128xi32, #tpu.memory_space<vmem>> -> memref<128xi32, #tpu.memory_space<vmem>>
          %dma_wait3A_201 = arith.constant 0 : i32
          %dma_wait3A_202 = tpu.memref_slice %arg15[%dma_wait3A_201] : memref<10240xf32, #tpu.memory_space<vmem_shared>> -> memref<10240xf32, #tpu.memory_space<vmem_shared>>
          tpu.wait_indirect_dma semaphore(%run_scoped3A : memref<!tpu.dma_semaphore, #tpu.memory_space<semaphore_mem>>) src(%arg11 : memref<128xf32, #tpu.memory_space<vmem>>) dst(%dma_wait3A_202 : memref<10240xf32, #tpu.memory_space<vmem_shared>>)
          tpu.yield
        }) : () -> ()
      } else {
      }
      %mul3A_164 = arith.constant 2 : i32
      %mul3A_165 = arith.muli %mul3A_164, %scan3A_138 : i32
      %add3A_166 = arith.constant 1 : i32
      %add3A_167 = arith.addi %mul3A_165, %add3A_166 : i32
      %dma_wait3A_168 = arith.constant 0 : i32
      %dma_wait3A_169 = tpu.memref_slice %arg7[%add3A_167, %dma_wait3A_168] : memref<80x128xi32, #tpu.memory_space<vmem>> -> memref<1x128xi32, #tpu.memory_space<vmem>>
      %dma_wait3A_170 = tpu.memref_squeeze %dma_wait3A_169 : memref<1x128xi32, #tpu.memory_space<vmem>> -> memref<128xi32, #tpu.memory_space<vmem>>
      %dma_wait3A_171 = arith.constant 0 : i32
      %dma_wait3A_172 = arith.constant 0 : i32
      %dma_wait3A_173 = tpu.memref_slice %arg13[%dma_wait3A_171, %dma_wait3A_172] : memref<10240x64xf32, #tpu.memory_space<vmem_shared>> -> memref<10240x64xf32, #tpu.memory_space<vmem_shared>>
      tpu.wait_indirect_dma semaphore(%arg17 : memref<!tpu.dma_semaphore, #tpu.memory_space<semaphore_mem>>) src(%dma_wait3A_173 : memref<10240x64xf32, #tpu.memory_space<vmem_shared>>) dst(%arg10 : memref<128x64xf32, #tpu.memory_space<vmem>>)
      %add3A_174 = arith.constant 1 : i32
      %add3A_175 = arith.addi %add3A_167, %add3A_174 : i32
      %lt3A_176 = arith.constant 80 : i32
      %lt3A_177 = arith.cmpi slt, %add3A_175, %lt3A_176 : i32
      %convert_element_type3A_178 = arith.extui %lt3A_177 : i1 to i32
      %cond3A_179 = arith.constant 0 : i32
      %cond3A_180 = arith.cmpi ne, %convert_element_type3A_178, %cond3A_179 : i32
      scf.if %cond3A_180 {
        %ge3A = arith.constant 1 : i32
        %ge3A_193 = arith.cmpi sge, %add3A_167, %ge3A : i32
        %convert_element_type3A_194 = arith.extui %ge3A_193 : i1 to i32
        %cond3A_195 = arith.constant 0 : i32
        %cond3A_196 = arith.cmpi ne, %convert_element_type3A_194, %cond3A_195 : i32
        scf.if %cond3A_196 {
          %dma_wait3A_205 = arith.constant 0 : i32
          %dma_wait3A_206 = tpu.memref_slice %arg8[%add3A_167, %dma_wait3A_205] : memref<80x128xi32, #tpu.memory_space<vmem>> -> memref<1x128xi32, #tpu.memory_space<vmem>>
          %dma_wait3A_207 = tpu.memref_squeeze %dma_wait3A_206 : memref<1x128xi32, #tpu.memory_space<vmem>> -> memref<128xi32, #tpu.memory_space<vmem>>
          %dma_wait3A_208 = arith.constant 0 : i32
          %dma_wait3A_209 = arith.constant 0 : i32
          %dma_wait3A_210 = tpu.memref_slice %arg14[%dma_wait3A_208, %dma_wait3A_209] : memref<10240x64xf32, #tpu.memory_space<vmem_shared>> -> memref<10240x64xf32, #tpu.memory_space<vmem_shared>>
          tpu.wait_indirect_dma semaphore(%arg18 : memref<!tpu.dma_semaphore, #tpu.memory_space<semaphore_mem>>) src(%arg9 : memref<128x64xf32, #tpu.memory_space<vmem>>) dst(%dma_wait3A_210 : memref<10240x64xf32, #tpu.memory_space<vmem_shared>>)
        } else {
        }
        %add3A_197 = arith.constant 1 : i32
        %add3A_198 = arith.addi %add3A_167, %add3A_197 : i32
        %dma_start3A_199 = arith.constant 0 : i32
        %dma_start3A_200 = tpu.memref_slice %arg7[%add3A_198, %dma_start3A_199] : memref<80x128xi32, #tpu.memory_space<vmem>> -> memref<1x128xi32, #tpu.memory_space<vmem>>
        %dma_start3A_201 = tpu.memref_squeeze %dma_start3A_200 : memref<1x128xi32, #tpu.memory_space<vmem>> -> memref<128xi32, #tpu.memory_space<vmem>>
        %dma_start3A_202 = arith.constant 0 : i32
        %dma_start3A_203 = arith.constant 0 : i32
        %dma_start3A_204 = tpu.memref_slice %arg13[%dma_start3A_202, %dma_start3A_203] : memref<10240x64xf32, #tpu.memory_space<vmem_shared>> -> memref<10240x64xf32, #tpu.memory_space<vmem_shared>>
        tpu.enqueue_indirect_dma source(%dma_start3A_204 : memref<10240x64xf32, #tpu.memory_space<vmem_shared>>) target(%arg9 : memref<128x64xf32, #tpu.memory_space<vmem>>) offsets(%dma_start3A_201 : memref<128xi32, #tpu.memory_space<vmem>>) semaphore(%arg16 : memref<!tpu.dma_semaphore, #tpu.memory_space<semaphore_mem>>)
      } else {
      }
      %dma_start3A_181 = arith.constant 0 : i32
      %dma_start3A_182 = tpu.memref_slice %arg8[%add3A_167, %dma_start3A_181] : memref<80x128xi32, #tpu.memory_space<vmem>> -> memref<1x128xi32, #tpu.memory_space<vmem>>
      %dma_start3A_183 = tpu.memref_squeeze %dma_start3A_182 : memref<1x128xi32, #tpu.memory_space<vmem>> -> memref<128xi32, #tpu.memory_space<vmem>>
      %dma_start3A_184 = arith.constant 0 : i32
      %dma_start3A_185 = arith.constant 0 : i32
      %dma_start3A_186 = tpu.memref_slice %arg14[%dma_start3A_184, %dma_start3A_185] : memref<10240x64xf32, #tpu.memory_space<vmem_shared>> -> memref<10240x64xf32, #tpu.memory_space<vmem_shared>>
      tpu.enqueue_indirect_dma source(%arg10 : memref<128x64xf32, #tpu.memory_space<vmem>>) target(%dma_start3A_186 : memref<10240x64xf32, #tpu.memory_space<vmem_shared>>) offsets(%dma_start3A_183 : memref<128xi32, #tpu.memory_space<vmem>>) semaphore(%arg19 : memref<!tpu.dma_semaphore, #tpu.memory_space<semaphore_mem>>) {add = true}
      %eq3A_187 = arith.constant 0 : i32
      %eq3A_188 = arith.cmpi eq, %arg0, %eq3A_187 : i32
      %convert_element_type3A_189 = arith.extui %eq3A_188 : i1 to i32
      %cond3A_190 = arith.constant 0 : i32
      %cond3A_191 = arith.cmpi ne, %convert_element_type3A_189, %cond3A_190 : i32
      scf.if %cond3A_191 {
        "tpu.region"() ({
          %run_scoped3A = tpu.sem_alloc : memref<!tpu.dma_semaphore, #tpu.memory_space<semaphore_mem>>
          %dma_start3A_193 = arith.constant 0 : i32
          %dma_start3A_194 = tpu.memref_slice %arg8[%add3A_167, %dma_start3A_193] : memref<80x128xi32, #tpu.memory_space<vmem>> -> memref<1x128xi32, #tpu.memory_space<vmem>>
          %dma_start3A_195 = tpu.memref_squeeze %dma_start3A_194 : memref<1x128xi32, #tpu.memory_space<vmem>> -> memref<128xi32, #tpu.memory_space<vmem>>
          %dma_start3A_196 = arith.constant 0 : i32
          %dma_start3A_197 = tpu.memref_slice %arg15[%dma_start3A_196] : memref<10240xf32, #tpu.memory_space<vmem_shared>> -> memref<10240xf32, #tpu.memory_space<vmem_shared>>
          tpu.enqueue_indirect_dma source(%arg11 : memref<128xf32, #tpu.memory_space<vmem>>) target(%dma_start3A_197 : memref<10240xf32, #tpu.memory_space<vmem_shared>>) offsets(%dma_start3A_195 : memref<128xi32, #tpu.memory_space<vmem>>) semaphore(%run_scoped3A : memref<!tpu.dma_semaphore, #tpu.memory_space<semaphore_mem>>) {add = true}
          %dma_wait3A_198 = arith.constant 0 : i32
          %dma_wait3A_199 = tpu.memref_slice %arg8[%add3A_167, %dma_wait3A_198] : memref<80x128xi32, #tpu.memory_space<vmem>> -> memref<1x128xi32, #tpu.memory_space<vmem>>
          %dma_wait3A_200 = tpu.memref_squeeze %dma_wait3A_199 : memref<1x128xi32, #tpu.memory_space<vmem>> -> memref<128xi32, #tpu.memory_space<vmem>>
          %dma_wait3A_201 = arith.constant 0 : i32
          %dma_wait3A_202 = tpu.memref_slice %arg15[%dma_wait3A_201] : memref<10240xf32, #tpu.memory_space<vmem_shared>> -> memref<10240xf32, #tpu.memory_space<vmem_shared>>
          tpu.wait_indirect_dma semaphore(%run_scoped3A : memref<!tpu.dma_semaphore, #tpu.memory_space<semaphore_mem>>) src(%arg11 : memref<128xf32, #tpu.memory_space<vmem>>) dst(%dma_wait3A_202 : memref<10240xf32, #tpu.memory_space<vmem_shared>>)
          tpu.yield
        }) : () -> ()
      } else {
      }
      %scan3A_192 = arith.constant 0 : i32
      scf.yield %scan3A_192 : i32
    }
    %scan3A_85 = arith.constant 40 : i32
    %dma_wait3A = arith.constant 0 : i32
    %dma_wait3A_86 = arith.constant 0 : i32
    %dma_wait3A_87 = tpu.memref_slice %arg8[%dma_wait3A, %dma_wait3A_86] : memref<80x128xi32, #tpu.memory_space<vmem>> -> memref<1x128xi32, #tpu.memory_space<vmem>>
    %dma_wait3A_88 = tpu.memref_squeeze %dma_wait3A_87 : memref<1x128xi32, #tpu.memory_space<vmem>> -> memref<128xi32, #tpu.memory_space<vmem>>
    %dma_wait3A_89 = arith.constant 0 : i32
    %dma_wait3A_90 = arith.constant 0 : i32
    %dma_wait3A_91 = tpu.memref_slice %arg14[%dma_wait3A_89, %dma_wait3A_90] : memref<10240x64xf32, #tpu.memory_space<vmem_shared>> -> memref<10240x64xf32, #tpu.memory_space<vmem_shared>>
    tpu.wait_indirect_dma semaphore(%arg18 : memref<!tpu.dma_semaphore, #tpu.memory_space<semaphore_mem>>) src(%arg9 : memref<128x64xf32, #tpu.memory_space<vmem>>) dst(%dma_wait3A_91 : memref<10240x64xf32, #tpu.memory_space<vmem_shared>>)
    %dma_wait3A_92 = arith.constant 0 : i32
    %dma_wait3A_93 = arith.constant 0 : i32
    %dma_wait3A_94 = tpu.memref_slice %arg8[%dma_wait3A_92, %dma_wait3A_93] : memref<80x128xi32, #tpu.memory_space<vmem>> -> memref<1x128xi32, #tpu.memory_space<vmem>>
    %dma_wait3A_95 = tpu.memref_squeeze %dma_wait3A_94 : memref<1x128xi32, #tpu.memory_space<vmem>> -> memref<128xi32, #tpu.memory_space<vmem>>
    %dma_wait3A_96 = arith.constant 0 : i32
    %dma_wait3A_97 = arith.constant 0 : i32
    %dma_wait3A_98 = tpu.memref_slice %arg14[%dma_wait3A_96, %dma_wait3A_97] : memref<10240x64xf32, #tpu.memory_space<vmem_shared>> -> memref<10240x64xf32, #tpu.memory_space<vmem_shared>>
    tpu.wait_indirect_dma semaphore(%arg19 : memref<!tpu.dma_semaphore, #tpu.memory_space<semaphore_mem>>) src(%arg10 : memref<128x64xf32, #tpu.memory_space<vmem>>) dst(%dma_wait3A_98 : memref<10240x64xf32, #tpu.memory_space<vmem_shared>>)
    "tpu.region"() ({
      %run_scoped3A = tpu.sem_alloc : memref<!tpu.dma_semaphore, #tpu.memory_space<semaphore_mem>>
      %dma_start3A_138 = arith.constant 80 : i32
      %dma_start3A_139 = arith.constant 0 : i32
      %dma_start3A_140 = tpu.memref_slice %arg3[%arg1, %dma_start3A_138, %dma_start3A_139] : memref<16x160x128xi32, #tpu.memory_space<hbm>> -> memref<1x80x128xi32, #tpu.memory_space<hbm>>
      %dma_start3A_141 = tpu.memref_squeeze %dma_start3A_140 : memref<1x80x128xi32, #tpu.memory_space<hbm>> -> memref<80x128xi32, #tpu.memory_space<hbm>>
      %dma_start3A_142 = arith.constant 80 : i32
      %dma_start3A_143 = arith.constant 0 : i32
      %dma_start3A_144 = tpu.memref_slice %arg3[%arg1, %dma_start3A_142, %dma_start3A_143] : memref<16x160x128xi32, #tpu.memory_space<hbm>> -> memref<1x80x128xi32, #tpu.memory_space<hbm>>
      %dma_start3A_145 = tpu.memref_squeeze %dma_start3A_144 : memref<1x80x128xi32, #tpu.memory_space<hbm>> -> memref<80x128xi32, #tpu.memory_space<hbm>>
      tpu.enqueue_dma source(%dma_start3A_145 : memref<80x128xi32, #tpu.memory_space<hbm>>) target(%arg7 : memref<80x128xi32, #tpu.memory_space<vmem>>) target_semaphore(%run_scoped3A : memref<!tpu.dma_semaphore, #tpu.memory_space<semaphore_mem>>)
      %dma_wait3A_146 = arith.constant 80 : i32
      %dma_wait3A_147 = arith.constant 0 : i32
      %dma_wait3A_148 = tpu.memref_slice %arg3[%arg1, %dma_wait3A_146, %dma_wait3A_147] : memref<16x160x128xi32, #tpu.memory_space<hbm>> -> memref<1x80x128xi32, #tpu.memory_space<hbm>>
      %dma_wait3A_149 = tpu.memref_squeeze %dma_wait3A_148 : memref<1x80x128xi32, #tpu.memory_space<hbm>> -> memref<80x128xi32, #tpu.memory_space<hbm>>
      %dma_wait3A_150 = arith.constant 80 : i32
      %dma_wait3A_151 = arith.constant 0 : i32
      %dma_wait3A_152 = tpu.memref_slice %arg3[%arg1, %dma_wait3A_150, %dma_wait3A_151] : memref<16x160x128xi32, #tpu.memory_space<hbm>> -> memref<1x80x128xi32, #tpu.memory_space<hbm>>
      %dma_wait3A_153 = tpu.memref_squeeze %dma_wait3A_152 : memref<1x80x128xi32, #tpu.memory_space<hbm>> -> memref<80x128xi32, #tpu.memory_space<hbm>>
      tpu.wait_dma2 semaphore(%run_scoped3A : memref<!tpu.dma_semaphore, #tpu.memory_space<semaphore_mem>>) src(%dma_wait3A_153 : memref<80x128xi32, #tpu.memory_space<hbm>>) dst(%arg7 : memref<80x128xi32, #tpu.memory_space<vmem>>)
      tpu.yield
    }) : () -> ()
    "tpu.region"() ({
      %run_scoped3A = tpu.sem_alloc : memref<!tpu.dma_semaphore, #tpu.memory_space<semaphore_mem>>
      %dma_start3A_138 = arith.constant 80 : i32
      %dma_start3A_139 = arith.constant 0 : i32
      %dma_start3A_140 = tpu.memref_slice %arg4[%arg1, %dma_start3A_138, %dma_start3A_139] : memref<16x160x128xi32, #tpu.memory_space<hbm>> -> memref<1x80x128xi32, #tpu.memory_space<hbm>>
      %dma_start3A_141 = tpu.memref_squeeze %dma_start3A_140 : memref<1x80x128xi32, #tpu.memory_space<hbm>> -> memref<80x128xi32, #tpu.memory_space<hbm>>
      %dma_start3A_142 = arith.constant 80 : i32
      %dma_start3A_143 = arith.constant 0 : i32
      %dma_start3A_144 = tpu.memref_slice %arg4[%arg1, %dma_start3A_142, %dma_start3A_143] : memref<16x160x128xi32, #tpu.memory_space<hbm>> -> memref<1x80x128xi32, #tpu.memory_space<hbm>>
      %dma_start3A_145 = tpu.memref_squeeze %dma_start3A_144 : memref<1x80x128xi32, #tpu.memory_space<hbm>> -> memref<80x128xi32, #tpu.memory_space<hbm>>
      tpu.enqueue_dma source(%dma_start3A_145 : memref<80x128xi32, #tpu.memory_space<hbm>>) target(%arg8 : memref<80x128xi32, #tpu.memory_space<vmem>>) target_semaphore(%run_scoped3A : memref<!tpu.dma_semaphore, #tpu.memory_space<semaphore_mem>>)
      %dma_wait3A_146 = arith.constant 80 : i32
      %dma_wait3A_147 = arith.constant 0 : i32
      %dma_wait3A_148 = tpu.memref_slice %arg4[%arg1, %dma_wait3A_146, %dma_wait3A_147] : memref<16x160x128xi32, #tpu.memory_space<hbm>> -> memref<1x80x128xi32, #tpu.memory_space<hbm>>
      %dma_wait3A_149 = tpu.memref_squeeze %dma_wait3A_148 : memref<1x80x128xi32, #tpu.memory_space<hbm>> -> memref<80x128xi32, #tpu.memory_space<hbm>>
      %dma_wait3A_150 = arith.constant 80 : i32
      %dma_wait3A_151 = arith.constant 0 : i32
      %dma_wait3A_152 = tpu.memref_slice %arg4[%arg1, %dma_wait3A_150, %dma_wait3A_151] : memref<16x160x128xi32, #tpu.memory_space<hbm>> -> memref<1x80x128xi32, #tpu.memory_space<hbm>>
      %dma_wait3A_153 = tpu.memref_squeeze %dma_wait3A_152 : memref<1x80x128xi32, #tpu.memory_space<hbm>> -> memref<80x128xi32, #tpu.memory_space<hbm>>
      tpu.wait_dma2 semaphore(%run_scoped3A : memref<!tpu.dma_semaphore, #tpu.memory_space<semaphore_mem>>) src(%dma_wait3A_153 : memref<80x128xi32, #tpu.memory_space<hbm>>) dst(%arg8 : memref<80x128xi32, #tpu.memory_space<vmem>>)
      tpu.yield
    }) : () -> ()
    %dma_start3A_99 = arith.constant 0 : i32
    %dma_start3A_100 = arith.constant 0 : i32
    %dma_start3A_101 = tpu.memref_slice %arg7[%dma_start3A_99, %dma_start3A_100] : memref<80x128xi32, #tpu.memory_space<vmem>> -> memref<1x128xi32, #tpu.memory_space<vmem>>
    %dma_start3A_102 = tpu.memref_squeeze %dma_start3A_101 : memref<1x128xi32, #tpu.memory_space<vmem>> -> memref<128xi32, #tpu.memory_space<vmem>>
    %dma_start3A_103 = arith.constant 0 : i32
    %dma_start3A_104 = arith.constant 0 : i32
    %dma_start3A_105 = tpu.memref_slice %arg13[%dma_start3A_103, %dma_start3A_104] : memref<10240x64xf32, #tpu.memory_space<vmem_shared>> -> memref<10240x64xf32, #tpu.memory_space<vmem_shared>>
    tpu.enqueue_indirect_dma source(%dma_start3A_105 : memref<10240x64xf32, #tpu.memory_space<vmem_shared>>) target(%arg9 : memref<128x64xf32, #tpu.memory_space<vmem>>) offsets(%dma_start3A_102 : memref<128xi32, #tpu.memory_space<vmem>>) semaphore(%arg16 : memref<!tpu.dma_semaphore, #tpu.memory_space<semaphore_mem>>)
    %scan3A_106 = arith.constant 0 : i32
    %scan3A_107 = arith.constant 0 : i32
    %scan3A_108 = arith.constant 40 : i32
    %scan3A_109 = arith.addi %scan3A_107, %scan3A_108 : i32
    %scan3A_110 = arith.constant 1 : i32
    %scan3A_111 = scf.for %scan3A_138 = %scan3A_107 to %scan3A_109 step %scan3A_110 iter_args(%scan3A_139 = %scan3A_106) -> (i32)  : i32 {
      %mul3A_140 = arith.constant 2 : i32
      %mul3A_141 = arith.muli %mul3A_140, %scan3A_138 : i32
      %add3A_142 = arith.constant 0 : i32
      %add3A_143 = arith.addi %mul3A_141, %add3A_142 : i32
      %dma_wait3A_144 = arith.constant 0 : i32
      %dma_wait3A_145 = tpu.memref_slice %arg7[%add3A_143, %dma_wait3A_144] : memref<80x128xi32, #tpu.memory_space<vmem>> -> memref<1x128xi32, #tpu.memory_space<vmem>>
      %dma_wait3A_146 = tpu.memref_squeeze %dma_wait3A_145 : memref<1x128xi32, #tpu.memory_space<vmem>> -> memref<128xi32, #tpu.memory_space<vmem>>
      %dma_wait3A_147 = arith.constant 0 : i32
      %dma_wait3A_148 = arith.constant 0 : i32
      %dma_wait3A_149 = tpu.memref_slice %arg13[%dma_wait3A_147, %dma_wait3A_148] : memref<10240x64xf32, #tpu.memory_space<vmem_shared>> -> memref<10240x64xf32, #tpu.memory_space<vmem_shared>>
      tpu.wait_indirect_dma semaphore(%arg16 : memref<!tpu.dma_semaphore, #tpu.memory_space<semaphore_mem>>) src(%dma_wait3A_149 : memref<10240x64xf32, #tpu.memory_space<vmem_shared>>) dst(%arg9 : memref<128x64xf32, #tpu.memory_space<vmem>>)
      %add3A_150 = arith.constant 1 : i32
      %add3A_151 = arith.addi %add3A_143, %add3A_150 : i32
      %lt3A = arith.constant 80 : i32
      %lt3A_152 = arith.cmpi slt, %add3A_151, %lt3A : i32
      %convert_element_type3A = arith.extui %lt3A_152 : i1 to i32
      %cond3A = arith.constant 0 : i32
      %cond3A_153 = arith.cmpi ne, %convert_element_type3A, %cond3A : i32
      scf.if %cond3A_153 {
        %ge3A = arith.constant 1 : i32
        %ge3A_193 = arith.cmpi sge, %add3A_143, %ge3A : i32
        %convert_element_type3A_194 = arith.extui %ge3A_193 : i1 to i32
        %cond3A_195 = arith.constant 0 : i32
        %cond3A_196 = arith.cmpi ne, %convert_element_type3A_194, %cond3A_195 : i32
        scf.if %cond3A_196 {
          %dma_wait3A_205 = arith.constant 0 : i32
          %dma_wait3A_206 = tpu.memref_slice %arg8[%add3A_143, %dma_wait3A_205] : memref<80x128xi32, #tpu.memory_space<vmem>> -> memref<1x128xi32, #tpu.memory_space<vmem>>
          %dma_wait3A_207 = tpu.memref_squeeze %dma_wait3A_206 : memref<1x128xi32, #tpu.memory_space<vmem>> -> memref<128xi32, #tpu.memory_space<vmem>>
          %dma_wait3A_208 = arith.constant 0 : i32
          %dma_wait3A_209 = arith.constant 0 : i32
          %dma_wait3A_210 = tpu.memref_slice %arg14[%dma_wait3A_208, %dma_wait3A_209] : memref<10240x64xf32, #tpu.memory_space<vmem_shared>> -> memref<10240x64xf32, #tpu.memory_space<vmem_shared>>
          tpu.wait_indirect_dma semaphore(%arg19 : memref<!tpu.dma_semaphore, #tpu.memory_space<semaphore_mem>>) src(%arg10 : memref<128x64xf32, #tpu.memory_space<vmem>>) dst(%dma_wait3A_210 : memref<10240x64xf32, #tpu.memory_space<vmem_shared>>)
        } else {
        }
        %add3A_197 = arith.constant 1 : i32
        %add3A_198 = arith.addi %add3A_143, %add3A_197 : i32
        %dma_start3A_199 = arith.constant 0 : i32
        %dma_start3A_200 = tpu.memref_slice %arg7[%add3A_198, %dma_start3A_199] : memref<80x128xi32, #tpu.memory_space<vmem>> -> memref<1x128xi32, #tpu.memory_space<vmem>>
        %dma_start3A_201 = tpu.memref_squeeze %dma_start3A_200 : memref<1x128xi32, #tpu.memory_space<vmem>> -> memref<128xi32, #tpu.memory_space<vmem>>
        %dma_start3A_202 = arith.constant 0 : i32
        %dma_start3A_203 = arith.constant 0 : i32
        %dma_start3A_204 = tpu.memref_slice %arg13[%dma_start3A_202, %dma_start3A_203] : memref<10240x64xf32, #tpu.memory_space<vmem_shared>> -> memref<10240x64xf32, #tpu.memory_space<vmem_shared>>
        tpu.enqueue_indirect_dma source(%dma_start3A_204 : memref<10240x64xf32, #tpu.memory_space<vmem_shared>>) target(%arg10 : memref<128x64xf32, #tpu.memory_space<vmem>>) offsets(%dma_start3A_201 : memref<128xi32, #tpu.memory_space<vmem>>) semaphore(%arg17 : memref<!tpu.dma_semaphore, #tpu.memory_space<semaphore_mem>>)
      } else {
      }
      %dma_start3A_154 = arith.constant 0 : i32
      %dma_start3A_155 = tpu.memref_slice %arg8[%add3A_143, %dma_start3A_154] : memref<80x128xi32, #tpu.memory_space<vmem>> -> memref<1x128xi32, #tpu.memory_space<vmem>>
      %dma_start3A_156 = tpu.memref_squeeze %dma_start3A_155 : memref<1x128xi32, #tpu.memory_space<vmem>> -> memref<128xi32, #tpu.memory_space<vmem>>
      %dma_start3A_157 = arith.constant 0 : i32
      %dma_start3A_158 = arith.constant 0 : i32
      %dma_start3A_159 = tpu.memref_slice %arg14[%dma_start3A_157, %dma_start3A_158] : memref<10240x64xf32, #tpu.memory_space<vmem_shared>> -> memref<10240x64xf32, #tpu.memory_space<vmem_shared>>
      tpu.enqueue_indirect_dma source(%arg9 : memref<128x64xf32, #tpu.memory_space<vmem>>) target(%dma_start3A_159 : memref<10240x64xf32, #tpu.memory_space<vmem_shared>>) offsets(%dma_start3A_156 : memref<128xi32, #tpu.memory_space<vmem>>) semaphore(%arg18 : memref<!tpu.dma_semaphore, #tpu.memory_space<semaphore_mem>>) {add = true}
      %eq3A = arith.constant 1 : i32
      %eq3A_160 = arith.cmpi eq, %arg0, %eq3A : i32
      %convert_element_type3A_161 = arith.extui %eq3A_160 : i1 to i32
      %cond3A_162 = arith.constant 0 : i32
      %cond3A_163 = arith.cmpi ne, %convert_element_type3A_161, %cond3A_162 : i32
      scf.if %cond3A_163 {
        "tpu.region"() ({
          %run_scoped3A = tpu.sem_alloc : memref<!tpu.dma_semaphore, #tpu.memory_space<semaphore_mem>>
          %dma_start3A_193 = arith.constant 0 : i32
          %dma_start3A_194 = tpu.memref_slice %arg8[%add3A_143, %dma_start3A_193] : memref<80x128xi32, #tpu.memory_space<vmem>> -> memref<1x128xi32, #tpu.memory_space<vmem>>
          %dma_start3A_195 = tpu.memref_squeeze %dma_start3A_194 : memref<1x128xi32, #tpu.memory_space<vmem>> -> memref<128xi32, #tpu.memory_space<vmem>>
          %dma_start3A_196 = arith.constant 0 : i32
          %dma_start3A_197 = tpu.memref_slice %arg15[%dma_start3A_196] : memref<10240xf32, #tpu.memory_space<vmem_shared>> -> memref<10240xf32, #tpu.memory_space<vmem_shared>>
          tpu.enqueue_indirect_dma source(%arg11 : memref<128xf32, #tpu.memory_space<vmem>>) target(%dma_start3A_197 : memref<10240xf32, #tpu.memory_space<vmem_shared>>) offsets(%dma_start3A_195 : memref<128xi32, #tpu.memory_space<vmem>>) semaphore(%run_scoped3A : memref<!tpu.dma_semaphore, #tpu.memory_space<semaphore_mem>>) {add = true}
          %dma_wait3A_198 = arith.constant 0 : i32
          %dma_wait3A_199 = tpu.memref_slice %arg8[%add3A_143, %dma_wait3A_198] : memref<80x128xi32, #tpu.memory_space<vmem>> -> memref<1x128xi32, #tpu.memory_space<vmem>>
          %dma_wait3A_200 = tpu.memref_squeeze %dma_wait3A_199 : memref<1x128xi32, #tpu.memory_space<vmem>> -> memref<128xi32, #tpu.memory_space<vmem>>
          %dma_wait3A_201 = arith.constant 0 : i32
          %dma_wait3A_202 = tpu.memref_slice %arg15[%dma_wait3A_201] : memref<10240xf32, #tpu.memory_space<vmem_shared>> -> memref<10240xf32, #tpu.memory_space<vmem_shared>>
          tpu.wait_indirect_dma semaphore(%run_scoped3A : memref<!tpu.dma_semaphore, #tpu.memory_space<semaphore_mem>>) src(%arg11 : memref<128xf32, #tpu.memory_space<vmem>>) dst(%dma_wait3A_202 : memref<10240xf32, #tpu.memory_space<vmem_shared>>)
          tpu.yield
        }) : () -> ()
      } else {
      }
      %mul3A_164 = arith.constant 2 : i32
      %mul3A_165 = arith.muli %mul3A_164, %scan3A_138 : i32
      %add3A_166 = arith.constant 1 : i32
      %add3A_167 = arith.addi %mul3A_165, %add3A_166 : i32
      %dma_wait3A_168 = arith.constant 0 : i32
      %dma_wait3A_169 = tpu.memref_slice %arg7[%add3A_167, %dma_wait3A_168] : memref<80x128xi32, #tpu.memory_space<vmem>> -> memref<1x128xi32, #tpu.memory_space<vmem>>
      %dma_wait3A_170 = tpu.memref_squeeze %dma_wait3A_169 : memref<1x128xi32, #tpu.memory_space<vmem>> -> memref<128xi32, #tpu.memory_space<vmem>>
      %dma_wait3A_171 = arith.constant 0 : i32
      %dma_wait3A_172 = arith.constant 0 : i32
      %dma_wait3A_173 = tpu.memref_slice %arg13[%dma_wait3A_171, %dma_wait3A_172] : memref<10240x64xf32, #tpu.memory_space<vmem_shared>> -> memref<10240x64xf32, #tpu.memory_space<vmem_shared>>
      tpu.wait_indirect_dma semaphore(%arg17 : memref<!tpu.dma_semaphore, #tpu.memory_space<semaphore_mem>>) src(%dma_wait3A_173 : memref<10240x64xf32, #tpu.memory_space<vmem_shared>>) dst(%arg10 : memref<128x64xf32, #tpu.memory_space<vmem>>)
      %add3A_174 = arith.constant 1 : i32
      %add3A_175 = arith.addi %add3A_167, %add3A_174 : i32
      %lt3A_176 = arith.constant 80 : i32
      %lt3A_177 = arith.cmpi slt, %add3A_175, %lt3A_176 : i32
      %convert_element_type3A_178 = arith.extui %lt3A_177 : i1 to i32
      %cond3A_179 = arith.constant 0 : i32
      %cond3A_180 = arith.cmpi ne, %convert_element_type3A_178, %cond3A_179 : i32
      scf.if %cond3A_180 {
        %ge3A = arith.constant 1 : i32
        %ge3A_193 = arith.cmpi sge, %add3A_167, %ge3A : i32
        %convert_element_type3A_194 = arith.extui %ge3A_193 : i1 to i32
        %cond3A_195 = arith.constant 0 : i32
        %cond3A_196 = arith.cmpi ne, %convert_element_type3A_194, %cond3A_195 : i32
        scf.if %cond3A_196 {
          %dma_wait3A_205 = arith.constant 0 : i32
          %dma_wait3A_206 = tpu.memref_slice %arg8[%add3A_167, %dma_wait3A_205] : memref<80x128xi32, #tpu.memory_space<vmem>> -> memref<1x128xi32, #tpu.memory_space<vmem>>
          %dma_wait3A_207 = tpu.memref_squeeze %dma_wait3A_206 : memref<1x128xi32, #tpu.memory_space<vmem>> -> memref<128xi32, #tpu.memory_space<vmem>>
          %dma_wait3A_208 = arith.constant 0 : i32
          %dma_wait3A_209 = arith.constant 0 : i32
          %dma_wait3A_210 = tpu.memref_slice %arg14[%dma_wait3A_208, %dma_wait3A_209] : memref<10240x64xf32, #tpu.memory_space<vmem_shared>> -> memref<10240x64xf32, #tpu.memory_space<vmem_shared>>
          tpu.wait_indirect_dma semaphore(%arg18 : memref<!tpu.dma_semaphore, #tpu.memory_space<semaphore_mem>>) src(%arg9 : memref<128x64xf32, #tpu.memory_space<vmem>>) dst(%dma_wait3A_210 : memref<10240x64xf32, #tpu.memory_space<vmem_shared>>)
        } else {
        }
        %add3A_197 = arith.constant 1 : i32
        %add3A_198 = arith.addi %add3A_167, %add3A_197 : i32
        %dma_start3A_199 = arith.constant 0 : i32
        %dma_start3A_200 = tpu.memref_slice %arg7[%add3A_198, %dma_start3A_199] : memref<80x128xi32, #tpu.memory_space<vmem>> -> memref<1x128xi32, #tpu.memory_space<vmem>>
        %dma_start3A_201 = tpu.memref_squeeze %dma_start3A_200 : memref<1x128xi32, #tpu.memory_space<vmem>> -> memref<128xi32, #tpu.memory_space<vmem>>
        %dma_start3A_202 = arith.constant 0 : i32
        %dma_start3A_203 = arith.constant 0 : i32
        %dma_start3A_204 = tpu.memref_slice %arg13[%dma_start3A_202, %dma_start3A_203] : memref<10240x64xf32, #tpu.memory_space<vmem_shared>> -> memref<10240x64xf32, #tpu.memory_space<vmem_shared>>
        tpu.enqueue_indirect_dma source(%dma_start3A_204 : memref<10240x64xf32, #tpu.memory_space<vmem_shared>>) target(%arg9 : memref<128x64xf32, #tpu.memory_space<vmem>>) offsets(%dma_start3A_201 : memref<128xi32, #tpu.memory_space<vmem>>) semaphore(%arg16 : memref<!tpu.dma_semaphore, #tpu.memory_space<semaphore_mem>>)
      } else {
      }
      %dma_start3A_181 = arith.constant 0 : i32
      %dma_start3A_182 = tpu.memref_slice %arg8[%add3A_167, %dma_start3A_181] : memref<80x128xi32, #tpu.memory_space<vmem>> -> memref<1x128xi32, #tpu.memory_space<vmem>>
      %dma_start3A_183 = tpu.memref_squeeze %dma_start3A_182 : memref<1x128xi32, #tpu.memory_space<vmem>> -> memref<128xi32, #tpu.memory_space<vmem>>
      %dma_start3A_184 = arith.constant 0 : i32
      %dma_start3A_185 = arith.constant 0 : i32
      %dma_start3A_186 = tpu.memref_slice %arg14[%dma_start3A_184, %dma_start3A_185] : memref<10240x64xf32, #tpu.memory_space<vmem_shared>> -> memref<10240x64xf32, #tpu.memory_space<vmem_shared>>
      tpu.enqueue_indirect_dma source(%arg10 : memref<128x64xf32, #tpu.memory_space<vmem>>) target(%dma_start3A_186 : memref<10240x64xf32, #tpu.memory_space<vmem_shared>>) offsets(%dma_start3A_183 : memref<128xi32, #tpu.memory_space<vmem>>) semaphore(%arg19 : memref<!tpu.dma_semaphore, #tpu.memory_space<semaphore_mem>>) {add = true}
      %eq3A_187 = arith.constant 1 : i32
      %eq3A_188 = arith.cmpi eq, %arg0, %eq3A_187 : i32
      %convert_element_type3A_189 = arith.extui %eq3A_188 : i1 to i32
      %cond3A_190 = arith.constant 0 : i32
      %cond3A_191 = arith.cmpi ne, %convert_element_type3A_189, %cond3A_190 : i32
      scf.if %cond3A_191 {
        "tpu.region"() ({
          %run_scoped3A = tpu.sem_alloc : memref<!tpu.dma_semaphore, #tpu.memory_space<semaphore_mem>>
          %dma_start3A_193 = arith.constant 0 : i32
          %dma_start3A_194 = tpu.memref_slice %arg8[%add3A_167, %dma_start3A_193] : memref<80x128xi32, #tpu.memory_space<vmem>> -> memref<1x128xi32, #tpu.memory_space<vmem>>
          %dma_start3A_195 = tpu.memref_squeeze %dma_start3A_194 : memref<1x128xi32, #tpu.memory_space<vmem>> -> memref<128xi32, #tpu.memory_space<vmem>>
          %dma_start3A_196 = arith.constant 0 : i32
          %dma_start3A_197 = tpu.memref_slice %arg15[%dma_start3A_196] : memref<10240xf32, #tpu.memory_space<vmem_shared>> -> memref<10240xf32, #tpu.memory_space<vmem_shared>>
          tpu.enqueue_indirect_dma source(%arg11 : memref<128xf32, #tpu.memory_space<vmem>>) target(%dma_start3A_197 : memref<10240xf32, #tpu.memory_space<vmem_shared>>) offsets(%dma_start3A_195 : memref<128xi32, #tpu.memory_space<vmem>>) semaphore(%run_scoped3A : memref<!tpu.dma_semaphore, #tpu.memory_space<semaphore_mem>>) {add = true}
          %dma_wait3A_198 = arith.constant 0 : i32
          %dma_wait3A_199 = tpu.memref_slice %arg8[%add3A_167, %dma_wait3A_198] : memref<80x128xi32, #tpu.memory_space<vmem>> -> memref<1x128xi32, #tpu.memory_space<vmem>>
          %dma_wait3A_200 = tpu.memref_squeeze %dma_wait3A_199 : memref<1x128xi32, #tpu.memory_space<vmem>> -> memref<128xi32, #tpu.memory_space<vmem>>
          %dma_wait3A_201 = arith.constant 0 : i32
          %dma_wait3A_202 = tpu.memref_slice %arg15[%dma_wait3A_201] : memref<10240xf32, #tpu.memory_space<vmem_shared>> -> memref<10240xf32, #tpu.memory_space<vmem_shared>>
          tpu.wait_indirect_dma semaphore(%run_scoped3A : memref<!tpu.dma_semaphore, #tpu.memory_space<semaphore_mem>>) src(%arg11 : memref<128xf32, #tpu.memory_space<vmem>>) dst(%dma_wait3A_202 : memref<10240xf32, #tpu.memory_space<vmem_shared>>)
          tpu.yield
        }) : () -> ()
      } else {
      }
      %scan3A_192 = arith.constant 0 : i32
      scf.yield %scan3A_192 : i32
    }
    %scan3A_112 = arith.constant 40 : i32
    %dma_wait3A_113 = arith.constant 0 : i32
    %dma_wait3A_114 = arith.constant 0 : i32
    %dma_wait3A_115 = tpu.memref_slice %arg8[%dma_wait3A_113, %dma_wait3A_114] : memref<80x128xi32, #tpu.memory_space<vmem>> -> memref<1x128xi32, #tpu.memory_space<vmem>>
    %dma_wait3A_116 = tpu.memref_squeeze %dma_wait3A_115 : memref<1x128xi32, #tpu.memory_space<vmem>> -> memref<128xi32, #tpu.memory_space<vmem>>
    %dma_wait3A_117 = arith.constant 0 : i32
    %dma_wait3A_118 = arith.constant 0 : i32
    %dma_wait3A_119 = tpu.memref_slice %arg14[%dma_wait3A_117, %dma_wait3A_118] : memref<10240x64xf32, #tpu.memory_space<vmem_shared>> -> memref<10240x64xf32, #tpu.memory_space<vmem_shared>>
    tpu.wait_indirect_dma semaphore(%arg18 : memref<!tpu.dma_semaphore, #tpu.memory_space<semaphore_mem>>) src(%arg9 : memref<128x64xf32, #tpu.memory_space<vmem>>) dst(%dma_wait3A_119 : memref<10240x64xf32, #tpu.memory_space<vmem_shared>>)
    %dma_wait3A_120 = arith.constant 0 : i32
    %dma_wait3A_121 = arith.constant 0 : i32
    %dma_wait3A_122 = tpu.memref_slice %arg8[%dma_wait3A_120, %dma_wait3A_121] : memref<80x128xi32, #tpu.memory_space<vmem>> -> memref<1x128xi32, #tpu.memory_space<vmem>>
    %dma_wait3A_123 = tpu.memref_squeeze %dma_wait3A_122 : memref<1x128xi32, #tpu.memory_space<vmem>> -> memref<128xi32, #tpu.memory_space<vmem>>
    %dma_wait3A_124 = arith.constant 0 : i32
    %dma_wait3A_125 = arith.constant 0 : i32
    %dma_wait3A_126 = tpu.memref_slice %arg14[%dma_wait3A_124, %dma_wait3A_125] : memref<10240x64xf32, #tpu.memory_space<vmem_shared>> -> memref<10240x64xf32, #tpu.memory_space<vmem_shared>>
    tpu.wait_indirect_dma semaphore(%arg19 : memref<!tpu.dma_semaphore, #tpu.memory_space<semaphore_mem>>) src(%arg10 : memref<128x64xf32, #tpu.memory_space<vmem>>) dst(%dma_wait3A_126 : memref<10240x64xf32, #tpu.memory_space<vmem_shared>>)
    %barrier3A_127 = arith.constant 0 : index
    tpu.barrier barrier_id(%barrier3A_127)
    %add3A_128 = arith.constant 0 : i32
    %add3A_129 = arith.addi %mul3A_61, %add3A_128 : i32
    "tpu.region"() ({
      %run_scoped3A = tpu.sem_alloc : memref<!tpu.dma_semaphore, #tpu.memory_space<semaphore_mem>>
      %dma_start3A_138 = arith.constant 0 : i32
      %dma_start3A_139 = tpu.memref_slice %arg14[%add3A_129, %dma_start3A_138] : memref<10240x64xf32, #tpu.memory_space<vmem_shared>> -> memref<128x64xf32, #tpu.memory_space<vmem_shared>>
      %dma_start3A_140 = arith.constant 0 : i32
      %dma_start3A_141 = tpu.memref_slice %arg14[%add3A_129, %dma_start3A_140] : memref<10240x64xf32, #tpu.memory_space<vmem_shared>> -> memref<128x64xf32, #tpu.memory_space<vmem_shared>>
      tpu.enqueue_dma source(%dma_start3A_141 : memref<128x64xf32, #tpu.memory_space<vmem_shared>>) target(%arg9 : memref<128x64xf32, #tpu.memory_space<vmem>>) target_semaphore(%run_scoped3A : memref<!tpu.dma_semaphore, #tpu.memory_space<semaphore_mem>>)
      %dma_wait3A_142 = arith.constant 0 : i32
      %dma_wait3A_143 = tpu.memref_slice %arg14[%add3A_129, %dma_wait3A_142] : memref<10240x64xf32, #tpu.memory_space<vmem_shared>> -> memref<128x64xf32, #tpu.memory_space<vmem_shared>>
      %dma_wait3A_144 = arith.constant 0 : i32
      %dma_wait3A_145 = tpu.memref_slice %arg14[%add3A_129, %dma_wait3A_144] : memref<10240x64xf32, #tpu.memory_space<vmem_shared>> -> memref<128x64xf32, #tpu.memory_space<vmem_shared>>
      tpu.wait_dma2 semaphore(%run_scoped3A : memref<!tpu.dma_semaphore, #tpu.memory_space<semaphore_mem>>) src(%dma_wait3A_145 : memref<128x64xf32, #tpu.memory_space<vmem_shared>>) dst(%arg9 : memref<128x64xf32, #tpu.memory_space<vmem>>)
      tpu.yield
    }) : () -> ()
    "tpu.region"() ({
      %run_scoped3A = tpu.sem_alloc : memref<!tpu.dma_semaphore, #tpu.memory_space<semaphore_mem>>
      %dma_start3A_138 = arith.constant 0 : i32
      %dma_start3A_139 = tpu.memref_slice %arg5[%arg0, %add3A_129, %dma_start3A_138] : memref<2x10240x64xf32, #tpu.memory_space<hbm>> -> memref<1x128x64xf32, #tpu.memory_space<hbm>>
      %dma_start3A_140 = tpu.memref_squeeze %dma_start3A_139 : memref<1x128x64xf32, #tpu.memory_space<hbm>> -> memref<128x64xf32, #tpu.memory_space<hbm>>
      %dma_start3A_141 = arith.constant 0 : i32
      %dma_start3A_142 = tpu.memref_slice %arg5[%arg0, %add3A_129, %dma_start3A_141] : memref<2x10240x64xf32, #tpu.memory_space<hbm>> -> memref<1x128x64xf32, #tpu.memory_space<hbm>>
      %dma_start3A_143 = tpu.memref_squeeze %dma_start3A_142 : memref<1x128x64xf32, #tpu.memory_space<hbm>> -> memref<128x64xf32, #tpu.memory_space<hbm>>
      tpu.enqueue_dma source(%arg9 : memref<128x64xf32, #tpu.memory_space<vmem>>) target(%dma_start3A_143 : memref<128x64xf32, #tpu.memory_space<hbm>>) target_semaphore(%run_scoped3A : memref<!tpu.dma_semaphore, #tpu.memory_space<semaphore_mem>>)
      %dma_wait3A_144 = arith.constant 0 : i32
      %dma_wait3A_145 = tpu.memref_slice %arg5[%arg0, %add3A_129, %dma_wait3A_144] : memref<2x10240x64xf32, #tpu.memory_space<hbm>> -> memref<1x128x64xf32, #tpu.memory_space<hbm>>
      %dma_wait3A_146 = tpu.memref_squeeze %dma_wait3A_145 : memref<1x128x64xf32, #tpu.memory_space<hbm>> -> memref<128x64xf32, #tpu.memory_space<hbm>>
      %dma_wait3A_147 = arith.constant 0 : i32
      %dma_wait3A_148 = tpu.memref_slice %arg5[%arg0, %add3A_129, %dma_wait3A_147] : memref<2x10240x64xf32, #tpu.memory_space<hbm>> -> memref<1x128x64xf32, #tpu.memory_space<hbm>>
      %dma_wait3A_149 = tpu.memref_squeeze %dma_wait3A_148 : memref<1x128x64xf32, #tpu.memory_space<hbm>> -> memref<128x64xf32, #tpu.memory_space<hbm>>
      tpu.wait_dma2 semaphore(%run_scoped3A : memref<!tpu.dma_semaphore, #tpu.memory_space<semaphore_mem>>) src(%arg9 : memref<128x64xf32, #tpu.memory_space<vmem>>) dst(%dma_wait3A_149 : memref<128x64xf32, #tpu.memory_space<hbm>>)
      tpu.yield
    }) : () -> ()
    %add3A_130 = arith.constant 128 : i32
    %add3A_131 = arith.addi %mul3A_61, %add3A_130 : i32
    "tpu.region"() ({
      %run_scoped3A = tpu.sem_alloc : memref<!tpu.dma_semaphore, #tpu.memory_space<semaphore_mem>>
      %dma_start3A_138 = arith.constant 0 : i32
      %dma_start3A_139 = tpu.memref_slice %arg14[%add3A_131, %dma_start3A_138] : memref<10240x64xf32, #tpu.memory_space<vmem_shared>> -> memref<128x64xf32, #tpu.memory_space<vmem_shared>>
      %dma_start3A_140 = arith.constant 0 : i32
      %dma_start3A_141 = tpu.memref_slice %arg14[%add3A_131, %dma_start3A_140] : memref<10240x64xf32, #tpu.memory_space<vmem_shared>> -> memref<128x64xf32, #tpu.memory_space<vmem_shared>>
      tpu.enqueue_dma source(%dma_start3A_141 : memref<128x64xf32, #tpu.memory_space<vmem_shared>>) target(%arg9 : memref<128x64xf32, #tpu.memory_space<vmem>>) target_semaphore(%run_scoped3A : memref<!tpu.dma_semaphore, #tpu.memory_space<semaphore_mem>>)
      %dma_wait3A_142 = arith.constant 0 : i32
      %dma_wait3A_143 = tpu.memref_slice %arg14[%add3A_131, %dma_wait3A_142] : memref<10240x64xf32, #tpu.memory_space<vmem_shared>> -> memref<128x64xf32, #tpu.memory_space<vmem_shared>>
      %dma_wait3A_144 = arith.constant 0 : i32
      %dma_wait3A_145 = tpu.memref_slice %arg14[%add3A_131, %dma_wait3A_144] : memref<10240x64xf32, #tpu.memory_space<vmem_shared>> -> memref<128x64xf32, #tpu.memory_space<vmem_shared>>
      tpu.wait_dma2 semaphore(%run_scoped3A : memref<!tpu.dma_semaphore, #tpu.memory_space<semaphore_mem>>) src(%dma_wait3A_145 : memref<128x64xf32, #tpu.memory_space<vmem_shared>>) dst(%arg9 : memref<128x64xf32, #tpu.memory_space<vmem>>)
      tpu.yield
    }) : () -> ()
    "tpu.region"() ({
      %run_scoped3A = tpu.sem_alloc : memref<!tpu.dma_semaphore, #tpu.memory_space<semaphore_mem>>
      %dma_start3A_138 = arith.constant 0 : i32
      %dma_start3A_139 = tpu.memref_slice %arg5[%arg0, %add3A_131, %dma_start3A_138] : memref<2x10240x64xf32, #tpu.memory_space<hbm>> -> memref<1x128x64xf32, #tpu.memory_space<hbm>>
      %dma_start3A_140 = tpu.memref_squeeze %dma_start3A_139 : memref<1x128x64xf32, #tpu.memory_space<hbm>> -> memref<128x64xf32, #tpu.memory_space<hbm>>
      %dma_start3A_141 = arith.constant 0 : i32
      %dma_start3A_142 = tpu.memref_slice %arg5[%arg0, %add3A_131, %dma_start3A_141] : memref<2x10240x64xf32, #tpu.memory_space<hbm>> -> memref<1x128x64xf32, #tpu.memory_space<hbm>>
      %dma_start3A_143 = tpu.memref_squeeze %dma_start3A_142 : memref<1x128x64xf32, #tpu.memory_space<hbm>> -> memref<128x64xf32, #tpu.memory_space<hbm>>
      tpu.enqueue_dma source(%arg9 : memref<128x64xf32, #tpu.memory_space<vmem>>) target(%dma_start3A_143 : memref<128x64xf32, #tpu.memory_space<hbm>>) target_semaphore(%run_scoped3A : memref<!tpu.dma_semaphore, #tpu.memory_space<semaphore_mem>>)
      %dma_wait3A_144 = arith.constant 0 : i32
      %dma_wait3A_145 = tpu.memref_slice %arg5[%arg0, %add3A_131, %dma_wait3A_144] : memref<2x10240x64xf32, #tpu.memory_space<hbm>> -> memref<1x128x64xf32, #tpu.memory_space<hbm>>
      %dma_wait3A_146 = tpu.memref_squeeze %dma_wait3A_145 : memref<1x128x64xf32, #tpu.memory_space<hbm>> -> memref<128x64xf32, #tpu.memory_space<hbm>>
      %dma_wait3A_147 = arith.constant 0 : i32
      %dma_wait3A_148 = tpu.memref_slice %arg5[%arg0, %add3A_131, %dma_wait3A_147] : memref<2x10240x64xf32, #tpu.memory_space<hbm>> -> memref<1x128x64xf32, #tpu.memory_space<hbm>>
      %dma_wait3A_149 = tpu.memref_squeeze %dma_wait3A_148 : memref<1x128x64xf32, #tpu.memory_space<hbm>> -> memref<128x64xf32, #tpu.memory_space<hbm>>
      tpu.wait_dma2 semaphore(%run_scoped3A : memref<!tpu.dma_semaphore, #tpu.memory_space<semaphore_mem>>) src(%arg9 : memref<128x64xf32, #tpu.memory_space<vmem>>) dst(%dma_wait3A_149 : memref<128x64xf32, #tpu.memory_space<hbm>>)
      tpu.yield
    }) : () -> ()
    %add3A_132 = arith.constant 256 : i32
    %add3A_133 = arith.addi %mul3A_61, %add3A_132 : i32
    "tpu.region"() ({
      %run_scoped3A = tpu.sem_alloc : memref<!tpu.dma_semaphore, #tpu.memory_space<semaphore_mem>>
      %dma_start3A_138 = arith.constant 0 : i32
      %dma_start3A_139 = tpu.memref_slice %arg14[%add3A_133, %dma_start3A_138] : memref<10240x64xf32, #tpu.memory_space<vmem_shared>> -> memref<128x64xf32, #tpu.memory_space<vmem_shared>>
      %dma_start3A_140 = arith.constant 0 : i32
      %dma_start3A_141 = tpu.memref_slice %arg14[%add3A_133, %dma_start3A_140] : memref<10240x64xf32, #tpu.memory_space<vmem_shared>> -> memref<128x64xf32, #tpu.memory_space<vmem_shared>>
      tpu.enqueue_dma source(%dma_start3A_141 : memref<128x64xf32, #tpu.memory_space<vmem_shared>>) target(%arg9 : memref<128x64xf32, #tpu.memory_space<vmem>>) target_semaphore(%run_scoped3A : memref<!tpu.dma_semaphore, #tpu.memory_space<semaphore_mem>>)
      %dma_wait3A_142 = arith.constant 0 : i32
      %dma_wait3A_143 = tpu.memref_slice %arg14[%add3A_133, %dma_wait3A_142] : memref<10240x64xf32, #tpu.memory_space<vmem_shared>> -> memref<128x64xf32, #tpu.memory_space<vmem_shared>>
      %dma_wait3A_144 = arith.constant 0 : i32
      %dma_wait3A_145 = tpu.memref_slice %arg14[%add3A_133, %dma_wait3A_144] : memref<10240x64xf32, #tpu.memory_space<vmem_shared>> -> memref<128x64xf32, #tpu.memory_space<vmem_shared>>
      tpu.wait_dma2 semaphore(%run_scoped3A : memref<!tpu.dma_semaphore, #tpu.memory_space<semaphore_mem>>) src(%dma_wait3A_145 : memref<128x64xf32, #tpu.memory_space<vmem_shared>>) dst(%arg9 : memref<128x64xf32, #tpu.memory_space<vmem>>)
      tpu.yield
    }) : () -> ()
    "tpu.region"() ({
      %run_scoped3A = tpu.sem_alloc : memref<!tpu.dma_semaphore, #tpu.memory_space<semaphore_mem>>
      %dma_start3A_138 = arith.constant 0 : i32
      %dma_start3A_139 = tpu.memref_slice %arg5[%arg0, %add3A_133, %dma_start3A_138] : memref<2x10240x64xf32, #tpu.memory_space<hbm>> -> memref<1x128x64xf32, #tpu.memory_space<hbm>>
      %dma_start3A_140 = tpu.memref_squeeze %dma_start3A_139 : memref<1x128x64xf32, #tpu.memory_space<hbm>> -> memref<128x64xf32, #tpu.memory_space<hbm>>
      %dma_start3A_141 = arith.constant 0 : i32
      %dma_start3A_142 = tpu.memref_slice %arg5[%arg0, %add3A_133, %dma_start3A_141] : memref<2x10240x64xf32, #tpu.memory_space<hbm>> -> memref<1x128x64xf32, #tpu.memory_space<hbm>>
      %dma_start3A_143 = tpu.memref_squeeze %dma_start3A_142 : memref<1x128x64xf32, #tpu.memory_space<hbm>> -> memref<128x64xf32, #tpu.memory_space<hbm>>
      tpu.enqueue_dma source(%arg9 : memref<128x64xf32, #tpu.memory_space<vmem>>) target(%dma_start3A_143 : memref<128x64xf32, #tpu.memory_space<hbm>>) target_semaphore(%run_scoped3A : memref<!tpu.dma_semaphore, #tpu.memory_space<semaphore_mem>>)
      %dma_wait3A_144 = arith.constant 0 : i32
      %dma_wait3A_145 = tpu.memref_slice %arg5[%arg0, %add3A_133, %dma_wait3A_144] : memref<2x10240x64xf32, #tpu.memory_space<hbm>> -> memref<1x128x64xf32, #tpu.memory_space<hbm>>
      %dma_wait3A_146 = tpu.memref_squeeze %dma_wait3A_145 : memref<1x128x64xf32, #tpu.memory_space<hbm>> -> memref<128x64xf32, #tpu.memory_space<hbm>>
      %dma_wait3A_147 = arith.constant 0 : i32
      %dma_wait3A_148 = tpu.memref_slice %arg5[%arg0, %add3A_133, %dma_wait3A_147] : memref<2x10240x64xf32, #tpu.memory_space<hbm>> -> memref<1x128x64xf32, #tpu.memory_space<hbm>>
      %dma_wait3A_149 = tpu.memref_squeeze %dma_wait3A_148 : memref<1x128x64xf32, #tpu.memory_space<hbm>> -> memref<128x64xf32, #tpu.memory_space<hbm>>
      tpu.wait_dma2 semaphore(%run_scoped3A : memref<!tpu.dma_semaphore, #tpu.memory_space<semaphore_mem>>) src(%arg9 : memref<128x64xf32, #tpu.memory_space<vmem>>) dst(%dma_wait3A_149 : memref<128x64xf32, #tpu.memory_space<hbm>>)
      tpu.yield
    }) : () -> ()
    %add3A_134 = arith.constant 384 : i32
    %add3A_135 = arith.addi %mul3A_61, %add3A_134 : i32
    "tpu.region"() ({
      %run_scoped3A = tpu.sem_alloc : memref<!tpu.dma_semaphore, #tpu.memory_space<semaphore_mem>>
      %dma_start3A_138 = arith.constant 0 : i32
      %dma_start3A_139 = tpu.memref_slice %arg14[%add3A_135, %dma_start3A_138] : memref<10240x64xf32, #tpu.memory_space<vmem_shared>> -> memref<128x64xf32, #tpu.memory_space<vmem_shared>>
      %dma_start3A_140 = arith.constant 0 : i32
      %dma_start3A_141 = tpu.memref_slice %arg14[%add3A_135, %dma_start3A_140] : memref<10240x64xf32, #tpu.memory_space<vmem_shared>> -> memref<128x64xf32, #tpu.memory_space<vmem_shared>>
      tpu.enqueue_dma source(%dma_start3A_141 : memref<128x64xf32, #tpu.memory_space<vmem_shared>>) target(%arg9 : memref<128x64xf32, #tpu.memory_space<vmem>>) target_semaphore(%run_scoped3A : memref<!tpu.dma_semaphore, #tpu.memory_space<semaphore_mem>>)
      %dma_wait3A_142 = arith.constant 0 : i32
      %dma_wait3A_143 = tpu.memref_slice %arg14[%add3A_135, %dma_wait3A_142] : memref<10240x64xf32, #tpu.memory_space<vmem_shared>> -> memref<128x64xf32, #tpu.memory_space<vmem_shared>>
      %dma_wait3A_144 = arith.constant 0 : i32
      %dma_wait3A_145 = tpu.memref_slice %arg14[%add3A_135, %dma_wait3A_144] : memref<10240x64xf32, #tpu.memory_space<vmem_shared>> -> memref<128x64xf32, #tpu.memory_space<vmem_shared>>
      tpu.wait_dma2 semaphore(%run_scoped3A : memref<!tpu.dma_semaphore, #tpu.memory_space<semaphore_mem>>) src(%dma_wait3A_145 : memref<128x64xf32, #tpu.memory_space<vmem_shared>>) dst(%arg9 : memref<128x64xf32, #tpu.memory_space<vmem>>)
      tpu.yield
    }) : () -> ()
    "tpu.region"() ({
      %run_scoped3A = tpu.sem_alloc : memref<!tpu.dma_semaphore, #tpu.memory_space<semaphore_mem>>
      %dma_start3A_138 = arith.constant 0 : i32
      %dma_start3A_139 = tpu.memref_slice %arg5[%arg0, %add3A_135, %dma_start3A_138] : memref<2x10240x64xf32, #tpu.memory_space<hbm>> -> memref<1x128x64xf32, #tpu.memory_space<hbm>>
      %dma_start3A_140 = tpu.memref_squeeze %dma_start3A_139 : memref<1x128x64xf32, #tpu.memory_space<hbm>> -> memref<128x64xf32, #tpu.memory_space<hbm>>
      %dma_start3A_141 = arith.constant 0 : i32
      %dma_start3A_142 = tpu.memref_slice %arg5[%arg0, %add3A_135, %dma_start3A_141] : memref<2x10240x64xf32, #tpu.memory_space<hbm>> -> memref<1x128x64xf32, #tpu.memory_space<hbm>>
      %dma_start3A_143 = tpu.memref_squeeze %dma_start3A_142 : memref<1x128x64xf32, #tpu.memory_space<hbm>> -> memref<128x64xf32, #tpu.memory_space<hbm>>
      tpu.enqueue_dma source(%arg9 : memref<128x64xf32, #tpu.memory_space<vmem>>) target(%dma_start3A_143 : memref<128x64xf32, #tpu.memory_space<hbm>>) target_semaphore(%run_scoped3A : memref<!tpu.dma_semaphore, #tpu.memory_space<semaphore_mem>>)
      %dma_wait3A_144 = arith.constant 0 : i32
      %dma_wait3A_145 = tpu.memref_slice %arg5[%arg0, %add3A_135, %dma_wait3A_144] : memref<2x10240x64xf32, #tpu.memory_space<hbm>> -> memref<1x128x64xf32, #tpu.memory_space<hbm>>
      %dma_wait3A_146 = tpu.memref_squeeze %dma_wait3A_145 : memref<1x128x64xf32, #tpu.memory_space<hbm>> -> memref<128x64xf32, #tpu.memory_space<hbm>>
      %dma_wait3A_147 = arith.constant 0 : i32
      %dma_wait3A_148 = tpu.memref_slice %arg5[%arg0, %add3A_135, %dma_wait3A_147] : memref<2x10240x64xf32, #tpu.memory_space<hbm>> -> memref<1x128x64xf32, #tpu.memory_space<hbm>>
      %dma_wait3A_149 = tpu.memref_squeeze %dma_wait3A_148 : memref<1x128x64xf32, #tpu.memory_space<hbm>> -> memref<128x64xf32, #tpu.memory_space<hbm>>
      tpu.wait_dma2 semaphore(%run_scoped3A : memref<!tpu.dma_semaphore, #tpu.memory_space<semaphore_mem>>) src(%arg9 : memref<128x64xf32, #tpu.memory_space<vmem>>) dst(%dma_wait3A_149 : memref<128x64xf32, #tpu.memory_space<hbm>>)
      tpu.yield
    }) : () -> ()
    %add3A_136 = arith.constant 512 : i32
    %add3A_137 = arith.addi %mul3A_61, %add3A_136 : i32
    "tpu.region"() ({
      %run_scoped3A = tpu.sem_alloc : memref<!tpu.dma_semaphore, #tpu.memory_space<semaphore_mem>>
      %dma_start3A_138 = arith.constant 0 : i32
      %dma_start3A_139 = tpu.memref_slice %arg14[%add3A_137, %dma_start3A_138] : memref<10240x64xf32, #tpu.memory_space<vmem_shared>> -> memref<128x64xf32, #tpu.memory_space<vmem_shared>>
      %dma_start3A_140 = arith.constant 0 : i32
      %dma_start3A_141 = tpu.memref_slice %arg14[%add3A_137, %dma_start3A_140] : memref<10240x64xf32, #tpu.memory_space<vmem_shared>> -> memref<128x64xf32, #tpu.memory_space<vmem_shared>>
      tpu.enqueue_dma source(%dma_start3A_141 : memref<128x64xf32, #tpu.memory_space<vmem_shared>>) target(%arg9 : memref<128x64xf32, #tpu.memory_space<vmem>>) target_semaphore(%run_scoped3A : memref<!tpu.dma_semaphore, #tpu.memory_space<semaphore_mem>>)
      %dma_wait3A_142 = arith.constant 0 : i32
      %dma_wait3A_143 = tpu.memref_slice %arg14[%add3A_137, %dma_wait3A_142] : memref<10240x64xf32, #tpu.memory_space<vmem_shared>> -> memref<128x64xf32, #tpu.memory_space<vmem_shared>>
      %dma_wait3A_144 = arith.constant 0 : i32
      %dma_wait3A_145 = tpu.memref_slice %arg14[%add3A_137, %dma_wait3A_144] : memref<10240x64xf32, #tpu.memory_space<vmem_shared>> -> memref<128x64xf32, #tpu.memory_space<vmem_shared>>
      tpu.wait_dma2 semaphore(%run_scoped3A : memref<!tpu.dma_semaphore, #tpu.memory_space<semaphore_mem>>) src(%dma_wait3A_145 : memref<128x64xf32, #tpu.memory_space<vmem_shared>>) dst(%arg9 : memref<128x64xf32, #tpu.memory_space<vmem>>)
      tpu.yield
    }) : () -> ()
    "tpu.region"() ({
      %run_scoped3A = tpu.sem_alloc : memref<!tpu.dma_semaphore, #tpu.memory_space<semaphore_mem>>
      %dma_start3A_138 = arith.constant 0 : i32
      %dma_start3A_139 = tpu.memref_slice %arg5[%arg0, %add3A_137, %dma_start3A_138] : memref<2x10240x64xf32, #tpu.memory_space<hbm>> -> memref<1x128x64xf32, #tpu.memory_space<hbm>>
      %dma_start3A_140 = tpu.memref_squeeze %dma_start3A_139 : memref<1x128x64xf32, #tpu.memory_space<hbm>> -> memref<128x64xf32, #tpu.memory_space<hbm>>
      %dma_start3A_141 = arith.constant 0 : i32
      %dma_start3A_142 = tpu.memref_slice %arg5[%arg0, %add3A_137, %dma_start3A_141] : memref<2x10240x64xf32, #tpu.memory_space<hbm>> -> memref<1x128x64xf32, #tpu.memory_space<hbm>>
      %dma_start3A_143 = tpu.memref_squeeze %dma_start3A_142 : memref<1x128x64xf32, #tpu.memory_space<hbm>> -> memref<128x64xf32, #tpu.memory_space<hbm>>
      tpu.enqueue_dma source(%arg9 : memref<128x64xf32, #tpu.memory_space<vmem>>) target(%dma_start3A_143 : memref<128x64xf32, #tpu.memory_space<hbm>>) target_semaphore(%run_scoped3A : memref<!tpu.dma_semaphore, #tpu.memory_space<semaphore_mem>>)
      %dma_wait3A_144 = arith.constant 0 : i32
      %dma_wait3A_145 = tpu.memref_slice %arg5[%arg0, %add3A_137, %dma_wait3A_144] : memref<2x10240x64xf32, #tpu.memory_space<hbm>> -> memref<1x128x64xf32, #tpu.memory_space<hbm>>
      %dma_wait3A_146 = tpu.memref_squeeze %dma_wait3A_145 : memref<1x128x64xf32, #tpu.memory_space<hbm>> -> memref<128x64xf32, #tpu.memory_space<hbm>>
      %dma_wait3A_147 = arith.constant 0 : i32
      %dma_wait3A_148 = tpu.memref_slice %arg5[%arg0, %add3A_137, %dma_wait3A_147] : memref<2x10240x64xf32, #tpu.memory_space<hbm>> -> memref<1x128x64xf32, #tpu.memory_space<hbm>>
      %dma_wait3A_149 = tpu.memref_squeeze %dma_wait3A_148 : memref<1x128x64xf32, #tpu.memory_space<hbm>> -> memref<128x64xf32, #tpu.memory_space<hbm>>
      tpu.wait_dma2 semaphore(%run_scoped3A : memref<!tpu.dma_semaphore, #tpu.memory_space<semaphore_mem>>) src(%arg9 : memref<128x64xf32, #tpu.memory_space<vmem>>) dst(%dma_wait3A_149 : memref<128x64xf32, #tpu.memory_space<hbm>>)
      tpu.yield
    }) : () -> ()
    "tpu.region"() ({
      %run_scoped3A = tpu.sem_alloc : memref<!tpu.dma_semaphore, #tpu.memory_space<semaphore_mem>>
      %dma_start3A_138 = tpu.memref_slice %arg15[%mul3A_61] : memref<10240xf32, #tpu.memory_space<vmem_shared>> -> memref<640xf32, #tpu.memory_space<vmem_shared>>
      %dma_start3A_139 = tpu.memref_slice %arg15[%mul3A_61] : memref<10240xf32, #tpu.memory_space<vmem_shared>> -> memref<640xf32, #tpu.memory_space<vmem_shared>>
      tpu.enqueue_dma source(%dma_start3A_139 : memref<640xf32, #tpu.memory_space<vmem_shared>>) target(%arg12 : memref<640xf32, #tpu.memory_space<vmem>>) target_semaphore(%run_scoped3A : memref<!tpu.dma_semaphore, #tpu.memory_space<semaphore_mem>>)
      %dma_wait3A_140 = tpu.memref_slice %arg15[%mul3A_61] : memref<10240xf32, #tpu.memory_space<vmem_shared>> -> memref<640xf32, #tpu.memory_space<vmem_shared>>
      %dma_wait3A_141 = tpu.memref_slice %arg15[%mul3A_61] : memref<10240xf32, #tpu.memory_space<vmem_shared>> -> memref<640xf32, #tpu.memory_space<vmem_shared>>
      tpu.wait_dma2 semaphore(%run_scoped3A : memref<!tpu.dma_semaphore, #tpu.memory_space<semaphore_mem>>) src(%dma_wait3A_141 : memref<640xf32, #tpu.memory_space<vmem_shared>>) dst(%arg12 : memref<640xf32, #tpu.memory_space<vmem>>)
      tpu.yield
    }) : () -> ()
    "tpu.region"() ({
      %run_scoped3A = tpu.sem_alloc : memref<!tpu.dma_semaphore, #tpu.memory_space<semaphore_mem>>
      %dma_start3A_138 = tpu.memref_slice %arg6[%arg0, %mul3A_61] : memref<2x10240xf32, #tpu.memory_space<hbm>> -> memref<1x640xf32, #tpu.memory_space<hbm>>
      %dma_start3A_139 = tpu.memref_squeeze %dma_start3A_138 : memref<1x640xf32, #tpu.memory_space<hbm>> -> memref<640xf32, #tpu.memory_space<hbm>>
      %dma_start3A_140 = tpu.memref_slice %arg6[%arg0, %mul3A_61] : memref<2x10240xf32, #tpu.memory_space<hbm>> -> memref<1x640xf32, #tpu.memory_space<hbm>>
      %dma_start3A_141 = tpu.memref_squeeze %dma_start3A_140 : memref<1x640xf32, #tpu.memory_space<hbm>> -> memref<640xf32, #tpu.memory_space<hbm>>
      tpu.enqueue_dma source(%arg12 : memref<640xf32, #tpu.memory_space<vmem>>) target(%dma_start3A_141 : memref<640xf32, #tpu.memory_space<hbm>>) target_semaphore(%run_scoped3A : memref<!tpu.dma_semaphore, #tpu.memory_space<semaphore_mem>>)
      %dma_wait3A_142 = tpu.memref_slice %arg6[%arg0, %mul3A_61] : memref<2x10240xf32, #tpu.memory_space<hbm>> -> memref<1x640xf32, #tpu.memory_space<hbm>>
      %dma_wait3A_143 = tpu.memref_squeeze %dma_wait3A_142 : memref<1x640xf32, #tpu.memory_space<hbm>> -> memref<640xf32, #tpu.memory_space<hbm>>
      %dma_wait3A_144 = tpu.memref_slice %arg6[%arg0, %mul3A_61] : memref<2x10240xf32, #tpu.memory_space<hbm>> -> memref<1x640xf32, #tpu.memory_space<hbm>>
      %dma_wait3A_145 = tpu.memref_squeeze %dma_wait3A_144 : memref<1x640xf32, #tpu.memory_space<hbm>> -> memref<640xf32, #tpu.memory_space<hbm>>
      tpu.wait_dma2 semaphore(%run_scoped3A : memref<!tpu.dma_semaphore, #tpu.memory_space<semaphore_mem>>) src(%arg12 : memref<640xf32, #tpu.memory_space<vmem>>) dst(%dma_wait3A_145 : memref<640xf32, #tpu.memory_space<hbm>>)
      tpu.yield
    }) : () -> ()
    return
  }
}

#map = affine_map<(d0, d1) -> (0, 0)>
#map1 = affine_map<(d0, d1) -> (0, 0, 0)>
module attributes {stable_mosaic.version = 14 : i64} {
  func.func @_grad_body(%arg0: i32, %arg1: i32, %arg2: memref<10240x128xf32, #tpu.memory_space<hbm>>, %arg3: memref<16x160x128xi32, #tpu.memory_space<hbm>>, %arg4: memref<16x160x128xi32, #tpu.memory_space<hbm>>, %arg5: memref<2x10240x64xf32, #tpu.memory_space<hbm>>, %arg6: memref<2x10240xf32, #tpu.memory_space<hbm>>, %arg7: memref<80x128xi32, #tpu.memory_space<vmem>>, %arg8: memref<80x128xi32, #tpu.memory_space<vmem>>, %arg9: memref<128x64xf32, #tpu.memory_space<vmem>>, %arg10: memref<128x64xf32, #tpu.memory_space<vmem>>, %arg11: memref<128xf32, #tpu.memory_space<vmem>>, %arg12: memref<640xf32, #tpu.memory_space<vmem>>, %arg13: memref<10240x64xf32, #tpu.memory_space<vmem_shared>>, %arg14: memref<10240x64xf32, #tpu.memory_space<vmem_shared>>, %arg15: memref<10240xf32, #tpu.memory_space<vmem_shared>>, %arg16: memref<!tpu.dma_semaphore, #tpu.memory_space<semaphore_mem>>, %arg17: memref<!tpu.dma_semaphore, #tpu.memory_space<semaphore_mem>>, %arg18: memref<!tpu.dma_semaphore, #tpu.memory_space<semaphore_mem>>, %arg19: memref<!tpu.dma_semaphore, #tpu.memory_space<semaphore_mem>>) attributes {dimension_semantics = [#tpu.dimension_semantics<core_parallel>, #tpu.dimension_semantics<subcore_parallel>], iteration_bounds = array<i64: 2, 16>, scalar_prefetch = 0 : i64, scratch_operands = 13 : i64, tpu.core_type = #tpu.core_type<sc_vector_subcore>, window_params = [{transform_indices = #map}, {transform_indices = #map1}, {transform_indices = #map1}, {transform_indices = #map1}, {transform_indices = #map}]} {
    %broadcast_in_dim3A = arith.constant 0.000000e+00 : f32
    %broadcast_in_dim3A_0 = vector.broadcast %broadcast_in_dim3A : f32 to vector<16xf32>
    %scan3A = arith.constant 0 : i32
    %scan3A_1 = arith.constant 0 : i32
    %scan3A_2 = arith.constant 128 : i32
    %scan3A_3 = arith.addi %scan3A_1, %scan3A_2 : i32
    %scan3A_4 = arith.constant 1 : i32
    %scan3A_5 = scf.for %scan3A_138 = %scan3A_1 to %scan3A_3 step %scan3A_4 iter_args(%scan3A_139 = %scan3A) -> (i32)  : i32 {
      %swap3A_140 = arith.index_cast %scan3A_138 : i32 to index
      %swap3A_141 = arith.constant 0 : index
      %swap3A_142 = tpu.vector_load %arg9[%swap3A_140, %swap3A_141] {strides = array<i32>} : memref<128x64xf32, #tpu.memory_space<vmem>>, vector<1x16xf32>,
      %swap3A_143 = vector.shape_cast %swap3A_142 : vector<1x16xf32> to vector<16xf32>
      %swap3A_144 = vector.shape_cast %broadcast_in_dim3A_0 : vector<16xf32> to vector<1x16xf32>
      tpu.vector_store %arg9[%swap3A_140, %swap3A_141], %swap3A_144 {strides = array<i32>} : memref<128x64xf32, #tpu.memory_space<vmem>>, vector<1x16xf32>,
      %swap3A_145 = arith.index_cast %scan3A_138 : i32 to index
      %swap3A_146 = arith.constant 16 : index
      %swap3A_147 = tpu.vector_load %arg9[%swap3A_145, %swap3A_146] {strides = array<i32>} : memref<128x64xf32, #tpu.memory_space<vmem>>, vector<1x16xf32>,
      %swap3A_148 = vector.shape_cast %swap3A_147 : vector<1x16xf32> to vector<16xf32>
      %swap3A_149 = vector.shape_cast %broadcast_in_dim3A_0 : vector<16xf32> to vector<1x16xf32>
      tpu.vector_store %arg9[%swap3A_145, %swap3A_146], %swap3A_149 {strides = array<i32>} : memref<128x64xf32, #tpu.memory_space<vmem>>, vector<1x16xf32>,
      %swap3A_150 = arith.index_cast %scan3A_138 : i32 to index
      %swap3A_151 = arith.constant 32 : index
      %swap3A_152 = tpu.vector_load %arg9[%swap3A_150, %swap3A_151] {strides = array<i32>} : memref<128x64xf32, #tpu.memory_space<vmem>>, vector<1x16xf32>,
      %swap3A_153 = vector.shape_cast %swap3A_152 : vector<1x16xf32> to vector<16xf32>
      %swap3A_154 = vector.shape_cast %broadcast_in_dim3A_0 : vector<16xf32> to vector<1x16xf32>
      tpu.vector_store %arg9[%swap3A_150, %swap3A_151], %swap3A_154 {strides = array<i32>} : memref<128x64xf32, #tpu.memory_space<vmem>>, vector<1x16xf32>,
      %swap3A_155 = arith.index_cast %scan3A_138 : i32 to index
      %swap3A_156 = arith.constant 48 : index
      %swap3A_157 = tpu.vector_load %arg9[%swap3A_155, %swap3A_156] {strides = array<i32>} : memref<128x64xf32, #tpu.memory_space<vmem>>, vector<1x16xf32>,
      %swap3A_158 = vector.shape_cast %swap3A_157 : vector<1x16xf32> to vector<16xf32>
      %swap3A_159 = vector.shape_cast %broadcast_in_dim3A_0 : vector<16xf32> to vector<1x16xf32>
      tpu.vector_store %arg9[%swap3A_155, %swap3A_156], %swap3A_159 {strides = array<i32>} : memref<128x64xf32, #tpu.memory_space<vmem>>, vector<1x16xf32>,
      %scan3A_160 = arith.constant 0 : i32
      scf.yield %scan3A_160 : i32
    }
    %scan3A_6 = arith.constant 128 : i32
    %scan3A_7 = arith.constant 0 : i32
    %scan3A_8 = arith.constant 0 : i32
    %scan3A_9 = arith.constant 40 : i32
    %scan3A_10 = arith.addi %scan3A_8, %scan3A_9 : i32
    %scan3A_11 = arith.constant 1 : i32
    %scan3A_12 = scf.for %scan3A_138 = %scan3A_8 to %scan3A_10 step %scan3A_11 iter_args(%scan3A_139 = %scan3A_7) -> (i32)  : i32 {
      %mul3A_140 = arith.constant 16 : i32
      %mul3A_141 = arith.muli %scan3A_138, %mul3A_140 : i32
      %swap3A_142 = arith.index_cast %mul3A_141 : i32 to index
      %swap3A_143 = tpu.vector_load %arg12[%swap3A_142] {strides = array<i32>} : memref<640xf32, #tpu.memory_space<vmem>>, vector<16xf32>,
      %swap3A_144 = vector.shape_cast %swap3A_143 : vector<16xf32> to vector<16xf32>
      %swap3A_145 = vector.shape_cast %broadcast_in_dim3A_0 : vector<16xf32> to vector<16xf32>
      tpu.vector_store %arg12[%swap3A_142], %swap3A_145 {strides = array<i32>} : memref<640xf32, #tpu.memory_space<vmem>>, vector<16xf32>,
      %scan3A_146 = arith.constant 0 : i32
      scf.yield %scan3A_146 : i32
    }
    %scan3A_13 = arith.constant 40 : i32
    %broadcast_in_dim3A_14 = arith.constant 1.000000e+00 : f32
    %broadcast_in_dim3A_15 = vector.broadcast %broadcast_in_dim3A_14 : f32 to vector<16xf32>
    %swap3A = arith.constant 0 : index
    %swap3A_16 = tpu.vector_load %arg11[%swap3A] {strides = array<i32>} : memref<128xf32, #tpu.memory_space<vmem>>, vector<16xf32>,
    %swap3A_17 = vector.shape_cast %swap3A_16 : vector<16xf32> to vector<16xf32>
    %swap3A_18 = vector.shape_cast %broadcast_in_dim3A_15 : vector<16xf32> to vector<16xf32>
    tpu.vector_store %arg11[%swap3A], %swap3A_18 {strides = array<i32>} : memref<128xf32, #tpu.memory_space<vmem>>, vector<16xf32>,
    %broadcast_in_dim3A_19 = arith.constant 1.000000e+00 : f32
    %broadcast_in_dim3A_20 = vector.broadcast %broadcast_in_dim3A_19 : f32 to vector<16xf32>
    %swap3A_21 = arith.constant 16 : index
    %swap3A_22 = tpu.vector_load %arg11[%swap3A_21] {strides = array<i32>} : memref<128xf32, #tpu.memory_space<vmem>>, vector<16xf32>,
    %swap3A_23 = vector.shape_cast %swap3A_22 : vector<16xf32> to vector<16xf32>
    %swap3A_24 = vector.shape_cast %broadcast_in_dim3A_20 : vector<16xf32> to vector<16xf32>
    tpu.vector_store %arg11[%swap3A_21], %swap3A_24 {strides = array<i32>} : memref<128xf32, #tpu.memory_space<vmem>>, vector<16xf32>,
    %broadcast_in_dim3A_25 = arith.constant 1.000000e+00 : f32
    %broadcast_in_dim3A_26 = vector.broadcast %broadcast_in_dim3A_25 : f32 to vector<16xf32>
    %swap3A_27 = arith.constant 32 : index
    %swap3A_28 = tpu.vector_load %arg11[%swap3A_27] {strides = array<i32>} : memref<128xf32, #tpu.memory_space<vmem>>, vector<16xf32>,
    %swap3A_29 = vector.shape_cast %swap3A_28 : vector<16xf32> to vector<16xf32>
    %swap3A_30 = vector.shape_cast %broadcast_in_dim3A_26 : vector<16xf32> to vector<16xf32>
    tpu.vector_store %arg11[%swap3A_27], %swap3A_30 {strides = array<i32>} : memref<128xf32, #tpu.memory_space<vmem>>, vector<16xf32>,
    %broadcast_in_dim3A_31 = arith.constant 1.000000e+00 : f32
    %broadcast_in_dim3A_32 = vector.broadcast %broadcast_in_dim3A_31 : f32 to vector<16xf32>
    %swap3A_33 = arith.constant 48 : index
    %swap3A_34 = tpu.vector_load %arg11[%swap3A_33] {strides = array<i32>} : memref<128xf32, #tpu.memory_space<vmem>>, vector<16xf32>,
    %swap3A_35 = vector.shape_cast %swap3A_34 : vector<16xf32> to vector<16xf32>
    %swap3A_36 = vector.shape_cast %broadcast_in_dim3A_32 : vector<16xf32> to vector<16xf32>
    tpu.vector_store %arg11[%swap3A_33], %swap3A_36 {strides = array<i32>} : memref<128xf32, #tpu.memory_space<vmem>>, vector<16xf32>,
    %broadcast_in_dim3A_37 = arith.constant 1.000000e+00 : f32
    %broadcast_in_dim3A_38 = vector.broadcast %broadcast_in_dim3A_37 : f32 to vector<16xf32>
    %swap3A_39 = arith.constant 64 : index
    %swap3A_40 = tpu.vector_load %arg11[%swap3A_39] {strides = array<i32>} : memref<128xf32, #tpu.memory_space<vmem>>, vector<16xf32>,
    %swap3A_41 = vector.shape_cast %swap3A_40 : vector<16xf32> to vector<16xf32>
    %swap3A_42 = vector.shape_cast %broadcast_in_dim3A_38 : vector<16xf32> to vector<16xf32>
    tpu.vector_store %arg11[%swap3A_39], %swap3A_42 {strides = array<i32>} : memref<128xf32, #tpu.memory_space<vmem>>, vector<16xf32>,
    %broadcast_in_dim3A_43 = arith.constant 1.000000e+00 : f32
    %broadcast_in_dim3A_44 = vector.broadcast %broadcast_in_dim3A_43 : f32 to vector<16xf32>
    %swap3A_45 = arith.constant 80 : index
    %swap3A_46 = tpu.vector_load %arg11[%swap3A_45] {strides = array<i32>} : memref<128xf32, #tpu.memory_space<vmem>>, vector<16xf32>,
    %swap3A_47 = vector.shape_cast %swap3A_46 : vector<16xf32> to vector<16xf32>
    %swap3A_48 = vector.shape_cast %broadcast_in_dim3A_44 : vector<16xf32> to vector<16xf32>
    tpu.vector_store %arg11[%swap3A_45], %swap3A_48 {strides = array<i32>} : memref<128xf32, #tpu.memory_space<vmem>>, vector<16xf32>,
    %broadcast_in_dim3A_49 = arith.constant 1.000000e+00 : f32
    %broadcast_in_dim3A_50 = vector.broadcast %broadcast_in_dim3A_49 : f32 to vector<16xf32>
    %swap3A_51 = arith.constant 96 : index
    %swap3A_52 = tpu.vector_load %arg11[%swap3A_51] {strides = array<i32>} : memref<128xf32, #tpu.memory_space<vmem>>, vector<16xf32>,
    %swap3A_53 = vector.shape_cast %swap3A_52 : vector<16xf32> to vector<16xf32>
    %swap3A_54 = vector.shape_cast %broadcast_in_dim3A_50 : vector<16xf32> to vector<16xf32>
    tpu.vector_store %arg11[%swap3A_51], %swap3A_54 {strides = array<i32>} : memref<128xf32, #tpu.memory_space<vmem>>, vector<16xf32>,
    %broadcast_in_dim3A_55 = arith.constant 1.000000e+00 : f32
    %broadcast_in_dim3A_56 = vector.broadcast %broadcast_in_dim3A_55 : f32 to vector<16xf32>
    %swap3A_57 = arith.constant 112 : index
    %swap3A_58 = tpu.vector_load %arg11[%swap3A_57] {strides = array<i32>} : memref<128xf32, #tpu.memory_space<vmem>>, vector<16xf32>,
    %swap3A_59 = vector.shape_cast %swap3A_58 : vector<16xf32> to vector<16xf32>
    %swap3A_60 = vector.shape_cast %broadcast_in_dim3A_56 : vector<16xf32> to vector<16xf32>
    tpu.vector_store %arg11[%swap3A_57], %swap3A_60 {strides = array<i32>} : memref<128xf32, #tpu.memory_space<vmem>>, vector<16xf32>,
    %mul3A = arith.constant 640 : i32
    %mul3A_61 = arith.muli %arg1, %mul3A : i32
    %add3A = arith.constant 0 : i32
    %add3A_62 = arith.addi %mul3A_61, %add3A : i32
    "tpu.region"() ({
      %run_scoped3A = tpu.sem_alloc : memref<!tpu.dma_semaphore, #tpu.memory_space<semaphore_mem>>
      %dma_start3A_138 = arith.constant 0 : i32
      %dma_start3A_139 = tpu.memref_slice %arg14[%add3A_62, %dma_start3A_138] : memref<10240x64xf32, #tpu.memory_space<vmem_shared>> -> memref<128x64xf32, #tpu.memory_space<vmem_shared>>
      %dma_start3A_140 = arith.constant 0 : i32
      %dma_start3A_141 = tpu.memref_slice %arg14[%add3A_62, %dma_start3A_140] : memref<10240x64xf32, #tpu.memory_space<vmem_shared>> -> memref<128x64xf32, #tpu.memory_space<vmem_shared>>
      tpu.enqueue_dma source(%arg9 : memref<128x64xf32, #tpu.memory_space<vmem>>) target(%dma_start3A_141 : memref<128x64xf32, #tpu.memory_space<vmem_shared>>) target_semaphore(%run_scoped3A : memref<!tpu.dma_semaphore, #tpu.memory_space<semaphore_mem>>)
      %dma_wait3A_142 = arith.constant 0 : i32
      %dma_wait3A_143 = tpu.memref_slice %arg14[%add3A_62, %dma_wait3A_142] : memref<10240x64xf32, #tpu.memory_space<vmem_shared>> -> memref<128x64xf32, #tpu.memory_space<vmem_shared>>
      %dma_wait3A_144 = arith.constant 0 : i32
      %dma_wait3A_145 = tpu.memref_slice %arg14[%add3A_62, %dma_wait3A_144] : memref<10240x64xf32, #tpu.memory_space<vmem_shared>> -> memref<128x64xf32, #tpu.memory_space<vmem_shared>>
      tpu.wait_dma2 semaphore(%run_scoped3A : memref<!tpu.dma_semaphore, #tpu.memory_space<semaphore_mem>>) src(%arg9 : memref<128x64xf32, #tpu.memory_space<vmem>>) dst(%dma_wait3A_145 : memref<128x64xf32, #tpu.memory_space<vmem_shared>>)
      tpu.yield
    }) : () -> ()
    %add3A_63 = arith.constant 128 : i32
    %add3A_64 = arith.addi %mul3A_61, %add3A_63 : i32
    "tpu.region"() ({
      %run_scoped3A = tpu.sem_alloc : memref<!tpu.dma_semaphore, #tpu.memory_space<semaphore_mem>>
      %dma_start3A_138 = arith.constant 0 : i32
      %dma_start3A_139 = tpu.memref_slice %arg14[%add3A_64, %dma_start3A_138] : memref<10240x64xf32, #tpu.memory_space<vmem_shared>> -> memref<128x64xf32, #tpu.memory_space<vmem_shared>>
      %dma_start3A_140 = arith.constant 0 : i32
      %dma_start3A_141 = tpu.memref_slice %arg14[%add3A_64, %dma_start3A_140] : memref<10240x64xf32, #tpu.memory_space<vmem_shared>> -> memref<128x64xf32, #tpu.memory_space<vmem_shared>>
      tpu.enqueue_dma source(%arg9 : memref<128x64xf32, #tpu.memory_space<vmem>>) target(%dma_start3A_141 : memref<128x64xf32, #tpu.memory_space<vmem_shared>>) target_semaphore(%run_scoped3A : memref<!tpu.dma_semaphore, #tpu.memory_space<semaphore_mem>>)
      %dma_wait3A_142 = arith.constant 0 : i32
      %dma_wait3A_143 = tpu.memref_slice %arg14[%add3A_64, %dma_wait3A_142] : memref<10240x64xf32, #tpu.memory_space<vmem_shared>> -> memref<128x64xf32, #tpu.memory_space<vmem_shared>>
      %dma_wait3A_144 = arith.constant 0 : i32
      %dma_wait3A_145 = tpu.memref_slice %arg14[%add3A_64, %dma_wait3A_144] : memref<10240x64xf32, #tpu.memory_space<vmem_shared>> -> memref<128x64xf32, #tpu.memory_space<vmem_shared>>
      tpu.wait_dma2 semaphore(%run_scoped3A : memref<!tpu.dma_semaphore, #tpu.memory_space<semaphore_mem>>) src(%arg9 : memref<128x64xf32, #tpu.memory_space<vmem>>) dst(%dma_wait3A_145 : memref<128x64xf32, #tpu.memory_space<vmem_shared>>)
      tpu.yield
    }) : () -> ()
    %add3A_65 = arith.constant 256 : i32
    %add3A_66 = arith.addi %mul3A_61, %add3A_65 : i32
    "tpu.region"() ({
      %run_scoped3A = tpu.sem_alloc : memref<!tpu.dma_semaphore, #tpu.memory_space<semaphore_mem>>
      %dma_start3A_138 = arith.constant 0 : i32
      %dma_start3A_139 = tpu.memref_slice %arg14[%add3A_66, %dma_start3A_138] : memref<10240x64xf32, #tpu.memory_space<vmem_shared>> -> memref<128x64xf32, #tpu.memory_space<vmem_shared>>
      %dma_start3A_140 = arith.constant 0 : i32
      %dma_start3A_141 = tpu.memref_slice %arg14[%add3A_66, %dma_start3A_140] : memref<10240x64xf32, #tpu.memory_space<vmem_shared>> -> memref<128x64xf32, #tpu.memory_space<vmem_shared>>
      tpu.enqueue_dma source(%arg9 : memref<128x64xf32, #tpu.memory_space<vmem>>) target(%dma_start3A_141 : memref<128x64xf32, #tpu.memory_space<vmem_shared>>) target_semaphore(%run_scoped3A : memref<!tpu.dma_semaphore, #tpu.memory_space<semaphore_mem>>)
      %dma_wait3A_142 = arith.constant 0 : i32
      %dma_wait3A_143 = tpu.memref_slice %arg14[%add3A_66, %dma_wait3A_142] : memref<10240x64xf32, #tpu.memory_space<vmem_shared>> -> memref<128x64xf32, #tpu.memory_space<vmem_shared>>
      %dma_wait3A_144 = arith.constant 0 : i32
      %dma_wait3A_145 = tpu.memref_slice %arg14[%add3A_66, %dma_wait3A_144] : memref<10240x64xf32, #tpu.memory_space<vmem_shared>> -> memref<128x64xf32, #tpu.memory_space<vmem_shared>>
      tpu.wait_dma2 semaphore(%run_scoped3A : memref<!tpu.dma_semaphore, #tpu.memory_space<semaphore_mem>>) src(%arg9 : memref<128x64xf32, #tpu.memory_space<vmem>>) dst(%dma_wait3A_145 : memref<128x64xf32, #tpu.memory_space<vmem_shared>>)
      tpu.yield
    }) : () -> ()
    %add3A_67 = arith.constant 384 : i32
    %add3A_68 = arith.addi %mul3A_61, %add3A_67 : i32
    "tpu.region"() ({
      %run_scoped3A = tpu.sem_alloc : memref<!tpu.dma_semaphore, #tpu.memory_space<semaphore_mem>>
      %dma_start3A_138 = arith.constant 0 : i32
      %dma_start3A_139 = tpu.memref_slice %arg14[%add3A_68, %dma_start3A_138] : memref<10240x64xf32, #tpu.memory_space<vmem_shared>> -> memref<128x64xf32, #tpu.memory_space<vmem_shared>>
      %dma_start3A_140 = arith.constant 0 : i32
      %dma_start3A_141 = tpu.memref_slice %arg14[%add3A_68, %dma_start3A_140] : memref<10240x64xf32, #tpu.memory_space<vmem_shared>> -> memref<128x64xf32, #tpu.memory_space<vmem_shared>>
      tpu.enqueue_dma source(%arg9 : memref<128x64xf32, #tpu.memory_space<vmem>>) target(%dma_start3A_141 : memref<128x64xf32, #tpu.memory_space<vmem_shared>>) target_semaphore(%run_scoped3A : memref<!tpu.dma_semaphore, #tpu.memory_space<semaphore_mem>>)
      %dma_wait3A_142 = arith.constant 0 : i32
      %dma_wait3A_143 = tpu.memref_slice %arg14[%add3A_68, %dma_wait3A_142] : memref<10240x64xf32, #tpu.memory_space<vmem_shared>> -> memref<128x64xf32, #tpu.memory_space<vmem_shared>>
      %dma_wait3A_144 = arith.constant 0 : i32
      %dma_wait3A_145 = tpu.memref_slice %arg14[%add3A_68, %dma_wait3A_144] : memref<10240x64xf32, #tpu.memory_space<vmem_shared>> -> memref<128x64xf32, #tpu.memory_space<vmem_shared>>
      tpu.wait_dma2 semaphore(%run_scoped3A : memref<!tpu.dma_semaphore, #tpu.memory_space<semaphore_mem>>) src(%arg9 : memref<128x64xf32, #tpu.memory_space<vmem>>) dst(%dma_wait3A_145 : memref<128x64xf32, #tpu.memory_space<vmem_shared>>)
      tpu.yield
    }) : () -> ()
    %add3A_69 = arith.constant 512 : i32
    %add3A_70 = arith.addi %mul3A_61, %add3A_69 : i32
    "tpu.region"() ({
      %run_scoped3A = tpu.sem_alloc : memref<!tpu.dma_semaphore, #tpu.memory_space<semaphore_mem>>
      %dma_start3A_138 = arith.constant 0 : i32
      %dma_start3A_139 = tpu.memref_slice %arg14[%add3A_70, %dma_start3A_138] : memref<10240x64xf32, #tpu.memory_space<vmem_shared>> -> memref<128x64xf32, #tpu.memory_space<vmem_shared>>
      %dma_start3A_140 = arith.constant 0 : i32
      %dma_start3A_141 = tpu.memref_slice %arg14[%add3A_70, %dma_start3A_140] : memref<10240x64xf32, #tpu.memory_space<vmem_shared>> -> memref<128x64xf32, #tpu.memory_space<vmem_shared>>
      tpu.enqueue_dma source(%arg9 : memref<128x64xf32, #tpu.memory_space<vmem>>) target(%dma_start3A_141 : memref<128x64xf32, #tpu.memory_space<vmem_shared>>) target_semaphore(%run_scoped3A : memref<!tpu.dma_semaphore, #tpu.memory_space<semaphore_mem>>)
      %dma_wait3A_142 = arith.constant 0 : i32
      %dma_wait3A_143 = tpu.memref_slice %arg14[%add3A_70, %dma_wait3A_142] : memref<10240x64xf32, #tpu.memory_space<vmem_shared>> -> memref<128x64xf32, #tpu.memory_space<vmem_shared>>
      %dma_wait3A_144 = arith.constant 0 : i32
      %dma_wait3A_145 = tpu.memref_slice %arg14[%add3A_70, %dma_wait3A_144] : memref<10240x64xf32, #tpu.memory_space<vmem_shared>> -> memref<128x64xf32, #tpu.memory_space<vmem_shared>>
      tpu.wait_dma2 semaphore(%run_scoped3A : memref<!tpu.dma_semaphore, #tpu.memory_space<semaphore_mem>>) src(%arg9 : memref<128x64xf32, #tpu.memory_space<vmem>>) dst(%dma_wait3A_145 : memref<128x64xf32, #tpu.memory_space<vmem_shared>>)
      tpu.yield
    }) : () -> ()
    "tpu.region"() ({
      %run_scoped3A = tpu.sem_alloc : memref<!tpu.dma_semaphore, #tpu.memory_space<semaphore_mem>>
      %dma_start3A_138 = tpu.memref_slice %arg15[%mul3A_61] : memref<10240xf32, #tpu.memory_space<vmem_shared>> -> memref<640xf32, #tpu.memory_space<vmem_shared>>
      %dma_start3A_139 = tpu.memref_slice %arg15[%mul3A_61] : memref<10240xf32, #tpu.memory_space<vmem_shared>> -> memref<640xf32, #tpu.memory_space<vmem_shared>>
      tpu.enqueue_dma source(%arg12 : memref<640xf32, #tpu.memory_space<vmem>>) target(%dma_start3A_139 : memref<640xf32, #tpu.memory_space<vmem_shared>>) target_semaphore(%run_scoped3A : memref<!tpu.dma_semaphore, #tpu.memory_space<semaphore_mem>>)
      %dma_wait3A_140 = tpu.memref_slice %arg15[%mul3A_61] : memref<10240xf32, #tpu.memory_space<vmem_shared>> -> memref<640xf32, #tpu.memory_space<vmem_shared>>
      %dma_wait3A_141 = tpu.memref_slice %arg15[%mul3A_61] : memref<10240xf32, #tpu.memory_space<vmem_shared>> -> memref<640xf32, #tpu.memory_space<vmem_shared>>
      tpu.wait_dma2 semaphore(%run_scoped3A : memref<!tpu.dma_semaphore, #tpu.memory_space<semaphore_mem>>) src(%arg12 : memref<640xf32, #tpu.memory_space<vmem>>) dst(%dma_wait3A_141 : memref<640xf32, #tpu.memory_space<vmem_shared>>)
      tpu.yield
    }) : () -> ()
    %mul3A_71 = arith.constant 64 : i32
    %mul3A_72 = arith.muli %arg0, %mul3A_71 : i32
    "tpu.region"() ({
      %run_scoped3A = tpu.sem_alloc : memref<!tpu.dma_semaphore, #tpu.memory_space<semaphore_mem>>
      %dma_start3A_138 = arith.constant 0 : i32
      %dma_start3A_139 = tpu.memref_slice %arg13[%mul3A_61, %dma_start3A_138] : memref<10240x64xf32, #tpu.memory_space<vmem_shared>> -> memref<640x64xf32, #tpu.memory_space<vmem_shared>>
      %dma_start3A_140 = tpu.memref_slice %arg2[%mul3A_61, %mul3A_72] : memref<10240x128xf32, #tpu.memory_space<hbm>> -> memref<640x64xf32, #tpu.memory_space<hbm>>
      tpu.enqueue_dma source(%dma_start3A_140 : memref<640x64xf32, #tpu.memory_space<hbm>>) target(%dma_start3A_139 : memref<640x64xf32, #tpu.memory_space<vmem_shared>>) target_semaphore(%run_scoped3A : memref<!tpu.dma_semaphore, #tpu.memory_space<semaphore_mem>>)
      %dma_wait3A_141 = arith.constant 0 : i32
      %dma_wait3A_142 = tpu.memref_slice %arg13[%mul3A_61, %dma_wait3A_141] : memref<10240x64xf32, #tpu.memory_space<vmem_shared>> -> memref<640x64xf32, #tpu.memory_space<vmem_shared>>
      %dma_wait3A_143 = tpu.memref_slice %arg2[%mul3A_61, %mul3A_72] : memref<10240x128xf32, #tpu.memory_space<hbm>> -> memref<640x64xf32, #tpu.memory_space<hbm>>
      tpu.wait_dma2 semaphore(%run_scoped3A : memref<!tpu.dma_semaphore, #tpu.memory_space<semaphore_mem>>) src(%dma_wait3A_143 : memref<640x64xf32, #tpu.memory_space<hbm>>) dst(%dma_wait3A_142 : memref<640x64xf32, #tpu.memory_space<vmem_shared>>)
      tpu.yield
    }) : () -> ()
    %barrier3A = arith.constant 0 : index
    tpu.barrier barrier_id(%barrier3A)
    "tpu.region"() ({
      %run_scoped3A = tpu.sem_alloc : memref<!tpu.dma_semaphore, #tpu.memory_space<semaphore_mem>>
      %dma_start3A_138 = arith.constant 0 : i32
      %dma_start3A_139 = arith.constant 0 : i32
      %dma_start3A_140 = tpu.memref_slice %arg3[%arg1, %dma_start3A_138, %dma_start3A_139] : memref<16x160x128xi32, #tpu.memory_space<hbm>> -> memref<1x80x128xi32, #tpu.memory_space<hbm>>
      %dma_start3A_141 = tpu.memref_squeeze %dma_start3A_140 : memref<1x80x128xi32, #tpu.memory_space<hbm>> -> memref<80x128xi32, #tpu.memory_space<hbm>>
      %dma_start3A_142 = arith.constant 0 : i32
      %dma_start3A_143 = arith.constant 0 : i32
      %dma_start3A_144 = tpu.memref_slice %arg3[%arg1, %dma_start3A_142, %dma_start3A_143] : memref<16x160x128xi32, #tpu.memory_space<hbm>> -> memref<1x80x128xi32, #tpu.memory_space<hbm>>
      %dma_start3A_145 = tpu.memref_squeeze %dma_start3A_144 : memref<1x80x128xi32, #tpu.memory_space<hbm>> -> memref<80x128xi32, #tpu.memory_space<hbm>>
      tpu.enqueue_dma source(%dma_start3A_145 : memref<80x128xi32, #tpu.memory_space<hbm>>) target(%arg7 : memref<80x128xi32, #tpu.memory_space<vmem>>) target_semaphore(%run_scoped3A : memref<!tpu.dma_semaphore, #tpu.memory_space<semaphore_mem>>)
      %dma_wait3A_146 = arith.constant 0 : i32
      %dma_wait3A_147 = arith.constant 0 : i32
      %dma_wait3A_148 = tpu.memref_slice %arg3[%arg1, %dma_wait3A_146, %dma_wait3A_147] : memref<16x160x128xi32, #tpu.memory_space<hbm>> -> memref<1x80x128xi32, #tpu.memory_space<hbm>>
      %dma_wait3A_149 = tpu.memref_squeeze %dma_wait3A_148 : memref<1x80x128xi32, #tpu.memory_space<hbm>> -> memref<80x128xi32, #tpu.memory_space<hbm>>
      %dma_wait3A_150 = arith.constant 0 : i32
      %dma_wait3A_151 = arith.constant 0 : i32
      %dma_wait3A_152 = tpu.memref_slice %arg3[%arg1, %dma_wait3A_150, %dma_wait3A_151] : memref<16x160x128xi32, #tpu.memory_space<hbm>> -> memref<1x80x128xi32, #tpu.memory_space<hbm>>
      %dma_wait3A_153 = tpu.memref_squeeze %dma_wait3A_152 : memref<1x80x128xi32, #tpu.memory_space<hbm>> -> memref<80x128xi32, #tpu.memory_space<hbm>>
      tpu.wait_dma2 semaphore(%run_scoped3A : memref<!tpu.dma_semaphore, #tpu.memory_space<semaphore_mem>>) src(%dma_wait3A_153 : memref<80x128xi32, #tpu.memory_space<hbm>>) dst(%arg7 : memref<80x128xi32, #tpu.memory_space<vmem>>)
      tpu.yield
    }) : () -> ()
    "tpu.region"() ({
      %run_scoped3A = tpu.sem_alloc : memref<!tpu.dma_semaphore, #tpu.memory_space<semaphore_mem>>
      %dma_start3A_138 = arith.constant 0 : i32
      %dma_start3A_139 = arith.constant 0 : i32
      %dma_start3A_140 = tpu.memref_slice %arg4[%arg1, %dma_start3A_138, %dma_start3A_139] : memref<16x160x128xi32, #tpu.memory_space<hbm>> -> memref<1x80x128xi32, #tpu.memory_space<hbm>>
      %dma_start3A_141 = tpu.memref_squeeze %dma_start3A_140 : memref<1x80x128xi32, #tpu.memory_space<hbm>> -> memref<80x128xi32, #tpu.memory_space<hbm>>
      %dma_start3A_142 = arith.constant 0 : i32
      %dma_start3A_143 = arith.constant 0 : i32
      %dma_start3A_144 = tpu.memref_slice %arg4[%arg1, %dma_start3A_142, %dma_start3A_143] : memref<16x160x128xi32, #tpu.memory_space<hbm>> -> memref<1x80x128xi32, #tpu.memory_space<hbm>>
      %dma_start3A_145 = tpu.memref_squeeze %dma_start3A_144 : memref<1x80x128xi32, #tpu.memory_space<hbm>> -> memref<80x128xi32, #tpu.memory_space<hbm>>
      tpu.enqueue_dma source(%dma_start3A_145 : memref<80x128xi32, #tpu.memory_space<hbm>>) target(%arg8 : memref<80x128xi32, #tpu.memory_space<vmem>>) target_semaphore(%run_scoped3A : memref<!tpu.dma_semaphore, #tpu.memory_space<semaphore_mem>>)
      %dma_wait3A_146 = arith.constant 0 : i32
      %dma_wait3A_147 = arith.constant 0 : i32
      %dma_wait3A_148 = tpu.memref_slice %arg4[%arg1, %dma_wait3A_146, %dma_wait3A_147] : memref<16x160x128xi32, #tpu.memory_space<hbm>> -> memref<1x80x128xi32, #tpu.memory_space<hbm>>
      %dma_wait3A_149 = tpu.memref_squeeze %dma_wait3A_148 : memref<1x80x128xi32, #tpu.memory_space<hbm>> -> memref<80x128xi32, #tpu.memory_space<hbm>>
      %dma_wait3A_150 = arith.constant 0 : i32
      %dma_wait3A_151 = arith.constant 0 : i32
      %dma_wait3A_152 = tpu.memref_slice %arg4[%arg1, %dma_wait3A_150, %dma_wait3A_151] : memref<16x160x128xi32, #tpu.memory_space<hbm>> -> memref<1x80x128xi32, #tpu.memory_space<hbm>>
      %dma_wait3A_153 = tpu.memref_squeeze %dma_wait3A_152 : memref<1x80x128xi32, #tpu.memory_space<hbm>> -> memref<80x128xi32, #tpu.memory_space<hbm>>
      tpu.wait_dma2 semaphore(%run_scoped3A : memref<!tpu.dma_semaphore, #tpu.memory_space<semaphore_mem>>) src(%dma_wait3A_153 : memref<80x128xi32, #tpu.memory_space<hbm>>) dst(%arg8 : memref<80x128xi32, #tpu.memory_space<vmem>>)
      tpu.yield
    }) : () -> ()
    %dma_start3A = arith.constant 0 : i32
    %dma_start3A_73 = arith.constant 0 : i32
    %dma_start3A_74 = tpu.memref_slice %arg7[%dma_start3A, %dma_start3A_73] : memref<80x128xi32, #tpu.memory_space<vmem>> -> memref<1x128xi32, #tpu.memory_space<vmem>>
    %dma_start3A_75 = tpu.memref_squeeze %dma_start3A_74 : memref<1x128xi32, #tpu.memory_space<vmem>> -> memref<128xi32, #tpu.memory_space<vmem>>
    %dma_start3A_76 = arith.constant 0 : i32
    %dma_start3A_77 = arith.constant 0 : i32
    %dma_start3A_78 = tpu.memref_slice %arg13[%dma_start3A_76, %dma_start3A_77] : memref<10240x64xf32, #tpu.memory_space<vmem_shared>> -> memref<10240x64xf32, #tpu.memory_space<vmem_shared>>
    tpu.enqueue_indirect_dma source(%dma_start3A_78 : memref<10240x64xf32, #tpu.memory_space<vmem_shared>>) target(%arg9 : memref<128x64xf32, #tpu.memory_space<vmem>>) offsets(%dma_start3A_75 : memref<128xi32, #tpu.memory_space<vmem>>) semaphore(%arg16 : memref<!tpu.dma_semaphore, #tpu.memory_space<semaphore_mem>>)
    %scan3A_79 = arith.constant 0 : i32
    %scan3A_80 = arith.constant 0 : i32
    %scan3A_81 = arith.constant 40 : i32
    %scan3A_82 = arith.addi %scan3A_80, %scan3A_81 : i32
    %scan3A_83 = arith.constant 1 : i32
    %scan3A_84 = scf.for %scan3A_138 = %scan3A_80 to %scan3A_82 step %scan3A_83 iter_args(%scan3A_139 = %scan3A_79) -> (i32)  : i32 {
      %mul3A_140 = arith.constant 2 : i32
      %mul3A_141 = arith.muli %mul3A_140, %scan3A_138 : i32
      %add3A_142 = arith.constant 0 : i32
      %add3A_143 = arith.addi %mul3A_141, %add3A_142 : i32
      %dma_wait3A_144 = arith.constant 0 : i32
      %dma_wait3A_145 = tpu.memref_slice %arg7[%add3A_143, %dma_wait3A_144] : memref<80x128xi32, #tpu.memory_space<vmem>> -> memref<1x128xi32, #tpu.memory_space<vmem>>
      %dma_wait3A_146 = tpu.memref_squeeze %dma_wait3A_145 : memref<1x128xi32, #tpu.memory_space<vmem>> -> memref<128xi32, #tpu.memory_space<vmem>>
      %dma_wait3A_147 = arith.constant 0 : i32
      %dma_wait3A_148 = arith.constant 0 : i32
      %dma_wait3A_149 = tpu.memref_slice %arg13[%dma_wait3A_147, %dma_wait3A_148] : memref<10240x64xf32, #tpu.memory_space<vmem_shared>> -> memref<10240x64xf32, #tpu.memory_space<vmem_shared>>
      tpu.wait_indirect_dma semaphore(%arg16 : memref<!tpu.dma_semaphore, #tpu.memory_space<semaphore_mem>>) src(%dma_wait3A_149 : memref<10240x64xf32, #tpu.memory_space<vmem_shared>>) dst(%arg9 : memref<128x64xf32, #tpu.memory_space<vmem>>)
      %add3A_150 = arith.constant 1 : i32
      %add3A_151 = arith.addi %add3A_143, %add3A_150 : i32
      %lt3A = arith.constant 80 : i32
      %lt3A_152 = arith.cmpi slt, %add3A_151, %lt3A : i32
      %convert_element_type3A = arith.extui %lt3A_152 : i1 to i32
      %cond3A = arith.constant 0 : i32
      %cond3A_153 = arith.cmpi ne, %convert_element_type3A, %cond3A : i32
      scf.if %cond3A_153 {
        %ge3A = arith.constant 1 : i32
        %ge3A_184 = arith.cmpi sge, %add3A_143, %ge3A : i32
        %convert_element_type3A_185 = arith.extui %ge3A_184 : i1 to i32
        %cond3A_186 = arith.constant 0 : i32
        %cond3A_187 = arith.cmpi ne, %convert_element_type3A_185, %cond3A_186 : i32
        scf.if %cond3A_187 {
          %dma_wait3A_196 = arith.constant 0 : i32
          %dma_wait3A_197 = tpu.memref_slice %arg8[%add3A_143, %dma_wait3A_196] : memref<80x128xi32, #tpu.memory_space<vmem>> -> memref<1x128xi32, #tpu.memory_space<vmem>>
          %dma_wait3A_198 = tpu.memref_squeeze %dma_wait3A_197 : memref<1x128xi32, #tpu.memory_space<vmem>> -> memref<128xi32, #tpu.memory_space<vmem>>
          %dma_wait3A_199 = arith.constant 0 : i32
          %dma_wait3A_200 = arith.constant 0 : i32
          %dma_wait3A_201 = tpu.memref_slice %arg14[%dma_wait3A_199, %dma_wait3A_200] : memref<10240x64xf32, #tpu.memory_space<vmem_shared>> -> memref<10240x64xf32, #tpu.memory_space<vmem_shared>>
          tpu.wait_indirect_dma semaphore(%arg19 : memref<!tpu.dma_semaphore, #tpu.memory_space<semaphore_mem>>) src(%arg10 : memref<128x64xf32, #tpu.memory_space<vmem>>) dst(%dma_wait3A_201 : memref<10240x64xf32, #tpu.memory_space<vmem_shared>>)
        } else {
        }
        %add3A_188 = arith.constant 1 : i32
        %add3A_189 = arith.addi %add3A_143, %add3A_188 : i32
        %dma_start3A_190 = arith.constant 0 : i32
        %dma_start3A_191 = tpu.memref_slice %arg7[%add3A_189, %dma_start3A_190] : memref<80x128xi32, #tpu.memory_space<vmem>> -> memref<1x128xi32, #tpu.memory_space<vmem>>
        %dma_start3A_192 = tpu.memref_squeeze %dma_start3A_191 : memref<1x128xi32, #tpu.memory_space<vmem>> -> memref<128xi32, #tpu.memory_space<vmem>>
        %dma_start3A_193 = arith.constant 0 : i32
        %dma_start3A_194 = arith.constant 0 : i32
        %dma_start3A_195 = tpu.memref_slice %arg13[%dma_start3A_193, %dma_start3A_194] : memref<10240x64xf32, #tpu.memory_space<vmem_shared>> -> memref<10240x64xf32, #tpu.memory_space<vmem_shared>>
        tpu.enqueue_indirect_dma source(%dma_start3A_195 : memref<10240x64xf32, #tpu.memory_space<vmem_shared>>) target(%arg10 : memref<128x64xf32, #tpu.memory_space<vmem>>) offsets(%dma_start3A_192 : memref<128xi32, #tpu.memory_space<vmem>>) semaphore(%arg17 : memref<!tpu.dma_semaphore, #tpu.memory_space<semaphore_mem>>)
      } else {
      }
      %dma_start3A_154 = arith.constant 0 : i32
      %dma_start3A_155 = tpu.memref_slice %arg8[%add3A_143, %dma_start3A_154] : memref<80x128xi32, #tpu.memory_space<vmem>> -> memref<1x128xi32, #tpu.memory_space<vmem>>
      %dma_start3A_156 = tpu.memref_squeeze %dma_start3A_155 : memref<1x128xi32, #tpu.memory_space<vmem>> -> memref<128xi32, #tpu.memory_space<vmem>>
      %dma_start3A_157 = arith.constant 0 : i32
      %dma_start3A_158 = arith.constant 0 : i32
      %dma_start3A_159 = tpu.memref_slice %arg14[%dma_start3A_157, %dma_start3A_158] : memref<10240x64xf32, #tpu.memory_space<vmem_shared>> -> memref<10240x64xf32, #tpu.memory_space<vmem_shared>>
      tpu.enqueue_indirect_dma source(%arg9 : memref<128x64xf32, #tpu.memory_space<vmem>>) target(%dma_start3A_159 : memref<10240x64xf32, #tpu.memory_space<vmem_shared>>) offsets(%dma_start3A_156 : memref<128xi32, #tpu.memory_space<vmem>>) semaphore(%arg18 : memref<!tpu.dma_semaphore, #tpu.memory_space<semaphore_mem>>) {add = true}
      %mul3A_160 = arith.constant 2 : i32
      %mul3A_161 = arith.muli %mul3A_160, %scan3A_138 : i32
      %add3A_162 = arith.constant 1 : i32
      %add3A_163 = arith.addi %mul3A_161, %add3A_162 : i32
      %dma_wait3A_164 = arith.constant 0 : i32
      %dma_wait3A_165 = tpu.memref_slice %arg7[%add3A_163, %dma_wait3A_164] : memref<80x128xi32, #tpu.memory_space<vmem>> -> memref<1x128xi32, #tpu.memory_space<vmem>>
      %dma_wait3A_166 = tpu.memref_squeeze %dma_wait3A_165 : memref<1x128xi32, #tpu.memory_space<vmem>> -> memref<128xi32, #tpu.memory_space<vmem>>
      %dma_wait3A_167 = arith.constant 0 : i32
      %dma_wait3A_168 = arith.constant 0 : i32
      %dma_wait3A_169 = tpu.memref_slice %arg13[%dma_wait3A_167, %dma_wait3A_168] : memref<10240x64xf32, #tpu.memory_space<vmem_shared>> -> memref<10240x64xf32, #tpu.memory_space<vmem_shared>>
      tpu.wait_indirect_dma semaphore(%arg17 : memref<!tpu.dma_semaphore, #tpu.memory_space<semaphore_mem>>) src(%dma_wait3A_169 : memref<10240x64xf32, #tpu.memory_space<vmem_shared>>) dst(%arg10 : memref<128x64xf32, #tpu.memory_space<vmem>>)
      %add3A_170 = arith.constant 1 : i32
      %add3A_171 = arith.addi %add3A_163, %add3A_170 : i32
      %lt3A_172 = arith.constant 80 : i32
      %lt3A_173 = arith.cmpi slt, %add3A_171, %lt3A_172 : i32
      %convert_element_type3A_174 = arith.extui %lt3A_173 : i1 to i32
      %cond3A_175 = arith.constant 0 : i32
      %cond3A_176 = arith.cmpi ne, %convert_element_type3A_174, %cond3A_175 : i32
      scf.if %cond3A_176 {
        %ge3A = arith.constant 1 : i32
        %ge3A_184 = arith.cmpi sge, %add3A_163, %ge3A : i32
        %convert_element_type3A_185 = arith.extui %ge3A_184 : i1 to i32
        %cond3A_186 = arith.constant 0 : i32
        %cond3A_187 = arith.cmpi ne, %convert_element_type3A_185, %cond3A_186 : i32
        scf.if %cond3A_187 {
          %dma_wait3A_196 = arith.constant 0 : i32
          %dma_wait3A_197 = tpu.memref_slice %arg8[%add3A_163, %dma_wait3A_196] : memref<80x128xi32, #tpu.memory_space<vmem>> -> memref<1x128xi32, #tpu.memory_space<vmem>>
          %dma_wait3A_198 = tpu.memref_squeeze %dma_wait3A_197 : memref<1x128xi32, #tpu.memory_space<vmem>> -> memref<128xi32, #tpu.memory_space<vmem>>
          %dma_wait3A_199 = arith.constant 0 : i32
          %dma_wait3A_200 = arith.constant 0 : i32
          %dma_wait3A_201 = tpu.memref_slice %arg14[%dma_wait3A_199, %dma_wait3A_200] : memref<10240x64xf32, #tpu.memory_space<vmem_shared>> -> memref<10240x64xf32, #tpu.memory_space<vmem_shared>>
          tpu.wait_indirect_dma semaphore(%arg18 : memref<!tpu.dma_semaphore, #tpu.memory_space<semaphore_mem>>) src(%arg9 : memref<128x64xf32, #tpu.memory_space<vmem>>) dst(%dma_wait3A_201 : memref<10240x64xf32, #tpu.memory_space<vmem_shared>>)
        } else {
        }
        %add3A_188 = arith.constant 1 : i32
        %add3A_189 = arith.addi %add3A_163, %add3A_188 : i32
        %dma_start3A_190 = arith.constant 0 : i32
        %dma_start3A_191 = tpu.memref_slice %arg7[%add3A_189, %dma_start3A_190] : memref<80x128xi32, #tpu.memory_space<vmem>> -> memref<1x128xi32, #tpu.memory_space<vmem>>
        %dma_start3A_192 = tpu.memref_squeeze %dma_start3A_191 : memref<1x128xi32, #tpu.memory_space<vmem>> -> memref<128xi32, #tpu.memory_space<vmem>>
        %dma_start3A_193 = arith.constant 0 : i32
        %dma_start3A_194 = arith.constant 0 : i32
        %dma_start3A_195 = tpu.memref_slice %arg13[%dma_start3A_193, %dma_start3A_194] : memref<10240x64xf32, #tpu.memory_space<vmem_shared>> -> memref<10240x64xf32, #tpu.memory_space<vmem_shared>>
        tpu.enqueue_indirect_dma source(%dma_start3A_195 : memref<10240x64xf32, #tpu.memory_space<vmem_shared>>) target(%arg9 : memref<128x64xf32, #tpu.memory_space<vmem>>) offsets(%dma_start3A_192 : memref<128xi32, #tpu.memory_space<vmem>>) semaphore(%arg16 : memref<!tpu.dma_semaphore, #tpu.memory_space<semaphore_mem>>)
      } else {
      }
      %dma_start3A_177 = arith.constant 0 : i32
      %dma_start3A_178 = tpu.memref_slice %arg8[%add3A_163, %dma_start3A_177] : memref<80x128xi32, #tpu.memory_space<vmem>> -> memref<1x128xi32, #tpu.memory_space<vmem>>
      %dma_start3A_179 = tpu.memref_squeeze %dma_start3A_178 : memref<1x128xi32, #tpu.memory_space<vmem>> -> memref<128xi32, #tpu.memory_space<vmem>>
      %dma_start3A_180 = arith.constant 0 : i32
      %dma_start3A_181 = arith.constant 0 : i32
      %dma_start3A_182 = tpu.memref_slice %arg14[%dma_start3A_180, %dma_start3A_181] : memref<10240x64xf32, #tpu.memory_space<vmem_shared>> -> memref<10240x64xf32, #tpu.memory_space<vmem_shared>>
      tpu.enqueue_indirect_dma source(%arg10 : memref<128x64xf32, #tpu.memory_space<vmem>>) target(%dma_start3A_182 : memref<10240x64xf32, #tpu.memory_space<vmem_shared>>) offsets(%dma_start3A_179 : memref<128xi32, #tpu.memory_space<vmem>>) semaphore(%arg19 : memref<!tpu.dma_semaphore, #tpu.memory_space<semaphore_mem>>) {add = true}
      %scan3A_183 = arith.constant 0 : i32
      scf.yield %scan3A_183 : i32
    }
    %scan3A_85 = arith.constant 40 : i32
    %dma_wait3A = arith.constant 0 : i32
    %dma_wait3A_86 = arith.constant 0 : i32
    %dma_wait3A_87 = tpu.memref_slice %arg8[%dma_wait3A, %dma_wait3A_86] : memref<80x128xi32, #tpu.memory_space<vmem>> -> memref<1x128xi32, #tpu.memory_space<vmem>>
    %dma_wait3A_88 = tpu.memref_squeeze %dma_wait3A_87 : memref<1x128xi32, #tpu.memory_space<vmem>> -> memref<128xi32, #tpu.memory_space<vmem>>
    %dma_wait3A_89 = arith.constant 0 : i32
    %dma_wait3A_90 = arith.constant 0 : i32
    %dma_wait3A_91 = tpu.memref_slice %arg14[%dma_wait3A_89, %dma_wait3A_90] : memref<10240x64xf32, #tpu.memory_space<vmem_shared>> -> memref<10240x64xf32, #tpu.memory_space<vmem_shared>>
    tpu.wait_indirect_dma semaphore(%arg18 : memref<!tpu.dma_semaphore, #tpu.memory_space<semaphore_mem>>) src(%arg9 : memref<128x64xf32, #tpu.memory_space<vmem>>) dst(%dma_wait3A_91 : memref<10240x64xf32, #tpu.memory_space<vmem_shared>>)
    %dma_wait3A_92 = arith.constant 0 : i32
    %dma_wait3A_93 = arith.constant 0 : i32
    %dma_wait3A_94 = tpu.memref_slice %arg8[%dma_wait3A_92, %dma_wait3A_93] : memref<80x128xi32, #tpu.memory_space<vmem>> -> memref<1x128xi32, #tpu.memory_space<vmem>>
    %dma_wait3A_95 = tpu.memref_squeeze %dma_wait3A_94 : memref<1x128xi32, #tpu.memory_space<vmem>> -> memref<128xi32, #tpu.memory_space<vmem>>
    %dma_wait3A_96 = arith.constant 0 : i32
    %dma_wait3A_97 = arith.constant 0 : i32
    %dma_wait3A_98 = tpu.memref_slice %arg14[%dma_wait3A_96, %dma_wait3A_97] : memref<10240x64xf32, #tpu.memory_space<vmem_shared>> -> memref<10240x64xf32, #tpu.memory_space<vmem_shared>>
    tpu.wait_indirect_dma semaphore(%arg19 : memref<!tpu.dma_semaphore, #tpu.memory_space<semaphore_mem>>) src(%arg10 : memref<128x64xf32, #tpu.memory_space<vmem>>) dst(%dma_wait3A_98 : memref<10240x64xf32, #tpu.memory_space<vmem_shared>>)
    "tpu.region"() ({
      %run_scoped3A = tpu.sem_alloc : memref<!tpu.dma_semaphore, #tpu.memory_space<semaphore_mem>>
      %dma_start3A_138 = arith.constant 80 : i32
      %dma_start3A_139 = arith.constant 0 : i32
      %dma_start3A_140 = tpu.memref_slice %arg3[%arg1, %dma_start3A_138, %dma_start3A_139] : memref<16x160x128xi32, #tpu.memory_space<hbm>> -> memref<1x80x128xi32, #tpu.memory_space<hbm>>
      %dma_start3A_141 = tpu.memref_squeeze %dma_start3A_140 : memref<1x80x128xi32, #tpu.memory_space<hbm>> -> memref<80x128xi32, #tpu.memory_space<hbm>>
      %dma_start3A_142 = arith.constant 80 : i32
      %dma_start3A_143 = arith.constant 0 : i32
      %dma_start3A_144 = tpu.memref_slice %arg3[%arg1, %dma_start3A_142, %dma_start3A_143] : memref<16x160x128xi32, #tpu.memory_space<hbm>> -> memref<1x80x128xi32, #tpu.memory_space<hbm>>
      %dma_start3A_145 = tpu.memref_squeeze %dma_start3A_144 : memref<1x80x128xi32, #tpu.memory_space<hbm>> -> memref<80x128xi32, #tpu.memory_space<hbm>>
      tpu.enqueue_dma source(%dma_start3A_145 : memref<80x128xi32, #tpu.memory_space<hbm>>) target(%arg7 : memref<80x128xi32, #tpu.memory_space<vmem>>) target_semaphore(%run_scoped3A : memref<!tpu.dma_semaphore, #tpu.memory_space<semaphore_mem>>)
      %dma_wait3A_146 = arith.constant 80 : i32
      %dma_wait3A_147 = arith.constant 0 : i32
      %dma_wait3A_148 = tpu.memref_slice %arg3[%arg1, %dma_wait3A_146, %dma_wait3A_147] : memref<16x160x128xi32, #tpu.memory_space<hbm>> -> memref<1x80x128xi32, #tpu.memory_space<hbm>>
      %dma_wait3A_149 = tpu.memref_squeeze %dma_wait3A_148 : memref<1x80x128xi32, #tpu.memory_space<hbm>> -> memref<80x128xi32, #tpu.memory_space<hbm>>
      %dma_wait3A_150 = arith.constant 80 : i32
      %dma_wait3A_151 = arith.constant 0 : i32
      %dma_wait3A_152 = tpu.memref_slice %arg3[%arg1, %dma_wait3A_150, %dma_wait3A_151] : memref<16x160x128xi32, #tpu.memory_space<hbm>> -> memref<1x80x128xi32, #tpu.memory_space<hbm>>
      %dma_wait3A_153 = tpu.memref_squeeze %dma_wait3A_152 : memref<1x80x128xi32, #tpu.memory_space<hbm>> -> memref<80x128xi32, #tpu.memory_space<hbm>>
      tpu.wait_dma2 semaphore(%run_scoped3A : memref<!tpu.dma_semaphore, #tpu.memory_space<semaphore_mem>>) src(%dma_wait3A_153 : memref<80x128xi32, #tpu.memory_space<hbm>>) dst(%arg7 : memref<80x128xi32, #tpu.memory_space<vmem>>)
      tpu.yield
    }) : () -> ()
    "tpu.region"() ({
      %run_scoped3A = tpu.sem_alloc : memref<!tpu.dma_semaphore, #tpu.memory_space<semaphore_mem>>
      %dma_start3A_138 = arith.constant 80 : i32
      %dma_start3A_139 = arith.constant 0 : i32
      %dma_start3A_140 = tpu.memref_slice %arg4[%arg1, %dma_start3A_138, %dma_start3A_139] : memref<16x160x128xi32, #tpu.memory_space<hbm>> -> memref<1x80x128xi32, #tpu.memory_space<hbm>>
      %dma_start3A_141 = tpu.memref_squeeze %dma_start3A_140 : memref<1x80x128xi32, #tpu.memory_space<hbm>> -> memref<80x128xi32, #tpu.memory_space<hbm>>
      %dma_start3A_142 = arith.constant 80 : i32
      %dma_start3A_143 = arith.constant 0 : i32
      %dma_start3A_144 = tpu.memref_slice %arg4[%arg1, %dma_start3A_142, %dma_start3A_143] : memref<16x160x128xi32, #tpu.memory_space<hbm>> -> memref<1x80x128xi32, #tpu.memory_space<hbm>>
      %dma_start3A_145 = tpu.memref_squeeze %dma_start3A_144 : memref<1x80x128xi32, #tpu.memory_space<hbm>> -> memref<80x128xi32, #tpu.memory_space<hbm>>
      tpu.enqueue_dma source(%dma_start3A_145 : memref<80x128xi32, #tpu.memory_space<hbm>>) target(%arg8 : memref<80x128xi32, #tpu.memory_space<vmem>>) target_semaphore(%run_scoped3A : memref<!tpu.dma_semaphore, #tpu.memory_space<semaphore_mem>>)
      %dma_wait3A_146 = arith.constant 80 : i32
      %dma_wait3A_147 = arith.constant 0 : i32
      %dma_wait3A_148 = tpu.memref_slice %arg4[%arg1, %dma_wait3A_146, %dma_wait3A_147] : memref<16x160x128xi32, #tpu.memory_space<hbm>> -> memref<1x80x128xi32, #tpu.memory_space<hbm>>
      %dma_wait3A_149 = tpu.memref_squeeze %dma_wait3A_148 : memref<1x80x128xi32, #tpu.memory_space<hbm>> -> memref<80x128xi32, #tpu.memory_space<hbm>>
      %dma_wait3A_150 = arith.constant 80 : i32
      %dma_wait3A_151 = arith.constant 0 : i32
      %dma_wait3A_152 = tpu.memref_slice %arg4[%arg1, %dma_wait3A_150, %dma_wait3A_151] : memref<16x160x128xi32, #tpu.memory_space<hbm>> -> memref<1x80x128xi32, #tpu.memory_space<hbm>>
      %dma_wait3A_153 = tpu.memref_squeeze %dma_wait3A_152 : memref<1x80x128xi32, #tpu.memory_space<hbm>> -> memref<80x128xi32, #tpu.memory_space<hbm>>
      tpu.wait_dma2 semaphore(%run_scoped3A : memref<!tpu.dma_semaphore, #tpu.memory_space<semaphore_mem>>) src(%dma_wait3A_153 : memref<80x128xi32, #tpu.memory_space<hbm>>) dst(%arg8 : memref<80x128xi32, #tpu.memory_space<vmem>>)
      tpu.yield
    }) : () -> ()
    %dma_start3A_99 = arith.constant 0 : i32
    %dma_start3A_100 = arith.constant 0 : i32
    %dma_start3A_101 = tpu.memref_slice %arg7[%dma_start3A_99, %dma_start3A_100] : memref<80x128xi32, #tpu.memory_space<vmem>> -> memref<1x128xi32, #tpu.memory_space<vmem>>
    %dma_start3A_102 = tpu.memref_squeeze %dma_start3A_101 : memref<1x128xi32, #tpu.memory_space<vmem>> -> memref<128xi32, #tpu.memory_space<vmem>>
    %dma_start3A_103 = arith.constant 0 : i32
    %dma_start3A_104 = arith.constant 0 : i32
    %dma_start3A_105 = tpu.memref_slice %arg13[%dma_start3A_103, %dma_start3A_104] : memref<10240x64xf32, #tpu.memory_space<vmem_shared>> -> memref<10240x64xf32, #tpu.memory_space<vmem_shared>>
    tpu.enqueue_indirect_dma source(%dma_start3A_105 : memref<10240x64xf32, #tpu.memory_space<vmem_shared>>) target(%arg9 : memref<128x64xf32, #tpu.memory_space<vmem>>) offsets(%dma_start3A_102 : memref<128xi32, #tpu.memory_space<vmem>>) semaphore(%arg16 : memref<!tpu.dma_semaphore, #tpu.memory_space<semaphore_mem>>)
    %scan3A_106 = arith.constant 0 : i32
    %scan3A_107 = arith.constant 0 : i32
    %scan3A_108 = arith.constant 40 : i32
    %scan3A_109 = arith.addi %scan3A_107, %scan3A_108 : i32
    %scan3A_110 = arith.constant 1 : i32
    %scan3A_111 = scf.for %scan3A_138 = %scan3A_107 to %scan3A_109 step %scan3A_110 iter_args(%scan3A_139 = %scan3A_106) -> (i32)  : i32 {
      %mul3A_140 = arith.constant 2 : i32
      %mul3A_141 = arith.muli %mul3A_140, %scan3A_138 : i32
      %add3A_142 = arith.constant 0 : i32
      %add3A_143 = arith.addi %mul3A_141, %add3A_142 : i32
      %dma_wait3A_144 = arith.constant 0 : i32
      %dma_wait3A_145 = tpu.memref_slice %arg7[%add3A_143, %dma_wait3A_144] : memref<80x128xi32, #tpu.memory_space<vmem>> -> memref<1x128xi32, #tpu.memory_space<vmem>>
      %dma_wait3A_146 = tpu.memref_squeeze %dma_wait3A_145 : memref<1x128xi32, #tpu.memory_space<vmem>> -> memref<128xi32, #tpu.memory_space<vmem>>
      %dma_wait3A_147 = arith.constant 0 : i32
      %dma_wait3A_148 = arith.constant 0 : i32
      %dma_wait3A_149 = tpu.memref_slice %arg13[%dma_wait3A_147, %dma_wait3A_148] : memref<10240x64xf32, #tpu.memory_space<vmem_shared>> -> memref<10240x64xf32, #tpu.memory_space<vmem_shared>>
      tpu.wait_indirect_dma semaphore(%arg16 : memref<!tpu.dma_semaphore, #tpu.memory_space<semaphore_mem>>) src(%dma_wait3A_149 : memref<10240x64xf32, #tpu.memory_space<vmem_shared>>) dst(%arg9 : memref<128x64xf32, #tpu.memory_space<vmem>>)
      %add3A_150 = arith.constant 1 : i32
      %add3A_151 = arith.addi %add3A_143, %add3A_150 : i32
      %lt3A = arith.constant 80 : i32
      %lt3A_152 = arith.cmpi slt, %add3A_151, %lt3A : i32
      %convert_element_type3A = arith.extui %lt3A_152 : i1 to i32
      %cond3A = arith.constant 0 : i32
      %cond3A_153 = arith.cmpi ne, %convert_element_type3A, %cond3A : i32
      scf.if %cond3A_153 {
        %ge3A = arith.constant 1 : i32
        %ge3A_184 = arith.cmpi sge, %add3A_143, %ge3A : i32
        %convert_element_type3A_185 = arith.extui %ge3A_184 : i1 to i32
        %cond3A_186 = arith.constant 0 : i32
        %cond3A_187 = arith.cmpi ne, %convert_element_type3A_185, %cond3A_186 : i32
        scf.if %cond3A_187 {
          %dma_wait3A_196 = arith.constant 0 : i32
          %dma_wait3A_197 = tpu.memref_slice %arg8[%add3A_143, %dma_wait3A_196] : memref<80x128xi32, #tpu.memory_space<vmem>> -> memref<1x128xi32, #tpu.memory_space<vmem>>
          %dma_wait3A_198 = tpu.memref_squeeze %dma_wait3A_197 : memref<1x128xi32, #tpu.memory_space<vmem>> -> memref<128xi32, #tpu.memory_space<vmem>>
          %dma_wait3A_199 = arith.constant 0 : i32
          %dma_wait3A_200 = arith.constant 0 : i32
          %dma_wait3A_201 = tpu.memref_slice %arg14[%dma_wait3A_199, %dma_wait3A_200] : memref<10240x64xf32, #tpu.memory_space<vmem_shared>> -> memref<10240x64xf32, #tpu.memory_space<vmem_shared>>
          tpu.wait_indirect_dma semaphore(%arg19 : memref<!tpu.dma_semaphore, #tpu.memory_space<semaphore_mem>>) src(%arg10 : memref<128x64xf32, #tpu.memory_space<vmem>>) dst(%dma_wait3A_201 : memref<10240x64xf32, #tpu.memory_space<vmem_shared>>)
        } else {
        }
        %add3A_188 = arith.constant 1 : i32
        %add3A_189 = arith.addi %add3A_143, %add3A_188 : i32
        %dma_start3A_190 = arith.constant 0 : i32
        %dma_start3A_191 = tpu.memref_slice %arg7[%add3A_189, %dma_start3A_190] : memref<80x128xi32, #tpu.memory_space<vmem>> -> memref<1x128xi32, #tpu.memory_space<vmem>>
        %dma_start3A_192 = tpu.memref_squeeze %dma_start3A_191 : memref<1x128xi32, #tpu.memory_space<vmem>> -> memref<128xi32, #tpu.memory_space<vmem>>
        %dma_start3A_193 = arith.constant 0 : i32
        %dma_start3A_194 = arith.constant 0 : i32
        %dma_start3A_195 = tpu.memref_slice %arg13[%dma_start3A_193, %dma_start3A_194] : memref<10240x64xf32, #tpu.memory_space<vmem_shared>> -> memref<10240x64xf32, #tpu.memory_space<vmem_shared>>
        tpu.enqueue_indirect_dma source(%dma_start3A_195 : memref<10240x64xf32, #tpu.memory_space<vmem_shared>>) target(%arg10 : memref<128x64xf32, #tpu.memory_space<vmem>>) offsets(%dma_start3A_192 : memref<128xi32, #tpu.memory_space<vmem>>) semaphore(%arg17 : memref<!tpu.dma_semaphore, #tpu.memory_space<semaphore_mem>>)
      } else {
      }
      %dma_start3A_154 = arith.constant 0 : i32
      %dma_start3A_155 = tpu.memref_slice %arg8[%add3A_143, %dma_start3A_154] : memref<80x128xi32, #tpu.memory_space<vmem>> -> memref<1x128xi32, #tpu.memory_space<vmem>>
      %dma_start3A_156 = tpu.memref_squeeze %dma_start3A_155 : memref<1x128xi32, #tpu.memory_space<vmem>> -> memref<128xi32, #tpu.memory_space<vmem>>
      %dma_start3A_157 = arith.constant 0 : i32
      %dma_start3A_158 = arith.constant 0 : i32
      %dma_start3A_159 = tpu.memref_slice %arg14[%dma_start3A_157, %dma_start3A_158] : memref<10240x64xf32, #tpu.memory_space<vmem_shared>> -> memref<10240x64xf32, #tpu.memory_space<vmem_shared>>
      tpu.enqueue_indirect_dma source(%arg9 : memref<128x64xf32, #tpu.memory_space<vmem>>) target(%dma_start3A_159 : memref<10240x64xf32, #tpu.memory_space<vmem_shared>>) offsets(%dma_start3A_156 : memref<128xi32, #tpu.memory_space<vmem>>) semaphore(%arg18 : memref<!tpu.dma_semaphore, #tpu.memory_space<semaphore_mem>>) {add = true}
      %mul3A_160 = arith.constant 2 : i32
      %mul3A_161 = arith.muli %mul3A_160, %scan3A_138 : i32
      %add3A_162 = arith.constant 1 : i32
      %add3A_163 = arith.addi %mul3A_161, %add3A_162 : i32
      %dma_wait3A_164 = arith.constant 0 : i32
      %dma_wait3A_165 = tpu.memref_slice %arg7[%add3A_163, %dma_wait3A_164] : memref<80x128xi32, #tpu.memory_space<vmem>> -> memref<1x128xi32, #tpu.memory_space<vmem>>
      %dma_wait3A_166 = tpu.memref_squeeze %dma_wait3A_165 : memref<1x128xi32, #tpu.memory_space<vmem>> -> memref<128xi32, #tpu.memory_space<vmem>>
      %dma_wait3A_167 = arith.constant 0 : i32
      %dma_wait3A_168 = arith.constant 0 : i32
      %dma_wait3A_169 = tpu.memref_slice %arg13[%dma_wait3A_167, %dma_wait3A_168] : memref<10240x64xf32, #tpu.memory_space<vmem_shared>> -> memref<10240x64xf32, #tpu.memory_space<vmem_shared>>
      tpu.wait_indirect_dma semaphore(%arg17 : memref<!tpu.dma_semaphore, #tpu.memory_space<semaphore_mem>>) src(%dma_wait3A_169 : memref<10240x64xf32, #tpu.memory_space<vmem_shared>>) dst(%arg10 : memref<128x64xf32, #tpu.memory_space<vmem>>)
      %add3A_170 = arith.constant 1 : i32
      %add3A_171 = arith.addi %add3A_163, %add3A_170 : i32
      %lt3A_172 = arith.constant 80 : i32
      %lt3A_173 = arith.cmpi slt, %add3A_171, %lt3A_172 : i32
      %convert_element_type3A_174 = arith.extui %lt3A_173 : i1 to i32
      %cond3A_175 = arith.constant 0 : i32
      %cond3A_176 = arith.cmpi ne, %convert_element_type3A_174, %cond3A_175 : i32
      scf.if %cond3A_176 {
        %ge3A = arith.constant 1 : i32
        %ge3A_184 = arith.cmpi sge, %add3A_163, %ge3A : i32
        %convert_element_type3A_185 = arith.extui %ge3A_184 : i1 to i32
        %cond3A_186 = arith.constant 0 : i32
        %cond3A_187 = arith.cmpi ne, %convert_element_type3A_185, %cond3A_186 : i32
        scf.if %cond3A_187 {
          %dma_wait3A_196 = arith.constant 0 : i32
          %dma_wait3A_197 = tpu.memref_slice %arg8[%add3A_163, %dma_wait3A_196] : memref<80x128xi32, #tpu.memory_space<vmem>> -> memref<1x128xi32, #tpu.memory_space<vmem>>
          %dma_wait3A_198 = tpu.memref_squeeze %dma_wait3A_197 : memref<1x128xi32, #tpu.memory_space<vmem>> -> memref<128xi32, #tpu.memory_space<vmem>>
          %dma_wait3A_199 = arith.constant 0 : i32
          %dma_wait3A_200 = arith.constant 0 : i32
          %dma_wait3A_201 = tpu.memref_slice %arg14[%dma_wait3A_199, %dma_wait3A_200] : memref<10240x64xf32, #tpu.memory_space<vmem_shared>> -> memref<10240x64xf32, #tpu.memory_space<vmem_shared>>
          tpu.wait_indirect_dma semaphore(%arg18 : memref<!tpu.dma_semaphore, #tpu.memory_space<semaphore_mem>>) src(%arg9 : memref<128x64xf32, #tpu.memory_space<vmem>>) dst(%dma_wait3A_201 : memref<10240x64xf32, #tpu.memory_space<vmem_shared>>)
        } else {
        }
        %add3A_188 = arith.constant 1 : i32
        %add3A_189 = arith.addi %add3A_163, %add3A_188 : i32
        %dma_start3A_190 = arith.constant 0 : i32
        %dma_start3A_191 = tpu.memref_slice %arg7[%add3A_189, %dma_start3A_190] : memref<80x128xi32, #tpu.memory_space<vmem>> -> memref<1x128xi32, #tpu.memory_space<vmem>>
        %dma_start3A_192 = tpu.memref_squeeze %dma_start3A_191 : memref<1x128xi32, #tpu.memory_space<vmem>> -> memref<128xi32, #tpu.memory_space<vmem>>
        %dma_start3A_193 = arith.constant 0 : i32
        %dma_start3A_194 = arith.constant 0 : i32
        %dma_start3A_195 = tpu.memref_slice %arg13[%dma_start3A_193, %dma_start3A_194] : memref<10240x64xf32, #tpu.memory_space<vmem_shared>> -> memref<10240x64xf32, #tpu.memory_space<vmem_shared>>
        tpu.enqueue_indirect_dma source(%dma_start3A_195 : memref<10240x64xf32, #tpu.memory_space<vmem_shared>>) target(%arg9 : memref<128x64xf32, #tpu.memory_space<vmem>>) offsets(%dma_start3A_192 : memref<128xi32, #tpu.memory_space<vmem>>) semaphore(%arg16 : memref<!tpu.dma_semaphore, #tpu.memory_space<semaphore_mem>>)
      } else {
      }
      %dma_start3A_177 = arith.constant 0 : i32
      %dma_start3A_178 = tpu.memref_slice %arg8[%add3A_163, %dma_start3A_177] : memref<80x128xi32, #tpu.memory_space<vmem>> -> memref<1x128xi32, #tpu.memory_space<vmem>>
      %dma_start3A_179 = tpu.memref_squeeze %dma_start3A_178 : memref<1x128xi32, #tpu.memory_space<vmem>> -> memref<128xi32, #tpu.memory_space<vmem>>
      %dma_start3A_180 = arith.constant 0 : i32
      %dma_start3A_181 = arith.constant 0 : i32
      %dma_start3A_182 = tpu.memref_slice %arg14[%dma_start3A_180, %dma_start3A_181] : memref<10240x64xf32, #tpu.memory_space<vmem_shared>> -> memref<10240x64xf32, #tpu.memory_space<vmem_shared>>
      tpu.enqueue_indirect_dma source(%arg10 : memref<128x64xf32, #tpu.memory_space<vmem>>) target(%dma_start3A_182 : memref<10240x64xf32, #tpu.memory_space<vmem_shared>>) offsets(%dma_start3A_179 : memref<128xi32, #tpu.memory_space<vmem>>) semaphore(%arg19 : memref<!tpu.dma_semaphore, #tpu.memory_space<semaphore_mem>>) {add = true}
      %scan3A_183 = arith.constant 0 : i32
      scf.yield %scan3A_183 : i32
    }
    %scan3A_112 = arith.constant 40 : i32
    %dma_wait3A_113 = arith.constant 0 : i32
    %dma_wait3A_114 = arith.constant 0 : i32
    %dma_wait3A_115 = tpu.memref_slice %arg8[%dma_wait3A_113, %dma_wait3A_114] : memref<80x128xi32, #tpu.memory_space<vmem>> -> memref<1x128xi32, #tpu.memory_space<vmem>>
    %dma_wait3A_116 = tpu.memref_squeeze %dma_wait3A_115 : memref<1x128xi32, #tpu.memory_space<vmem>> -> memref<128xi32, #tpu.memory_space<vmem>>
    %dma_wait3A_117 = arith.constant 0 : i32
    %dma_wait3A_118 = arith.constant 0 : i32
    %dma_wait3A_119 = tpu.memref_slice %arg14[%dma_wait3A_117, %dma_wait3A_118] : memref<10240x64xf32, #tpu.memory_space<vmem_shared>> -> memref<10240x64xf32, #tpu.memory_space<vmem_shared>>
    tpu.wait_indirect_dma semaphore(%arg18 : memref<!tpu.dma_semaphore, #tpu.memory_space<semaphore_mem>>) src(%arg9 : memref<128x64xf32, #tpu.memory_space<vmem>>) dst(%dma_wait3A_119 : memref<10240x64xf32, #tpu.memory_space<vmem_shared>>)
    %dma_wait3A_120 = arith.constant 0 : i32
    %dma_wait3A_121 = arith.constant 0 : i32
    %dma_wait3A_122 = tpu.memref_slice %arg8[%dma_wait3A_120, %dma_wait3A_121] : memref<80x128xi32, #tpu.memory_space<vmem>> -> memref<1x128xi32, #tpu.memory_space<vmem>>
    %dma_wait3A_123 = tpu.memref_squeeze %dma_wait3A_122 : memref<1x128xi32, #tpu.memory_space<vmem>> -> memref<128xi32, #tpu.memory_space<vmem>>
    %dma_wait3A_124 = arith.constant 0 : i32
    %dma_wait3A_125 = arith.constant 0 : i32
    %dma_wait3A_126 = tpu.memref_slice %arg14[%dma_wait3A_124, %dma_wait3A_125] : memref<10240x64xf32, #tpu.memory_space<vmem_shared>> -> memref<10240x64xf32, #tpu.memory_space<vmem_shared>>
    tpu.wait_indirect_dma semaphore(%arg19 : memref<!tpu.dma_semaphore, #tpu.memory_space<semaphore_mem>>) src(%arg10 : memref<128x64xf32, #tpu.memory_space<vmem>>) dst(%dma_wait3A_126 : memref<10240x64xf32, #tpu.memory_space<vmem_shared>>)
    %barrier3A_127 = arith.constant 0 : index
    tpu.barrier barrier_id(%barrier3A_127)
    %add3A_128 = arith.constant 0 : i32
    %add3A_129 = arith.addi %mul3A_61, %add3A_128 : i32
    "tpu.region"() ({
      %run_scoped3A = tpu.sem_alloc : memref<!tpu.dma_semaphore, #tpu.memory_space<semaphore_mem>>
      %dma_start3A_138 = arith.constant 0 : i32
      %dma_start3A_139 = tpu.memref_slice %arg14[%add3A_129, %dma_start3A_138] : memref<10240x64xf32, #tpu.memory_space<vmem_shared>> -> memref<128x64xf32, #tpu.memory_space<vmem_shared>>
      %dma_start3A_140 = arith.constant 0 : i32
      %dma_start3A_141 = tpu.memref_slice %arg14[%add3A_129, %dma_start3A_140] : memref<10240x64xf32, #tpu.memory_space<vmem_shared>> -> memref<128x64xf32, #tpu.memory_space<vmem_shared>>
      tpu.enqueue_dma source(%dma_start3A_141 : memref<128x64xf32, #tpu.memory_space<vmem_shared>>) target(%arg9 : memref<128x64xf32, #tpu.memory_space<vmem>>) target_semaphore(%run_scoped3A : memref<!tpu.dma_semaphore, #tpu.memory_space<semaphore_mem>>)
      %dma_wait3A_142 = arith.constant 0 : i32
      %dma_wait3A_143 = tpu.memref_slice %arg14[%add3A_129, %dma_wait3A_142] : memref<10240x64xf32, #tpu.memory_space<vmem_shared>> -> memref<128x64xf32, #tpu.memory_space<vmem_shared>>
      %dma_wait3A_144 = arith.constant 0 : i32
      %dma_wait3A_145 = tpu.memref_slice %arg14[%add3A_129, %dma_wait3A_144] : memref<10240x64xf32, #tpu.memory_space<vmem_shared>> -> memref<128x64xf32, #tpu.memory_space<vmem_shared>>
      tpu.wait_dma2 semaphore(%run_scoped3A : memref<!tpu.dma_semaphore, #tpu.memory_space<semaphore_mem>>) src(%dma_wait3A_145 : memref<128x64xf32, #tpu.memory_space<vmem_shared>>) dst(%arg9 : memref<128x64xf32, #tpu.memory_space<vmem>>)
      tpu.yield
    }) : () -> ()
    "tpu.region"() ({
      %run_scoped3A = tpu.sem_alloc : memref<!tpu.dma_semaphore, #tpu.memory_space<semaphore_mem>>
      %dma_start3A_138 = arith.constant 0 : i32
      %dma_start3A_139 = tpu.memref_slice %arg5[%arg0, %add3A_129, %dma_start3A_138] : memref<2x10240x64xf32, #tpu.memory_space<hbm>> -> memref<1x128x64xf32, #tpu.memory_space<hbm>>
      %dma_start3A_140 = tpu.memref_squeeze %dma_start3A_139 : memref<1x128x64xf32, #tpu.memory_space<hbm>> -> memref<128x64xf32, #tpu.memory_space<hbm>>
      %dma_start3A_141 = arith.constant 0 : i32
      %dma_start3A_142 = tpu.memref_slice %arg5[%arg0, %add3A_129, %dma_start3A_141] : memref<2x10240x64xf32, #tpu.memory_space<hbm>> -> memref<1x128x64xf32, #tpu.memory_space<hbm>>
      %dma_start3A_143 = tpu.memref_squeeze %dma_start3A_142 : memref<1x128x64xf32, #tpu.memory_space<hbm>> -> memref<128x64xf32, #tpu.memory_space<hbm>>
      tpu.enqueue_dma source(%arg9 : memref<128x64xf32, #tpu.memory_space<vmem>>) target(%dma_start3A_143 : memref<128x64xf32, #tpu.memory_space<hbm>>) target_semaphore(%run_scoped3A : memref<!tpu.dma_semaphore, #tpu.memory_space<semaphore_mem>>)
      %dma_wait3A_144 = arith.constant 0 : i32
      %dma_wait3A_145 = tpu.memref_slice %arg5[%arg0, %add3A_129, %dma_wait3A_144] : memref<2x10240x64xf32, #tpu.memory_space<hbm>> -> memref<1x128x64xf32, #tpu.memory_space<hbm>>
      %dma_wait3A_146 = tpu.memref_squeeze %dma_wait3A_145 : memref<1x128x64xf32, #tpu.memory_space<hbm>> -> memref<128x64xf32, #tpu.memory_space<hbm>>
      %dma_wait3A_147 = arith.constant 0 : i32
      %dma_wait3A_148 = tpu.memref_slice %arg5[%arg0, %add3A_129, %dma_wait3A_147] : memref<2x10240x64xf32, #tpu.memory_space<hbm>> -> memref<1x128x64xf32, #tpu.memory_space<hbm>>
      %dma_wait3A_149 = tpu.memref_squeeze %dma_wait3A_148 : memref<1x128x64xf32, #tpu.memory_space<hbm>> -> memref<128x64xf32, #tpu.memory_space<hbm>>
      tpu.wait_dma2 semaphore(%run_scoped3A : memref<!tpu.dma_semaphore, #tpu.memory_space<semaphore_mem>>) src(%arg9 : memref<128x64xf32, #tpu.memory_space<vmem>>) dst(%dma_wait3A_149 : memref<128x64xf32, #tpu.memory_space<hbm>>)
      tpu.yield
    }) : () -> ()
    %add3A_130 = arith.constant 128 : i32
    %add3A_131 = arith.addi %mul3A_61, %add3A_130 : i32
    "tpu.region"() ({
      %run_scoped3A = tpu.sem_alloc : memref<!tpu.dma_semaphore, #tpu.memory_space<semaphore_mem>>
      %dma_start3A_138 = arith.constant 0 : i32
      %dma_start3A_139 = tpu.memref_slice %arg14[%add3A_131, %dma_start3A_138] : memref<10240x64xf32, #tpu.memory_space<vmem_shared>> -> memref<128x64xf32, #tpu.memory_space<vmem_shared>>
      %dma_start3A_140 = arith.constant 0 : i32
      %dma_start3A_141 = tpu.memref_slice %arg14[%add3A_131, %dma_start3A_140] : memref<10240x64xf32, #tpu.memory_space<vmem_shared>> -> memref<128x64xf32, #tpu.memory_space<vmem_shared>>
      tpu.enqueue_dma source(%dma_start3A_141 : memref<128x64xf32, #tpu.memory_space<vmem_shared>>) target(%arg9 : memref<128x64xf32, #tpu.memory_space<vmem>>) target_semaphore(%run_scoped3A : memref<!tpu.dma_semaphore, #tpu.memory_space<semaphore_mem>>)
      %dma_wait3A_142 = arith.constant 0 : i32
      %dma_wait3A_143 = tpu.memref_slice %arg14[%add3A_131, %dma_wait3A_142] : memref<10240x64xf32, #tpu.memory_space<vmem_shared>> -> memref<128x64xf32, #tpu.memory_space<vmem_shared>>
      %dma_wait3A_144 = arith.constant 0 : i32
      %dma_wait3A_145 = tpu.memref_slice %arg14[%add3A_131, %dma_wait3A_144] : memref<10240x64xf32, #tpu.memory_space<vmem_shared>> -> memref<128x64xf32, #tpu.memory_space<vmem_shared>>
      tpu.wait_dma2 semaphore(%run_scoped3A : memref<!tpu.dma_semaphore, #tpu.memory_space<semaphore_mem>>) src(%dma_wait3A_145 : memref<128x64xf32, #tpu.memory_space<vmem_shared>>) dst(%arg9 : memref<128x64xf32, #tpu.memory_space<vmem>>)
      tpu.yield
    }) : () -> ()
    "tpu.region"() ({
      %run_scoped3A = tpu.sem_alloc : memref<!tpu.dma_semaphore, #tpu.memory_space<semaphore_mem>>
      %dma_start3A_138 = arith.constant 0 : i32
      %dma_start3A_139 = tpu.memref_slice %arg5[%arg0, %add3A_131, %dma_start3A_138] : memref<2x10240x64xf32, #tpu.memory_space<hbm>> -> memref<1x128x64xf32, #tpu.memory_space<hbm>>
      %dma_start3A_140 = tpu.memref_squeeze %dma_start3A_139 : memref<1x128x64xf32, #tpu.memory_space<hbm>> -> memref<128x64xf32, #tpu.memory_space<hbm>>
      %dma_start3A_141 = arith.constant 0 : i32
      %dma_start3A_142 = tpu.memref_slice %arg5[%arg0, %add3A_131, %dma_start3A_141] : memref<2x10240x64xf32, #tpu.memory_space<hbm>> -> memref<1x128x64xf32, #tpu.memory_space<hbm>>
      %dma_start3A_143 = tpu.memref_squeeze %dma_start3A_142 : memref<1x128x64xf32, #tpu.memory_space<hbm>> -> memref<128x64xf32, #tpu.memory_space<hbm>>
      tpu.enqueue_dma source(%arg9 : memref<128x64xf32, #tpu.memory_space<vmem>>) target(%dma_start3A_143 : memref<128x64xf32, #tpu.memory_space<hbm>>) target_semaphore(%run_scoped3A : memref<!tpu.dma_semaphore, #tpu.memory_space<semaphore_mem>>)
      %dma_wait3A_144 = arith.constant 0 : i32
      %dma_wait3A_145 = tpu.memref_slice %arg5[%arg0, %add3A_131, %dma_wait3A_144] : memref<2x10240x64xf32, #tpu.memory_space<hbm>> -> memref<1x128x64xf32, #tpu.memory_space<hbm>>
      %dma_wait3A_146 = tpu.memref_squeeze %dma_wait3A_145 : memref<1x128x64xf32, #tpu.memory_space<hbm>> -> memref<128x64xf32, #tpu.memory_space<hbm>>
      %dma_wait3A_147 = arith.constant 0 : i32
      %dma_wait3A_148 = tpu.memref_slice %arg5[%arg0, %add3A_131, %dma_wait3A_147] : memref<2x10240x64xf32, #tpu.memory_space<hbm>> -> memref<1x128x64xf32, #tpu.memory_space<hbm>>
      %dma_wait3A_149 = tpu.memref_squeeze %dma_wait3A_148 : memref<1x128x64xf32, #tpu.memory_space<hbm>> -> memref<128x64xf32, #tpu.memory_space<hbm>>
      tpu.wait_dma2 semaphore(%run_scoped3A : memref<!tpu.dma_semaphore, #tpu.memory_space<semaphore_mem>>) src(%arg9 : memref<128x64xf32, #tpu.memory_space<vmem>>) dst(%dma_wait3A_149 : memref<128x64xf32, #tpu.memory_space<hbm>>)
      tpu.yield
    }) : () -> ()
    %add3A_132 = arith.constant 256 : i32
    %add3A_133 = arith.addi %mul3A_61, %add3A_132 : i32
    "tpu.region"() ({
      %run_scoped3A = tpu.sem_alloc : memref<!tpu.dma_semaphore, #tpu.memory_space<semaphore_mem>>
      %dma_start3A_138 = arith.constant 0 : i32
      %dma_start3A_139 = tpu.memref_slice %arg14[%add3A_133, %dma_start3A_138] : memref<10240x64xf32, #tpu.memory_space<vmem_shared>> -> memref<128x64xf32, #tpu.memory_space<vmem_shared>>
      %dma_start3A_140 = arith.constant 0 : i32
      %dma_start3A_141 = tpu.memref_slice %arg14[%add3A_133, %dma_start3A_140] : memref<10240x64xf32, #tpu.memory_space<vmem_shared>> -> memref<128x64xf32, #tpu.memory_space<vmem_shared>>
      tpu.enqueue_dma source(%dma_start3A_141 : memref<128x64xf32, #tpu.memory_space<vmem_shared>>) target(%arg9 : memref<128x64xf32, #tpu.memory_space<vmem>>) target_semaphore(%run_scoped3A : memref<!tpu.dma_semaphore, #tpu.memory_space<semaphore_mem>>)
      %dma_wait3A_142 = arith.constant 0 : i32
      %dma_wait3A_143 = tpu.memref_slice %arg14[%add3A_133, %dma_wait3A_142] : memref<10240x64xf32, #tpu.memory_space<vmem_shared>> -> memref<128x64xf32, #tpu.memory_space<vmem_shared>>
      %dma_wait3A_144 = arith.constant 0 : i32
      %dma_wait3A_145 = tpu.memref_slice %arg14[%add3A_133, %dma_wait3A_144] : memref<10240x64xf32, #tpu.memory_space<vmem_shared>> -> memref<128x64xf32, #tpu.memory_space<vmem_shared>>
      tpu.wait_dma2 semaphore(%run_scoped3A : memref<!tpu.dma_semaphore, #tpu.memory_space<semaphore_mem>>) src(%dma_wait3A_145 : memref<128x64xf32, #tpu.memory_space<vmem_shared>>) dst(%arg9 : memref<128x64xf32, #tpu.memory_space<vmem>>)
      tpu.yield
    }) : () -> ()
    "tpu.region"() ({
      %run_scoped3A = tpu.sem_alloc : memref<!tpu.dma_semaphore, #tpu.memory_space<semaphore_mem>>
      %dma_start3A_138 = arith.constant 0 : i32
      %dma_start3A_139 = tpu.memref_slice %arg5[%arg0, %add3A_133, %dma_start3A_138] : memref<2x10240x64xf32, #tpu.memory_space<hbm>> -> memref<1x128x64xf32, #tpu.memory_space<hbm>>
      %dma_start3A_140 = tpu.memref_squeeze %dma_start3A_139 : memref<1x128x64xf32, #tpu.memory_space<hbm>> -> memref<128x64xf32, #tpu.memory_space<hbm>>
      %dma_start3A_141 = arith.constant 0 : i32
      %dma_start3A_142 = tpu.memref_slice %arg5[%arg0, %add3A_133, %dma_start3A_141] : memref<2x10240x64xf32, #tpu.memory_space<hbm>> -> memref<1x128x64xf32, #tpu.memory_space<hbm>>
      %dma_start3A_143 = tpu.memref_squeeze %dma_start3A_142 : memref<1x128x64xf32, #tpu.memory_space<hbm>> -> memref<128x64xf32, #tpu.memory_space<hbm>>
      tpu.enqueue_dma source(%arg9 : memref<128x64xf32, #tpu.memory_space<vmem>>) target(%dma_start3A_143 : memref<128x64xf32, #tpu.memory_space<hbm>>) target_semaphore(%run_scoped3A : memref<!tpu.dma_semaphore, #tpu.memory_space<semaphore_mem>>)
      %dma_wait3A_144 = arith.constant 0 : i32
      %dma_wait3A_145 = tpu.memref_slice %arg5[%arg0, %add3A_133, %dma_wait3A_144] : memref<2x10240x64xf32, #tpu.memory_space<hbm>> -> memref<1x128x64xf32, #tpu.memory_space<hbm>>
      %dma_wait3A_146 = tpu.memref_squeeze %dma_wait3A_145 : memref<1x128x64xf32, #tpu.memory_space<hbm>> -> memref<128x64xf32, #tpu.memory_space<hbm>>
      %dma_wait3A_147 = arith.constant 0 : i32
      %dma_wait3A_148 = tpu.memref_slice %arg5[%arg0, %add3A_133, %dma_wait3A_147] : memref<2x10240x64xf32, #tpu.memory_space<hbm>> -> memref<1x128x64xf32, #tpu.memory_space<hbm>>
      %dma_wait3A_149 = tpu.memref_squeeze %dma_wait3A_148 : memref<1x128x64xf32, #tpu.memory_space<hbm>> -> memref<128x64xf32, #tpu.memory_space<hbm>>
      tpu.wait_dma2 semaphore(%run_scoped3A : memref<!tpu.dma_semaphore, #tpu.memory_space<semaphore_mem>>) src(%arg9 : memref<128x64xf32, #tpu.memory_space<vmem>>) dst(%dma_wait3A_149 : memref<128x64xf32, #tpu.memory_space<hbm>>)
      tpu.yield
    }) : () -> ()
    %add3A_134 = arith.constant 384 : i32
    %add3A_135 = arith.addi %mul3A_61, %add3A_134 : i32
    "tpu.region"() ({
      %run_scoped3A = tpu.sem_alloc : memref<!tpu.dma_semaphore, #tpu.memory_space<semaphore_mem>>
      %dma_start3A_138 = arith.constant 0 : i32
      %dma_start3A_139 = tpu.memref_slice %arg14[%add3A_135, %dma_start3A_138] : memref<10240x64xf32, #tpu.memory_space<vmem_shared>> -> memref<128x64xf32, #tpu.memory_space<vmem_shared>>
      %dma_start3A_140 = arith.constant 0 : i32
      %dma_start3A_141 = tpu.memref_slice %arg14[%add3A_135, %dma_start3A_140] : memref<10240x64xf32, #tpu.memory_space<vmem_shared>> -> memref<128x64xf32, #tpu.memory_space<vmem_shared>>
      tpu.enqueue_dma source(%dma_start3A_141 : memref<128x64xf32, #tpu.memory_space<vmem_shared>>) target(%arg9 : memref<128x64xf32, #tpu.memory_space<vmem>>) target_semaphore(%run_scoped3A : memref<!tpu.dma_semaphore, #tpu.memory_space<semaphore_mem>>)
      %dma_wait3A_142 = arith.constant 0 : i32
      %dma_wait3A_143 = tpu.memref_slice %arg14[%add3A_135, %dma_wait3A_142] : memref<10240x64xf32, #tpu.memory_space<vmem_shared>> -> memref<128x64xf32, #tpu.memory_space<vmem_shared>>
      %dma_wait3A_144 = arith.constant 0 : i32
      %dma_wait3A_145 = tpu.memref_slice %arg14[%add3A_135, %dma_wait3A_144] : memref<10240x64xf32, #tpu.memory_space<vmem_shared>> -> memref<128x64xf32, #tpu.memory_space<vmem_shared>>
      tpu.wait_dma2 semaphore(%run_scoped3A : memref<!tpu.dma_semaphore, #tpu.memory_space<semaphore_mem>>) src(%dma_wait3A_145 : memref<128x64xf32, #tpu.memory_space<vmem_shared>>) dst(%arg9 : memref<128x64xf32, #tpu.memory_space<vmem>>)
      tpu.yield
    }) : () -> ()
    "tpu.region"() ({
      %run_scoped3A = tpu.sem_alloc : memref<!tpu.dma_semaphore, #tpu.memory_space<semaphore_mem>>
      %dma_start3A_138 = arith.constant 0 : i32
      %dma_start3A_139 = tpu.memref_slice %arg5[%arg0, %add3A_135, %dma_start3A_138] : memref<2x10240x64xf32, #tpu.memory_space<hbm>> -> memref<1x128x64xf32, #tpu.memory_space<hbm>>
      %dma_start3A_140 = tpu.memref_squeeze %dma_start3A_139 : memref<1x128x64xf32, #tpu.memory_space<hbm>> -> memref<128x64xf32, #tpu.memory_space<hbm>>
      %dma_start3A_141 = arith.constant 0 : i32
      %dma_start3A_142 = tpu.memref_slice %arg5[%arg0, %add3A_135, %dma_start3A_141] : memref<2x10240x64xf32, #tpu.memory_space<hbm>> -> memref<1x128x64xf32, #tpu.memory_space<hbm>>
      %dma_start3A_143 = tpu.memref_squeeze %dma_start3A_142 : memref<1x128x64xf32, #tpu.memory_space<hbm>> -> memref<128x64xf32, #tpu.memory_space<hbm>>
      tpu.enqueue_dma source(%arg9 : memref<128x64xf32, #tpu.memory_space<vmem>>) target(%dma_start3A_143 : memref<128x64xf32, #tpu.memory_space<hbm>>) target_semaphore(%run_scoped3A : memref<!tpu.dma_semaphore, #tpu.memory_space<semaphore_mem>>)
      %dma_wait3A_144 = arith.constant 0 : i32
      %dma_wait3A_145 = tpu.memref_slice %arg5[%arg0, %add3A_135, %dma_wait3A_144] : memref<2x10240x64xf32, #tpu.memory_space<hbm>> -> memref<1x128x64xf32, #tpu.memory_space<hbm>>
      %dma_wait3A_146 = tpu.memref_squeeze %dma_wait3A_145 : memref<1x128x64xf32, #tpu.memory_space<hbm>> -> memref<128x64xf32, #tpu.memory_space<hbm>>
      %dma_wait3A_147 = arith.constant 0 : i32
      %dma_wait3A_148 = tpu.memref_slice %arg5[%arg0, %add3A_135, %dma_wait3A_147] : memref<2x10240x64xf32, #tpu.memory_space<hbm>> -> memref<1x128x64xf32, #tpu.memory_space<hbm>>
      %dma_wait3A_149 = tpu.memref_squeeze %dma_wait3A_148 : memref<1x128x64xf32, #tpu.memory_space<hbm>> -> memref<128x64xf32, #tpu.memory_space<hbm>>
      tpu.wait_dma2 semaphore(%run_scoped3A : memref<!tpu.dma_semaphore, #tpu.memory_space<semaphore_mem>>) src(%arg9 : memref<128x64xf32, #tpu.memory_space<vmem>>) dst(%dma_wait3A_149 : memref<128x64xf32, #tpu.memory_space<hbm>>)
      tpu.yield
    }) : () -> ()
    %add3A_136 = arith.constant 512 : i32
    %add3A_137 = arith.addi %mul3A_61, %add3A_136 : i32
    "tpu.region"() ({
      %run_scoped3A = tpu.sem_alloc : memref<!tpu.dma_semaphore, #tpu.memory_space<semaphore_mem>>
      %dma_start3A_138 = arith.constant 0 : i32
      %dma_start3A_139 = tpu.memref_slice %arg14[%add3A_137, %dma_start3A_138] : memref<10240x64xf32, #tpu.memory_space<vmem_shared>> -> memref<128x64xf32, #tpu.memory_space<vmem_shared>>
      %dma_start3A_140 = arith.constant 0 : i32
      %dma_start3A_141 = tpu.memref_slice %arg14[%add3A_137, %dma_start3A_140] : memref<10240x64xf32, #tpu.memory_space<vmem_shared>> -> memref<128x64xf32, #tpu.memory_space<vmem_shared>>
      tpu.enqueue_dma source(%dma_start3A_141 : memref<128x64xf32, #tpu.memory_space<vmem_shared>>) target(%arg9 : memref<128x64xf32, #tpu.memory_space<vmem>>) target_semaphore(%run_scoped3A : memref<!tpu.dma_semaphore, #tpu.memory_space<semaphore_mem>>)
      %dma_wait3A_142 = arith.constant 0 : i32
      %dma_wait3A_143 = tpu.memref_slice %arg14[%add3A_137, %dma_wait3A_142] : memref<10240x64xf32, #tpu.memory_space<vmem_shared>> -> memref<128x64xf32, #tpu.memory_space<vmem_shared>>
      %dma_wait3A_144 = arith.constant 0 : i32
      %dma_wait3A_145 = tpu.memref_slice %arg14[%add3A_137, %dma_wait3A_144] : memref<10240x64xf32, #tpu.memory_space<vmem_shared>> -> memref<128x64xf32, #tpu.memory_space<vmem_shared>>
      tpu.wait_dma2 semaphore(%run_scoped3A : memref<!tpu.dma_semaphore, #tpu.memory_space<semaphore_mem>>) src(%dma_wait3A_145 : memref<128x64xf32, #tpu.memory_space<vmem_shared>>) dst(%arg9 : memref<128x64xf32, #tpu.memory_space<vmem>>)
      tpu.yield
    }) : () -> ()
    "tpu.region"() ({
      %run_scoped3A = tpu.sem_alloc : memref<!tpu.dma_semaphore, #tpu.memory_space<semaphore_mem>>
      %dma_start3A_138 = arith.constant 0 : i32
      %dma_start3A_139 = tpu.memref_slice %arg5[%arg0, %add3A_137, %dma_start3A_138] : memref<2x10240x64xf32, #tpu.memory_space<hbm>> -> memref<1x128x64xf32, #tpu.memory_space<hbm>>
      %dma_start3A_140 = tpu.memref_squeeze %dma_start3A_139 : memref<1x128x64xf32, #tpu.memory_space<hbm>> -> memref<128x64xf32, #tpu.memory_space<hbm>>
      %dma_start3A_141 = arith.constant 0 : i32
      %dma_start3A_142 = tpu.memref_slice %arg5[%arg0, %add3A_137, %dma_start3A_141] : memref<2x10240x64xf32, #tpu.memory_space<hbm>> -> memref<1x128x64xf32, #tpu.memory_space<hbm>>
      %dma_start3A_143 = tpu.memref_squeeze %dma_start3A_142 : memref<1x128x64xf32, #tpu.memory_space<hbm>> -> memref<128x64xf32, #tpu.memory_space<hbm>>
      tpu.enqueue_dma source(%arg9 : memref<128x64xf32, #tpu.memory_space<vmem>>) target(%dma_start3A_143 : memref<128x64xf32, #tpu.memory_space<hbm>>) target_semaphore(%run_scoped3A : memref<!tpu.dma_semaphore, #tpu.memory_space<semaphore_mem>>)
      %dma_wait3A_144 = arith.constant 0 : i32
      %dma_wait3A_145 = tpu.memref_slice %arg5[%arg0, %add3A_137, %dma_wait3A_144] : memref<2x10240x64xf32, #tpu.memory_space<hbm>> -> memref<1x128x64xf32, #tpu.memory_space<hbm>>
      %dma_wait3A_146 = tpu.memref_squeeze %dma_wait3A_145 : memref<1x128x64xf32, #tpu.memory_space<hbm>> -> memref<128x64xf32, #tpu.memory_space<hbm>>
      %dma_wait3A_147 = arith.constant 0 : i32
      %dma_wait3A_148 = tpu.memref_slice %arg5[%arg0, %add3A_137, %dma_wait3A_147] : memref<2x10240x64xf32, #tpu.memory_space<hbm>> -> memref<1x128x64xf32, #tpu.memory_space<hbm>>
      %dma_wait3A_149 = tpu.memref_squeeze %dma_wait3A_148 : memref<1x128x64xf32, #tpu.memory_space<hbm>> -> memref<128x64xf32, #tpu.memory_space<hbm>>
      tpu.wait_dma2 semaphore(%run_scoped3A : memref<!tpu.dma_semaphore, #tpu.memory_space<semaphore_mem>>) src(%arg9 : memref<128x64xf32, #tpu.memory_space<vmem>>) dst(%dma_wait3A_149 : memref<128x64xf32, #tpu.memory_space<hbm>>)
      tpu.yield
    }) : () -> ()
    return
  }
}

module attributes {stable_mosaic.version = 14 : i64} {
  func.func @_combine_body(%arg0: i32, %arg1: memref<1x512x64xf32, #tpu.memory_space<vmem>>, %arg2: memref<1x512x64xf32, #tpu.memory_space<vmem>>, %arg3: memref<1x512x1xf32, #tpu.memory_space<vmem>>, %arg4: memref<1x512x1xf32, #tpu.memory_space<vmem>>, %arg5: memref<512x128xf32, #tpu.memory_space<vmem>>, %arg6: memref<512x128xf32, #tpu.memory_space<vmem>>, %arg7: memref<512x1xf32, #tpu.memory_space<vmem>>, %arg8: memref<512x1xf32, #tpu.memory_space<vmem>>) attributes {dimension_semantics = [#tpu.dimension_semantics<arbitrary>], iteration_bounds = array<i64: 20>, scalar_prefetch = 0 : i64, scratch_operands = 0 : i64, tpu.core_type = #tpu.core_type<tc>, window_params = [{transform_indices = @transform_0, window_bounds = array<i64: 1, 512, 64>}, {transform_indices = @transform_1, window_bounds = array<i64: 1, 512, 64>}, {transform_indices = @transform_2, window_bounds = array<i64: 1, 512, 1>}, {transform_indices = @transform_3, window_bounds = array<i64: 1, 512, 1>}, {transform_indices = @transform_4, window_bounds = array<i64: 512, 128>}, {transform_indices = @transform_5, window_bounds = array<i64: 512, 128>}, {transform_indices = @transform_6, window_bounds = array<i64: 512, 1>}, {transform_indices = @transform_7, window_bounds = array<i64: 512, 1>}]} {
    %get3A = arith.constant 0 : index
    %get3A_0 = arith.constant 0 : index
    %get3A_1 = arith.constant 0 : index
    %get3A_2 = vector.load %arg3[%get3A, %get3A_0, %get3A_1] : memref<1x512x1xf32, #tpu.memory_space<vmem>>, vector<1x512x1xf32>
    %get3A_3 = vector.shape_cast %get3A_2 : vector<1x512x1xf32> to vector<512x1xf32>
    %get3A_4 = arith.constant 0 : index
    %get3A_5 = arith.constant 0 : index
    %get3A_6 = arith.constant 0 : index
    %get3A_7 = vector.load %arg4[%get3A_4, %get3A_5, %get3A_6] : memref<1x512x1xf32, #tpu.memory_space<vmem>>, vector<1x512x1xf32>
    %get3A_8 = vector.shape_cast %get3A_7 : vector<1x512x1xf32> to vector<512x1xf32>
    %add3A = arith.addf %get3A_3, %get3A_8 : vector<512x1xf32>
    %max3A = arith.constant 1.000000e+00 : f32
    %max3A_9 = vector.broadcast %max3A : f32 to vector<512x1xf32>
    %max3A_10 = arith.maximumf %add3A, %max3A_9 : vector<512x1xf32>
    %div3A = arith.constant 1.000000e+00 : f32
    %div3A_11 = vector.broadcast %div3A : f32 to vector<512x1xf32>
    %div3A_12 = arith.divf %div3A_11, %max3A_10 : vector<512x1xf32>
    %mul3A = arith.mulf %add3A, %div3A_12 : vector<512x1xf32>
    %swap3A = arith.constant 0 : index
    %swap3A_13 = arith.constant 0 : index
    %swap3A_14 = vector.load %arg7[%swap3A, %swap3A_13] : memref<512x1xf32, #tpu.memory_space<vmem>>, vector<512x1xf32>
    tpu.vector_store %arg7[%swap3A, %swap3A_13], %div3A_12 {strides = array<i32>} : memref<512x1xf32, #tpu.memory_space<vmem>>, vector<512x1xf32>,
    %swap3A_15 = arith.constant 0 : index
    %swap3A_16 = arith.constant 0 : index
    %swap3A_17 = vector.load %arg8[%swap3A_15, %swap3A_16] : memref<512x1xf32, #tpu.memory_space<vmem>>, vector<512x1xf32>
    tpu.vector_store %arg8[%swap3A_15, %swap3A_16], %mul3A {strides = array<i32>} : memref<512x1xf32, #tpu.memory_space<vmem>>, vector<512x1xf32>,
    %get3A_18 = arith.constant 0 : index
    %get3A_19 = arith.constant 0 : index
    %get3A_20 = arith.constant 0 : index
    %get3A_21 = vector.load %arg1[%get3A_18, %get3A_19, %get3A_20] : memref<1x512x64xf32, #tpu.memory_space<vmem>>, vector<1x512x64xf32>
    %get3A_22 = vector.shape_cast %get3A_21 : vector<1x512x64xf32> to vector<512x64xf32>
    %get3A_23 = arith.constant 0 : index
    %get3A_24 = arith.constant 0 : index
    %get3A_25 = arith.constant 0 : index
    %get3A_26 = vector.load %arg2[%get3A_23, %get3A_24, %get3A_25] : memref<1x512x64xf32, #tpu.memory_space<vmem>>, vector<1x512x64xf32>
    %get3A_27 = vector.shape_cast %get3A_26 : vector<1x512x64xf32> to vector<512x64xf32>
    %concatenate3A = tpu.concatenate %get3A_22, %get3A_27 in 1 : vector<512x64xf32>, vector<512x64xf32> -> vector<512x128xf32>
    %mul3A_28 = vector.broadcast %div3A_12 : vector<512x1xf32> to vector<512x128xf32>
    %mul3A_29 = arith.mulf %concatenate3A, %mul3A_28 : vector<512x128xf32>
    %get3A_30 = arith.constant 0 : index
    %get3A_31 = arith.constant 0 : index
    %get3A_32 = vector.load %arg5[%get3A_30, %get3A_31] : memref<512x128xf32, #tpu.memory_space<vmem>>, vector<512x128xf32>
    %mul3A_33 = vector.broadcast %mul3A : vector<512x1xf32> to vector<512x128xf32>
    %mul3A_34 = arith.mulf %get3A_32, %mul3A_33 : vector<512x128xf32>
    %sub3A = arith.subf %mul3A_29, %mul3A_34 : vector<512x128xf32>
    %swap3A_35 = arith.constant 0 : index
    %swap3A_36 = arith.constant 0 : index
    %swap3A_37 = vector.load %arg6[%swap3A_35, %swap3A_36] : memref<512x128xf32, #tpu.memory_space<vmem>>, vector<512x128xf32>
    tpu.vector_store %arg6[%swap3A_35, %swap3A_36], %sub3A {strides = array<i32>} : memref<512x128xf32, #tpu.memory_space<vmem>>, vector<512x128xf32>,
    return
  }
  func.func @transform_0(%arg0: i32) -> (i32, i32, i32) {
    %c0_i32 = arith.constant 0 : i32
    %c0_i32_0 = arith.constant 0 : i32
    %c0_i32_1 = arith.constant 0 : i32
    return %c0_i32, %arg0, %c0_i32_0 : i32, i32, i32
  }
  func.func @transform_1(%arg0: i32) -> (i32, i32, i32) {
    %c1_i32 = arith.constant 1 : i32
    %c0_i32 = arith.constant 0 : i32
    %c0_i32_0 = arith.constant 0 : i32
    return %c1_i32, %arg0, %c0_i32 : i32, i32, i32
  }
  func.func @transform_2(%arg0: i32) -> (i32, i32, i32) {
    %c0_i32 = arith.constant 0 : i32
    %c0_i32_0 = arith.constant 0 : i32
    %c0_i32_1 = arith.constant 0 : i32
    return %c0_i32, %arg0, %c0_i32_0 : i32, i32, i32
  }
  func.func @transform_3(%arg0: i32) -> (i32, i32, i32) {
    %c1_i32 = arith.constant 1 : i32
    %c0_i32 = arith.constant 0 : i32
    %c0_i32_0 = arith.constant 0 : i32
    return %c1_i32, %arg0, %c0_i32 : i32, i32, i32
  }
  func.func @transform_4(%arg0: i32) -> (i32, i32) {
    %c0_i32 = arith.constant 0 : i32
    %c0_i32_0 = arith.constant 0 : i32
    return %arg0, %c0_i32 : i32, i32
  }
  func.func @transform_5(%arg0: i32) -> (i32, i32) {
    %c0_i32 = arith.constant 0 : i32
    %c0_i32_0 = arith.constant 0 : i32
    return %arg0, %c0_i32 : i32, i32
  }
  func.func @transform_6(%arg0: i32) -> (i32, i32) {
    %c0_i32 = arith.constant 0 : i32
    %c0_i32_0 = arith.constant 0 : i32
    return %arg0, %c0_i32 : i32, i32
  }
  func.func @transform_7(%arg0: i32) -> (i32, i32) {
    %c0_i32 = arith.constant 0 : i32
    %c0_i32_0 = arith.constant 0 : i32
    return %arg0, %c0_i32 : i32, i32
  }
}

module attributes {stable_mosaic.version = 14 : i64} {
  func.func @_mlp_body(%arg0: i32, %arg1: memref<512x128xf32, #tpu.memory_space<vmem>>, %arg2: memref<512x128xf32, #tpu.memory_space<vmem>>, %arg3: memref<1x512x64xf32, #tpu.memory_space<vmem>>, %arg4: memref<1x512x64xf32, #tpu.memory_space<vmem>>, %arg5: memref<512x1xf32, #tpu.memory_space<vmem>>, %arg6: memref<512x1xf32, #tpu.memory_space<vmem>>, %arg7: memref<128x128xf32, #tpu.memory_space<vmem>>, %arg8: memref<128x128xf32, #tpu.memory_space<vmem>>, %arg9: memref<128x128xf32, #tpu.memory_space<vmem>>, %arg10: memref<1x128xf32, #tpu.memory_space<vmem>>, %arg11: memref<128x128xf32, #tpu.memory_space<vmem>>, %arg12: memref<1x128xf32, #tpu.memory_space<vmem>>, %arg13: memref<512x128xf32, #tpu.memory_space<vmem>>) attributes {dimension_semantics = [#tpu.dimension_semantics<arbitrary>], iteration_bounds = array<i64: 20>, scalar_prefetch = 0 : i64, scratch_operands = 0 : i64, tpu.core_type = #tpu.core_type<tc>, window_params = [{transform_indices = @transform_0, window_bounds = array<i64: 512, 128>}, {transform_indices = @transform_1, window_bounds = array<i64: 512, 128>}, {transform_indices = @transform_2, window_bounds = array<i64: 1, 512, 64>}, {transform_indices = @transform_3, window_bounds = array<i64: 1, 512, 64>}, {transform_indices = @transform_4, window_bounds = array<i64: 512, 1>}, {transform_indices = @transform_5, window_bounds = array<i64: 512, 1>}, {pipeline_mode = #tpu.pipeline_mode<synchronous>, transform_indices = @transform_6, window_bounds = array<i64: 128, 128>}, {pipeline_mode = #tpu.pipeline_mode<synchronous>, transform_indices = @transform_7, window_bounds = array<i64: 128, 128>}, {pipeline_mode = #tpu.pipeline_mode<synchronous>, transform_indices = @transform_8, window_bounds = array<i64: 128, 128>}, {pipeline_mode = #tpu.pipeline_mode<synchronous>, transform_indices = @transform_9, window_bounds = array<i64: 1, 128>}, {pipeline_mode = #tpu.pipeline_mode<synchronous>, transform_indices = @transform_10, window_bounds = array<i64: 128, 128>}, {pipeline_mode = #tpu.pipeline_mode<synchronous>, transform_indices = @transform_11, window_bounds = array<i64: 1, 128>}, {transform_indices = @transform_12, window_bounds = array<i64: 512, 128>}]} {
    %get3A = arith.constant 0 : index
    %get3A_0 = arith.constant 0 : index
    %get3A_1 = arith.constant 0 : index
    %get3A_2 = vector.load %arg3[%get3A, %get3A_0, %get3A_1] : memref<1x512x64xf32, #tpu.memory_space<vmem>>, vector<1x512x64xf32>
    %get3A_3 = vector.shape_cast %get3A_2 : vector<1x512x64xf32> to vector<512x64xf32>
    %get3A_4 = arith.constant 0 : index
    %get3A_5 = arith.constant 0 : index
    %get3A_6 = arith.constant 0 : index
    %get3A_7 = vector.load %arg4[%get3A_4, %get3A_5, %get3A_6] : memref<1x512x64xf32, #tpu.memory_space<vmem>>, vector<1x512x64xf32>
    %get3A_8 = vector.shape_cast %get3A_7 : vector<1x512x64xf32> to vector<512x64xf32>
    %concatenate3A = tpu.concatenate %get3A_3, %get3A_8 in 1 : vector<512x64xf32>, vector<512x64xf32> -> vector<512x128xf32>
    %get3A_9 = arith.constant 0 : index
    %get3A_10 = arith.constant 0 : index
    %get3A_11 = vector.load %arg5[%get3A_9, %get3A_10] : memref<512x1xf32, #tpu.memory_space<vmem>>, vector<512x1xf32>
    %mul3A = vector.broadcast %get3A_11 : vector<512x1xf32> to vector<512x128xf32>
    %mul3A_12 = arith.mulf %concatenate3A, %mul3A : vector<512x128xf32>
    %get3A_13 = arith.constant 0 : index
    %get3A_14 = arith.constant 0 : index
    %get3A_15 = vector.load %arg2[%get3A_13, %get3A_14] : memref<512x128xf32, #tpu.memory_space<vmem>>, vector<512x128xf32>
    %get3A_16 = arith.constant 0 : index
    %get3A_17 = arith.constant 0 : index
    %get3A_18 = vector.load %arg6[%get3A_16, %get3A_17] : memref<512x1xf32, #tpu.memory_space<vmem>>, vector<512x1xf32>
    %mul3A_19 = vector.broadcast %get3A_18 : vector<512x1xf32> to vector<512x128xf32>
    %mul3A_20 = arith.mulf %get3A_15, %mul3A_19 : vector<512x128xf32>
    %sub3A = arith.subf %mul3A_12, %mul3A_20 : vector<512x128xf32>
    %get3A_21 = arith.constant 0 : index
    %get3A_22 = arith.constant 0 : index
    %get3A_23 = vector.load %arg1[%get3A_21, %get3A_22] : memref<512x128xf32, #tpu.memory_space<vmem>>, vector<512x128xf32>
    %get3A_24 = arith.constant 0 : index
    %get3A_25 = arith.constant 0 : index
    %get3A_26 = vector.load %arg7[%get3A_24, %get3A_25] : memref<128x128xf32, #tpu.memory_space<vmem>>, vector<128x128xf32>
    %dot_general3A = arith.constant dense<0.000000e+00> : vector<512x128xf32>
    %dot_general3A_27 = tpu.matmul %get3A_23, %get3A_26, %dot_general3A {dimension_numbers = #tpu.dot_dimension_numbers<[1], [0], [0], [1], [0, 0, 1, 1], [], []>, transpose_lhs_hint = false} : vector<512x128xf32>, vector<128x128xf32>, vector<512x128xf32> -> vector<512x128xf32>
    %get3A_28 = arith.constant 0 : index
    %get3A_29 = arith.constant 0 : index
    %get3A_30 = vector.load %arg2[%get3A_28, %get3A_29] : memref<512x128xf32, #tpu.memory_space<vmem>>, vector<512x128xf32>
    %get3A_31 = arith.constant 0 : index
    %get3A_32 = arith.constant 0 : index
    %get3A_33 = vector.load %arg8[%get3A_31, %get3A_32] : memref<128x128xf32, #tpu.memory_space<vmem>>, vector<128x128xf32>
    %dot_general3A_34 = arith.constant dense<0.000000e+00> : vector<512x128xf32>
    %dot_general3A_35 = tpu.matmul %get3A_30, %get3A_33, %dot_general3A_34 {dimension_numbers = #tpu.dot_dimension_numbers<[1], [0], [0], [1], [0, 0, 1, 1], [], []>, transpose_lhs_hint = false} : vector<512x128xf32>, vector<128x128xf32>, vector<512x128xf32> -> vector<512x128xf32>
    %add3A = arith.addf %dot_general3A_27, %dot_general3A_35 : vector<512x128xf32>
    %get3A_36 = arith.constant 0 : index
    %get3A_37 = arith.constant 0 : index
    %get3A_38 = vector.load %arg9[%get3A_36, %get3A_37] : memref<128x128xf32, #tpu.memory_space<vmem>>, vector<128x128xf32>
    %dot_general3A_39 = arith.constant dense<0.000000e+00> : vector<512x128xf32>
    %dot_general3A_40 = tpu.matmul %sub3A, %get3A_38, %dot_general3A_39 {dimension_numbers = #tpu.dot_dimension_numbers<[1], [0], [0], [1], [0, 0, 1, 1], [], []>, transpose_lhs_hint = false} : vector<512x128xf32>, vector<128x128xf32>, vector<512x128xf32> -> vector<512x128xf32>
    %add3A_41 = arith.addf %add3A, %dot_general3A_40 : vector<512x128xf32>
    %get3A_42 = arith.constant 0 : index
    %get3A_43 = arith.constant 0 : index
    %get3A_44 = vector.load %arg10[%get3A_42, %get3A_43] : memref<1x128xf32, #tpu.memory_space<vmem>>, vector<1x128xf32>
    %add3A_45 = vector.broadcast %get3A_44 : vector<1x128xf32> to vector<512x128xf32>
    %add3A_46 = arith.addf %add3A_41, %add3A_45 : vector<512x128xf32>
    %max3A = arith.constant 0.000000e+00 : f32
    %max3A_47 = vector.broadcast %max3A : f32 to vector<512x128xf32>
    %max3A_48 = arith.maximumf %add3A_46, %max3A_47 : vector<512x128xf32>
    %get3A_49 = arith.constant 0 : index
    %get3A_50 = arith.constant 0 : index
    %get3A_51 = vector.load %arg11[%get3A_49, %get3A_50] : memref<128x128xf32, #tpu.memory_space<vmem>>, vector<128x128xf32>
    %dot_general3A_52 = arith.constant dense<0.000000e+00> : vector<512x128xf32>
    %dot_general3A_53 = tpu.matmul %max3A_48, %get3A_51, %dot_general3A_52 {dimension_numbers = #tpu.dot_dimension_numbers<[1], [0], [0], [1], [0, 0, 1, 1], [], []>, transpose_lhs_hint = false} : vector<512x128xf32>, vector<128x128xf32>, vector<512x128xf32> -> vector<512x128xf32>
    %get3A_54 = arith.constant 0 : index
    %get3A_55 = arith.constant 0 : index
    %get3A_56 = vector.load %arg12[%get3A_54, %get3A_55] : memref<1x128xf32, #tpu.memory_space<vmem>>, vector<1x128xf32>
    %add3A_57 = vector.broadcast %get3A_56 : vector<1x128xf32> to vector<512x128xf32>
    %add3A_58 = arith.addf %dot_general3A_53, %add3A_57 : vector<512x128xf32>
    %swap3A = arith.constant 0 : index
    %swap3A_59 = arith.constant 0 : index
    %swap3A_60 = vector.load %arg13[%swap3A, %swap3A_59] : memref<512x128xf32, #tpu.memory_space<vmem>>, vector<512x128xf32>
    tpu.vector_store %arg13[%swap3A, %swap3A_59], %add3A_58 {strides = array<i32>} : memref<512x128xf32, #tpu.memory_space<vmem>>, vector<512x128xf32>,
    return
  }
  func.func @transform_0(%arg0: i32) -> (i32, i32) {
    %c0_i32 = arith.constant 0 : i32
    %c0_i32_0 = arith.constant 0 : i32
    return %arg0, %c0_i32 : i32, i32
  }
  func.func @transform_1(%arg0: i32) -> (i32, i32) {
    %c0_i32 = arith.constant 0 : i32
    %c0_i32_0 = arith.constant 0 : i32
    return %arg0, %c0_i32 : i32, i32
  }
  func.func @transform_2(%arg0: i32) -> (i32, i32, i32) {
    %c0_i32 = arith.constant 0 : i32
    %c0_i32_0 = arith.constant 0 : i32
    %c0_i32_1 = arith.constant 0 : i32
    return %c0_i32, %arg0, %c0_i32_0 : i32, i32, i32
  }
  func.func @transform_3(%arg0: i32) -> (i32, i32, i32) {
    %c1_i32 = arith.constant 1 : i32
    %c0_i32 = arith.constant 0 : i32
    %c0_i32_0 = arith.constant 0 : i32
    return %c1_i32, %arg0, %c0_i32 : i32, i32, i32
  }
  func.func @transform_4(%arg0: i32) -> (i32, i32) {
    %c0_i32 = arith.constant 0 : i32
    %c0_i32_0 = arith.constant 0 : i32
    return %arg0, %c0_i32 : i32, i32
  }
  func.func @transform_5(%arg0: i32) -> (i32, i32) {
    %c0_i32 = arith.constant 0 : i32
    %c0_i32_0 = arith.constant 0 : i32
    return %arg0, %c0_i32 : i32, i32
  }
  func.func @transform_6(%arg0: i32) -> (i32, i32) {
    %c0_i32 = arith.constant 0 : i32
    %c0_i32_0 = arith.constant 0 : i32
    %c0_i32_1 = arith.constant 0 : i32
    return %c0_i32, %c0_i32_0 : i32, i32
  }
  func.func @transform_7(%arg0: i32) -> (i32, i32) {
    %c0_i32 = arith.constant 0 : i32
    %c0_i32_0 = arith.constant 0 : i32
    %c0_i32_1 = arith.constant 0 : i32
    return %c0_i32, %c0_i32_0 : i32, i32
  }
  func.func @transform_8(%arg0: i32) -> (i32, i32) {
    %c0_i32 = arith.constant 0 : i32
    %c0_i32_0 = arith.constant 0 : i32
    %c0_i32_1 = arith.constant 0 : i32
    return %c0_i32, %c0_i32_0 : i32, i32
  }
  func.func @transform_9(%arg0: i32) -> (i32, i32) {
    %c0_i32 = arith.constant 0 : i32
    %c0_i32_0 = arith.constant 0 : i32
    %c0_i32_1 = arith.constant 0 : i32
    return %c0_i32, %c0_i32_0 : i32, i32
  }
  func.func @transform_10(%arg0: i32) -> (i32, i32) {
    %c0_i32 = arith.constant 0 : i32
    %c0_i32_0 = arith.constant 0 : i32
    %c0_i32_1 = arith.constant 0 : i32
    return %c0_i32, %c0_i32_0 : i32, i32
  }
  func.func @transform_11(%arg0: i32) -> (i32, i32) {
    %c0_i32 = arith.constant 0 : i32
    %c0_i32_0 = arith.constant 0 : i32
    %c0_i32_1 = arith.constant 0 : i32
    return %c0_i32, %c0_i32_0 : i32, i32
  }
  func.func @transform_12(%arg0: i32) -> (i32, i32) {
    %c0_i32 = arith.constant 0 : i32
    %c0_i32_0 = arith.constant 0 : i32
    return %arg0, %c0_i32 : i32, i32
  }
}

</mosaic_0001>

<sc_bundles>
// kernel: kernel.6.cloned.1.call-start
scs
__scs_entry_jumppad:
0x0: {  	(pc) =	sbr.rel $0x88, $3  }
0x1: {  	(tag) =	ssettag $0x0;
	lr =	simm.s32 $0x1  }
0x2: {  	[smem:$0x3F9B] =	sst lr;
	_ =	strace $0xD0000000  }
0x3: {  	_ = 	snop  }
0x4: {  	_ = 	snop  }
0x5: {  	_ = 	snop  }
0x6: {  	_ = 	snop  }
0x7: {  	_ = 	snop  }
__scs_overlays_trampoline_lowered:
0x8: {  	[smem:$0x3FAA] =	sst s0  }
0x9: {  	[smem:$0x3FAB] =	sst s1  }
0xa: {  	[smem:$0x3FAC] =	sst s2  }
0xb: {  	[smem:$0x3FAD] =	sst s3  }
0xc: {  	[smem:$0x3FAE] =	sst s4  }
0xd: {  	[smem:$0x3FAF] =	sst s5  }
0xe: {  	[smem:$0x3FB0] =	sst s6  }
0xf: {  	[smem:$0x3FB1] =	sst s7  }
0x10: {  	[smem:$0x3FB2] =	sst s8  }
0x11: {  	[smem:$0x3FB3] =	sst s9;
	s0 =	simm.s32 @!p0 $0x0  }
0x12: {  	s1 =	sld [smem:$0x3F99];
	s0 =	simm.s32 @p0 $0x1  }
0x13: {  	[smem:$0x3FB4] =	sst s0;
	s0 =	simm.s32 @!p1 $0x0  }
0x14: {  	s2 =	sld [smem:$0x3F98];
	s0 =	simm.s32 @p1 $0x1  }
0x15: {  	[smem:$0x3FB5] =	sst s0;
	s0 =	simm.s32 @!p2 $0x0  }
0x16: {  	s3 =	sld [smem:$0x3FDB];
	s0 =	simm.s32 @p2 $0x1  }
0x17: {  	s4 =	simm.s32 $0x1BF5;
	[smem:$0x3FB7] =	sst s0  }
0x18: {  	s0 =	sld [smem:$0x3F9A];
	_ =	swait.ge [sflag:s4], $0x0  }
0x19: {  	s7 =	sld [smem:$0x3F9B]  }
0x1a: {  	s8 =	sadd.s32 $0xFFFFE003, lr  }
0x1b: {  	s9 =	sadd.s32 $0xFFFFFEF7, lr;
	s5 =	simm.s32 $0xFFFFFFFF;
	p2 =	slt.u32 s8, $0xFFFFF086  }
0x1c: {  	p1 =	slt.u32 s9, $0xF7A;
	s5 =	simm.s32 @!p2 $0x0  }
0x1d: {  	s5 =	simm.s32 @p1 $0x1;
	p0 =	seq.s32 s7, s2  }
0x1e: {  	s7 =	smul.u32 @!p0 $0xF7A, s2;
	p2 =	seq.s32 @!p0 s5, $0x0  }
0x1f: {  	s9 =	smul.u32 $0xF7A, s1;
	s8 =	simm.s32 @!p0 $0x1BF5;
	p2 =	por !p2, p0  }
0x20: {  	[sflag:s8] =	ssyncset.s32 @!p0 $0xFFFFF086;
	s6 =	sadd.s32 @!p0 s3, s7;
	s7 =	simm.s32 @!p0 $0x108  }
0x21: {  	s3 =	sadd.s32 s3, s9;
	s6 =	sadd.s32 @!p0 $0x88, s6;
	s7 =	simm.s32 @p2 $0x1082  }
0x22: {  	[simem:s7], [sflag:s8] =	dma.local @!p0 [hbm:s6], $0xF7A  }
0x23: {  	s9 =	sor.u32 $0xD0000000, s2;
	s6 =	simm.s32 $0x108;
	_ =	swait.ge @!p0 [sflag:s8], $0x0  }
0x24: {  	s3 =	sadd.s32 $0x88, s3;
	s6 =	simm.s32 @!p1 $0x1082;
	[sflag:s4] =	ssyncset.s32 $0xFFFFF086  }
0x25: {  	[simem:s6], [sflag:s4] =	dma.local [hbm:s3], $0xF7A  }
0x26: {  	[smem:$0x3F9B] =	sst s1;
	(tag) =	ssettag s2;
	_ =	strace s9  }
0x27: {  	s1 =	sld [smem:$0x3FAB]  }
0x28: {  	s2 =	sld [smem:$0x3FAC]  }
0x29: {  	s4 =	sld [smem:$0x3FAE]  }
0x2a: {  	p0 =	seq.s32 s5, $0x0;
	s5 =	sld [smem:$0x3FAF]  }
0x2b: {  	s6 =	sld [smem:$0x3FB0]  }
0x2c: {  	s7 =	sld [smem:$0x3FB1]  }
0x2d: {  	s3 =	simm.s32 $0x108;
	s8 =	sld [smem:$0x3FB2]  }
0x2e: {  	s3 =	simm.s32 @!p0 $0x1082;
	s9 =	sld [smem:$0x3FB3]  }
0x2f: {  	lr =	sadd.s32 s0, s3;
	s0 =	sld [smem:$0x3FAA]  }
0x30: {  	s3 =	sld [smem:$0x3FAD]  }
0x31: {  	[smem:$0x3FB6] =	sst s10  }
0x32: {  	s10 =	sld [smem:$0x3FB4];
	_ =	sdelay $0x3  }
0x33: {  	p0 =	seq.s32 s10, $0x1;
	s10 =	sld [smem:$0x3FB6];
	_ =	sdelay $0x3  }
0x34: {  	[smem:$0x3FB6] =	sst s10  }
0x35: {  	s10 =	sld [smem:$0x3FB5];
	_ =	sdelay $0x3  }
0x36: {  	p1 =	seq.s32 s10, $0x1;
	s10 =	sld [smem:$0x3FB6];
	_ =	sdelay $0x3  }
0x37: {  	[smem:$0x3FB6] =	sst s10  }
0x38: {  	s10 =	sld [smem:$0x3FB7]  }
0x39: {  	_ = 	snop;
	(pc) =	sbr.ind lr, $3  }
0x3a: {  	_ = 	snop  }
0x3b: {  	_ = 	snop  }
0x3c: {  	p2 =	seq.s32 s10, $0x1;
	s10 =	sld [smem:$0x3FB6]  }
0x3d: {  	_ =	shalt  }
0x3e: {  	_ =	shalt  }
0x3f: {  	_ =	shalt  }
0x40: {  	_ =	shalt  }
0x41: {  	_ =	shalt  }
0x42: {  	_ =	shalt  }
0x43: {  	_ =	shalt  }
0x44: {  	_ =	shalt  }
0x45: {  	_ =	shalt  }
0x46: {  	_ =	shalt  }
0x47: {  	_ =	shalt  }
0x48: {  	_ =	shalt  }
0x49: {  	_ =	shalt  }
0x4a: {  	_ =	shalt  }
0x4b: {  	_ =	shalt  }
0x4c: {  	_ =	shalt  }
0x4d: {  	_ =	shalt  }
0x4e: {  	_ =	shalt  }
0x4f: {  	_ =	shalt  }
0x50: {  	_ =	shalt  }
0x51: {  	_ =	shalt  }
0x52: {  	_ =	shalt  }
0x53: {  	_ =	shalt  }
0x54: {  	_ =	shalt  }
0x55: {  	_ =	shalt  }
0x56: {  	_ =	shalt  }
0x57: {  	_ =	shalt  }
0x58: {  	_ =	shalt  }
0x59: {  	_ =	shalt  }
0x5a: {  	_ =	shalt  }
0x5b: {  	_ =	shalt  }
0x5c: {  	_ =	shalt  }
0x5d: {  	_ =	shalt  }
0x5e: {  	_ =	shalt  }
0x5f: {  	_ =	shalt  }
0x60: {  	_ =	shalt  }
0x61: {  	_ =	shalt  }
0x62: {  	_ =	shalt  }
0x63: {  	_ =	shalt  }
0x64: {  	_ =	shalt  }
0x65: {  	_ =	shalt  }
0x66: {  	_ =	shalt  }
0x67: {  	_ =	shalt  }
0x68: {  	_ =	shalt  }
0x69: {  	_ =	shalt  }
0x6a: {  	_ =	shalt  }
0x6b: {  	_ =	shalt  }
0x6c: {  	_ =	shalt  }
0x6d: {  	_ =	shalt  }
0x6e: {  	_ =	shalt  }
0x6f: {  	_ =	shalt  }
0x70: {  	_ =	shalt  }
0x71: {  	_ =	shalt  }
0x72: {  	_ =	shalt  }
0x73: {  	_ =	shalt  }
0x74: {  	_ =	shalt  }
0x75: {  	_ =	shalt  }
0x76: {  	_ =	shalt  }
0x77: {  	_ =	shalt  }
0x78: {  	_ =	shalt  }
0x79: {  	_ =	shalt  }
0x7a: {  	_ =	shalt  }
0x7b: {  	_ =	shalt  }
0x7c: {  	_ =	shalt  }
0x7d: {  	_ =	shalt  }
0x7e: {  	_ =	shalt  }
0x7f: {  	_ =	shalt  }
0x80: {  	_ =	shalt  }
0x81: {  	_ =	shalt  }
0x82: {  	_ =	shalt  }
0x83: {  	_ =	shalt  }
0x84: {  	_ =	shalt  }
0x85: {  	_ =	shalt  }
0x86: {  	_ =	shalt  }
0x87: {  	_ =	shalt  }
.Lfunc_end0:
.L_simem_size_0:
called_computation_lowered:
.L_overlay_start_0:
0x88: {  	s2 =	sld [smem:$0x3FD9]  }
0x89: {  	s3 =	sld [smem:$0x3FFE];
	_ =	sdelay $0x1  }
0x8a: {  	s1 =	srdreg.scid  }
0x8b: {  	s0 =	sand.u32 $0x1, s1  }
0x8c: {  	s17 =	sshll.u32 s0, $0xA;
	s2 =	sadd.s32 s3, s2  }
0x8d: {  	s2 =	sadd.s32 s2, s17  }
0x8e: {  	[smem:$0x3FC2] =	sst s2  }
0x8f: {  	_ = 	snop  }
0x90: {  	s2 =	sld [smem:$0x3FD0];
	(tm) =	ssettm $0x1  }
0x91: {  	s18 =	sld [smem:$0x3FFB];
	_ =	sdelay $0x3  }
0x92: {  	_ =	strace s18  }
0x93: {  	s3 =	sld [smem:$0x3FFC];
	_ =	sdelay $0x3  }
0x94: {  	_ =	strace s3  }
0x95: {  	s3 =	sld [smem:$0x3FFD];
	_ =	sdelay $0x3  }
0x96: {  	_ =	strace s3  }
0x97: {  	_ =	strace $0x8FFFFFFF  }
0x98: {  	s19 =	sld [smem:$0x3FDB];
	_ =	sdelay $0x1  }
0x99: {  	s4 =	simm.s32 $_scs_section_size  }
0x9a: {  	s5 =	simm.s32 $_size__tile_overlayer_lowered;
	s6 =	simm.s32 $_tile_overlayer_lowered  }
0x9b: {  	s22 =	simm.s32 $0x1BFF;
	s21 =	sshll.u32 s6, $0x1;
	s3 =	sadd.s32 s4, s19  }
0x9c: {  	s7 =	simm.s32 $0x0;
	s20 =	sshll.u32 s5, $0x1;
	s5 =	sadd.s32 s21, s3  }
0x9d: {  	[timem:s7], [sflag:s22] =	dma.local [hbm:s5], s20  }
0x9e: {  	_ =	swait.ge [sflag:s22], s20  }
0x9f: {  	s4 =	ssub.s32 $0x0, s20;
	[sflag:s22] =	ssyncset.done $0x0  }
0xa0: {  	[sflag:s22] =	ssyncadd.s32 s4;
	_ =	sdelay $0x1  }
0xa1: {  	s23 =	simm.s32 $0x1B8B  }
0xa2: {  	_ =	swait.ge [sflag:s23], $0x1  }
0xa3: {  	[sflag:s23] =	ssyncset.done $0x0  }
0xa4: {  	s25 =	simm.s32 $0x1B8E;
	s24 =	sld [smem:$0x3FFE];
	[sflag:s23] =	ssyncadd.s32 $0xFFFFFFFF  }
0xa5: {  	s26 =	simm.s32 $execute0_lowered;
	[smem:$0x3FD2] =	sst s25  }
0xa6: {  	s5 =	sshll.u32 s26, $0x1;
	_ =	strace $0x80000046;
	[dreg:$0x1] =	wrdreg $0xFFFFFFFF  }
0xa7: {  	s28 =	simm.s32 $_size_execute0_lowered;
	s3 =	sadd.s32 s3, s5;
	[dreg:$0x0] =	wrdreg $0x0  }
0xa8: {  	s5 =	sshll.u32 s28, $0x1;
	[dreg:$0x2] =	wrdreg s3  }
0xa9: {  	[dreg:$0x3] =	wrdreg s5  }
0xaa: {  	[dreg:$0x4] =	wrdreg $0xC0  }
0xab: {  	_ =	task [dreg:s7], $0x5FFFF  }
0xac: {  	[dreg:$0x1] =	wrdreg $0xFFFFFFFF  }
0xad: {  	[dreg:$0x0] =	wrdreg $0x60  }
0xae: {  	[dreg:$0x2] =	wrdreg s24  }
0xaf: {  	[dreg:$0x3] =	wrdreg s2  }
0xb0: {  	[dreg:$0x4] =	wrdreg $0x133000  }
0xb1: {  	[dreg:$0x5] =	wrdreg $0x1D3000  }
0xb2: {  	[dreg:$0x6] =	wrdreg $0x93000  }
0xb3: {  	[dreg:$0x7] =	wrdreg $0x9  }
0xb4: {  	_ =	task.clear_ibuf [dreg:s7], $0x8FFFF;
	_ =	strace $0x90000046  }
0xb5: {  	s29 =	simm.s32 $0x9;
	_ =	strace $0x80000048  }
0xb6: {  	_ =	swait.ge [sflag:s29], $0x1  }
0xb7: {  	[sflag:s29] =	ssyncadd.s32 $0xFFFFFFFF  }
0xb8: {  	_ =	strace $0x90000048  }
0xb9: {  	_ =	sfence  }
0xba: {  	s30 =	sld [smem:$0x0];
	_ =	sdelay $0x2  }
0xbb: {  	s31 =	sshll.u32 s1, $0xD;
	s1 =	sshrl.u32 s1, $0x2  }
0xbc: {  	s3 =	sand.u32 $0x4000, s31;
	s1 =	sadd.s32 s1, s30  }
0xbd: {  	s0 =	sor.u32 s3, s0;
	s1 =	sshll.u32 s1, $0x11  }
0xbe: {  	s0 =	sor.u32 s1, s0  }
0xbf: {  	s0 =	sadd.s32 $0x8F2B, s0  }
0xc0: {  	[sflag:s0] =	ssyncadd.remote.s32 $0x1  }
0xc1: {  	_ =	sfence.sel $0xFFFF  }
0xc2: {  	[dreg:$0x0] =	wrdreg $0xFFFFFFFF;
	(pc) =	sbr.abs _section_cstart, $3  }
0xc3: {  	[dreg:$0x1] =	wrdreg $0xFFFFFFFF  }
0xc4: {  	_ =	task.clear_ibuf [dreg:s7], $0x2FFFF;
	_ =	strace $0x9FFFFFFF  }
0xc5: {  	(tm) =	ssettm $0x7FFFFFFF  }
tec
execute0_lowered:
.L_overlay_start_1:
0x0: {  	(tag) =	ssettag $0x1  }
0x1: {  	s0 =	rddreg [dreg:$0x0]  }
0x2: {  	s2 =	rddreg [dreg:$0x1]  }
0x3: {  	s1 =	rddreg [dreg:$0x2]  }
0x4: {  	s3 =	rddreg [dreg:$0x3];
	s5 =	srdreg.scid  }
0x5: {  	s15 =	stileid.u32;
	s4 =	rddreg [dreg:$0x4];
	s28 =	simm.s32 $0x9080  }
0x6: {  	s29 =	simm.s32 $0x1;
	s30 =	simm.s32 $0x80;
	s7 =	smul.u32 $0x14000, s15  }
0x7: {  	s31 =	simm.s32 $0x7000;
	s6 =	sand.u32 $0x1, s5;
	s14 =	smul.u32 $0xA000, s15  }
0x8: {  	s5 =	simm.s32 $0x0;
	s10 =	sadd.s32 $0x2A600, s0;
	s21 =	smul.u32 $0x5000, s15  }
0x9: {  	s11 =	sadd.s32 $0x34600, s0;
	s8 =	sshll.u32 s6, $0x6;
	s9 =	smul.u32 $0x2800, s6  }
0xa: {  	[smem:$0x7FF] =	sst s5;
	s12 =	ssub.s32 $0x2, s6;
	s22 =	smul.u32 $0xA0000, s6  }
0xb: {  	p0 =	sne.s32 s6, $0x0;
	p1 =	seq.s32 s6, $0x0;
	s6 =	simm.s32 $0x2  }
0xc: {  	s7 =	sor.u32 s8, s7;
	s8 =	smul.u32 $0x280, s15;
	_ =	strace $0x80000047  }
0xd: {  	s13 =	sshrl.u32 s12, $0x1;
	s17 =	sadd.s32 $0x4000, s14;
	s18 =	sadd.s32 $0x6000, s14  }
0xe: {  	s19 =	sadd.s32 $0x8000, s14;
	s15 =	sadd.s32 s14, s1;
	s7 =	sshrl.u32 s7, $0x3  }
0xf: {  	s24 =	sadd.s32 s14, s22;
	s20 =	sadd.s32 s22, s18;
	s9 =	sadd.s32 s8, s9  }
0x10: {  	s18 =	sadd.s32 s18, s1;
	s7 =	sadd.s32 s7, s0;
	s9 =	sshrl.u32 s9, $0x3  }
0x11: {  	s7 =	sadd.s32 $0x2600, s7;
	s0 =	sadd.s32 s9, s0;
	s9 =	ssub.s32 s12, s13  }
0x12: {  	s13 =	sadd.s32 $0x2000, s14;
	s12 =	sshrl.u32 s21, $0x3;
	s21 =	sadd.s32 s22, s19  }
0x13: {  	s19 =	sadd.s32 s19, s1;
	[dreg:$0xf] =	wrdreg s7;
	s7 =	simm.s32 $0x3  }
0x14: {  	s16 =	sadd.s32 s2, s12;
	s23 =	sadd.s32 s10, s12;
	s12 =	sadd.s32 $0x500, s12  }
0x15: {  	s25 =	sadd.s32 s22, s13;
	s0 =	sadd.s32 $0x5C600, s0;
	[dreg:$0x6] =	wrdreg s16  }
0x16: {  	[dreg:$0x7] =	wrdreg s23;
	s2 =	sadd.s32 s2, s12;
	s10 =	sadd.s32 s10, s12  }
0x17: {  	s26 =	sshrl.u32 s25, $0x3;
	s16 =	sadd.s32 s22, s17;
	s22 =	sshrl.u32 s20, $0x3  }
0x18: {  	s23 =	sshrl.u32 s21, $0x3;
	s17 =	sadd.s32 s17, s1;
	[dreg:$0x10] =	wrdreg s0  }
0x19: {  	s20 =	sadd.s32 s8, s3;
	s25 =	sadd.s32 s14, s4;
	[dreg:$0x8] =	wrdreg s2  }
0x1a: {  	s0 =	simm.s32 $0x4;
	s8 =	simm.s32 $0x2780;
	[dreg:$0x9] =	wrdreg s10  }
0x1b: {  	s2 =	sshrl.u32 s24, $0x3;
	s12 =	sadd.s32 s11, s26;
	s24 =	sadd.s32 s11, s23  }
0x1c: {  	s26 =	smax.u32 s9, $0x1;
	s25 =	sshrl.u32 s25, $0x3;
	[dreg:$0xb] =	wrdreg s12  }
0x1d: {  	s9 =	simm.s32 $0x4F00;
	s2 =	sadd.s32 s11, s2;
	[dreg:$0xe] =	wrdreg s24  }
0x1e: {  	s10 =	simm.s32 $0x0;
	[dreg:$0xa] =	wrdreg s2;
	s2 =	sshrl.u32 s16, $0x3  }
0x1f: {  	[dreg:$0x11] =	wrdreg s26;
	s24 =	simm.s32 $0x5000;
	s2 =	sadd.s32 s11, s2  }
0x20: {  	s26 =	simm.s32 $0x5;
	[dreg:$0xc] =	wrdreg s2;
	s2 =	sadd.s32 s11, s22  }
0x21: {  	v0 =	vimm.f32 $0.0e+00;
	v1 =	vimm.f32 $1.000000000e+00;
	s16 =	sadd.s32 s13, s1;
	[dreg:$0xd] =	wrdreg s2;
	s2 =	simm.s32 $0x2800  }
.LBB2_1:
0x22: {  	s12 =	simm.s32 $0x100;
	s11 =	simm.s32 $0x0  }
.LBB2_2:
0x23: {  	p2 =	sne.s32 s12, $0x7F00;
	[tilespmem:s11+$0x5030] =	vst v0;
	s13 =	smov.u32 s12;
	s12 =	sadd.s32 $0x100, s12  }
.Ltmp0:
0x24: {  	[tilespmem:s11+$0x5020] =	vst v0;
	(pc) =	sbr.rel @p2 .LBB2_2-.Ltmp0, $3  }
0x25: {  	[tilespmem:s11+$0x5000] =	vst v0  }
0x26: {  	[tilespmem:s11+$0x5010] =	vst v0;
	_ =	sdelay $0x1  }
0x27: {  	s11 =	sshra.s32 s13, $0x2  }
0x28: {  	[tilespmem:s11+$0x5030] =	vst v0  }
0x29: {  	[tilespmem:s11+$0x5020] =	vst v0  }
0x2a: {  	[tilespmem:s11+$0x5000] =	vst v0  }
0x2b: {  	[tilespmem:s11+$0x5010] =	vst v0  }
0x2c: {  	[tilespmem:$0x9080] =	vst v0  }
0x2d: {  	[tilespmem:$0x9090] =	vst v0  }
0x2e: {  	[tilespmem:$0x90A0] =	vst v0  }
0x2f: {  	[tilespmem:$0x90B0] =	vst v0  }
0x30: {  	[tilespmem:$0x90C0] =	vst v0  }
0x31: {  	[tilespmem:$0x90D0] =	vst v0  }
0x32: {  	[tilespmem:$0x90E0] =	vst v0  }
0x33: {  	[tilespmem:$0x90F0] =	vst v0  }
0x34: {  	[tilespmem:$0x9100] =	vst v0  }
0x35: {  	[tilespmem:$0x9110] =	vst v0  }
0x36: {  	[tilespmem:$0x9120] =	vst v0  }
0x37: {  	[tilespmem:$0x9130] =	vst v0  }
0x38: {  	[tilespmem:$0x9140] =	vst v0  }
0x39: {  	[tilespmem:$0x9150] =	vst v0  }
0x3a: {  	[tilespmem:$0x9160] =	vst v0  }
0x3b: {  	[tilespmem:$0x9170] =	vst v0  }
0x3c: {  	[tilespmem:$0x9180] =	vst v0  }
0x3d: {  	[tilespmem:$0x9190] =	vst v0  }
0x3e: {  	[tilespmem:$0x91A0] =	vst v0  }
0x3f: {  	[tilespmem:$0x91B0] =	vst v0  }
0x40: {  	[tilespmem:$0x91C0] =	vst v0  }
0x41: {  	[tilespmem:$0x91D0] =	vst v0  }
0x42: {  	[tilespmem:$0x91E0] =	vst v0  }
0x43: {  	[tilespmem:$0x91F0] =	vst v0  }
0x44: {  	[tilespmem:$0x9200] =	vst v0  }
0x45: {  	[tilespmem:$0x9210] =	vst v0  }
0x46: {  	[tilespmem:$0x9220] =	vst v0  }
0x47: {  	[tilespmem:$0x9230] =	vst v0  }
0x48: {  	[tilespmem:$0x9240] =	vst v0  }
0x49: {  	[tilespmem:$0x9250] =	vst v0  }
0x4a: {  	[tilespmem:$0x9260] =	vst v0  }
0x4b: {  	[tilespmem:$0x9270] =	vst v0  }
0x4c: {  	[tilespmem:$0x9280] =	vst v0  }
0x4d: {  	[tilespmem:$0x9290] =	vst v0  }
0x4e: {  	[tilespmem:$0x92A0] =	vst v0  }
0x4f: {  	[tilespmem:$0x92B0] =	vst v0  }
0x50: {  	[tilespmem:$0x92C0] =	vst v0  }
0x51: {  	[tilespmem:$0x92D0] =	vst v0  }
0x52: {  	[tilespmem:$0x92E0] =	vst v0  }
0x53: {  	[tilespmem:$0x92F0] =	vst v0  }
0x54: {  	[tilespmem:$0x9000] =	vst v1  }
0x55: {  	[tilespmem:$0x9010] =	vst v1  }
0x56: {  	[tilespmem:$0x9020] =	vst v1  }
0x57: {  	[tilespmem:$0x9030] =	vst v1  }
0x58: {  	[tilespmem:$0x9040] =	vst v1  }
0x59: {  	[tilespmem:$0x9050] =	vst v1  }
0x5a: {  	[tilespmem:$0x9060] =	vst v1  }
0x5b: {  	[tilespmem:$0x9070] =	vst v1  }
0x5c: {  	[spmem:s15] =	stream.linear.scatter [tilespmem:s24], [sflag:$0x5], $0x2000, $0x38;
	[tilespmem:$0x1D580] =	vst v63  }
0x5d: {  	_ =	swait.ge [sflag:s26], $0x2000  }
0x5e: {  	[sflag:s26] =	ssyncset.done $0x0  }
0x5f: {  	[sflag:s26] =	ssyncadd.s32 $0xFFFFE000  }
0x60: {  	[spmem:s16] =	stream.linear.scatter [tilespmem:s24], [sflag:$0x5], $0x2000, $0x38;
	[tilespmem:$0x1D580] =	vst v63  }
0x61: {  	_ =	swait.ge [sflag:s26], $0x2000  }
0x62: {  	[sflag:s26] =	ssyncset.done $0x0  }
0x63: {  	[sflag:s26] =	ssyncadd.s32 $0xFFFFE000  }
0x64: {  	[spmem:s17] =	stream.linear.scatter [tilespmem:s24], [sflag:$0x5], $0x2000, $0x38;
	[tilespmem:$0x1D580] =	vst v63  }
0x65: {  	_ =	swait.ge [sflag:s26], $0x2000  }
0x66: {  	[sflag:s26] =	ssyncset.done $0x0  }
0x67: {  	[sflag:s26] =	ssyncadd.s32 $0xFFFFE000  }
0x68: {  	[spmem:s18] =	stream.linear.scatter [tilespmem:s24], [sflag:$0x5], $0x2000, $0x38;
	[tilespmem:$0x1D580] =	vst v63  }
0x69: {  	_ =	swait.ge [sflag:s26], $0x2000  }
0x6a: {  	[sflag:s26] =	ssyncset.done $0x0  }
0x6b: {  	[sflag:s26] =	ssyncadd.s32 $0xFFFFE000  }
0x6c: {  	[spmem:s19] =	stream.linear.scatter [tilespmem:s24], [sflag:$0x5], $0x2000, $0x38;
	[tilespmem:$0x1D580] =	vst v63  }
0x6d: {  	_ =	swait.ge [sflag:s26], $0x2000  }
0x6e: {  	[sflag:s26] =	ssyncset.done $0x0  }
0x6f: {  	[sflag:s26] =	ssyncadd.s32 $0xFFFFE000  }
0x70: {  	[spmem:s20] =	stream.linear.scatter [tilespmem:s28], [sflag:$0x5], $0x280, $0x38;
	[tilespmem:$0x1D580] =	vst v63  }
0x71: {  	s13 =	stileid.u32;
	s14 =	simm.s32 $0x10;
	_ =	swait.ge [sflag:s26], $0x280  }
0x72: {  	s11 =	sshll.u32 s13, $0x6;
	s13 =	simm.s32 $0x8;
	[sflag:s26] =	ssyncset.done $0x0  }
0x73: {  	s11 =	sor.u32 $0x1C05, s11;
	s12 =	rddreg [dreg:$0xf];
	[sflag:s26] =	ssyncadd.s32 $0xFFFFFD80  }
0x74: {  	[spmem:s25@s13], [sflag:s11] =	dma.strided [hbm:s12@s14], $0x1400, s29, $0x8   }
0x75: {  	_ =	swait.ge [sflag:s26], $0x1400  }
0x76: {  	[sflag:s26] =	ssyncset.done $0x0  }
0x77: {  	[sflag:s26] =	ssyncadd.s32 $0xFFFFEC00  }
0x78: {  	[bflag:$0x0] =	sbarrier.arrive $0xFFFF  }
0x79: {  	s14 =	rddreg [dreg:$0x6]  }
0x7a: {  	[tilespmem:s5], [sflag:$0x5] =	stream.linear.gather [hbm4b:s14+s5], $0x2800, $0x38;
	[tilespmem:$0x1D580] =	vst v63  }
0x7b: {  	_ =	swait.ge [sflag:s26], $0x2800  }
0x7c: {  	[sflag:s26] =	ssyncset.done $0x0  }
0x7d: {  	s21 =	rddreg [dreg:$0x7];
	[sflag:s26] =	ssyncadd.s32 $0xFFFFD800  }
0x7e: {  	[tilespmem:s2], [sflag:$0x5] =	stream.linear.gather [hbm4b:s21+s5], $0x2800, $0x38;
	[tilespmem:$0x1D580] =	vst v63  }
0x7f: {  	_ =	swait.ge [sflag:s26], $0x2800  }
0x80: {  	[sflag:s26] =	ssyncset.done $0x0  }
0x81: {  	[sflag:s26] =	ssyncadd.s32 $0xFFFFD800  }
0x82: {  	[tilespmem:s24], [sflag:$0x1] =	stream.indirect.gather [spmem:s4], $0x40, s5, s30, $0xb8;
	[tilespmem:$0x1D580] =	vst v63  }
0x83: {  	_ =	swait.ge [sflag:s29], $0x2000  }
0x84: {  	[sflag:s29] =	ssyncset.done $0x0  }
0x85: {  	[sflag:s29] =	ssyncadd.s32 $0xFFFFE000  }
0x86: {  	[tilespmem:s31], [sflag:$0x2] =	stream.indirect.gather [spmem:s4], $0x40, s30, s30, $0xb8;
	[tilespmem:$0x1D580] =	vst v63  }
0x87: {  	s11 =	simm.s32 @p0 $0x2  }
0x88: {  	[spmem:s1] =	stream.indirect.scatter.add.f32 [tilespmem:s24], [sflag:$0x3], $0x40, s2, s30, $0xb8;
	[tilespmem:$0x1D580] =	vst v63  }
0x89: {  	_ =	swait.ge @p0 [sflag:s11], $0x2000  }
0x8a: {  	[sflag:s11] =	ssyncset.done @p0 $0x0  }
0x8b: {  	[sflag:s11] =	ssyncadd.s32 @p0 $0xFFFFE000;
	s11 =	simm.s32 @p0 $0x3  }
0x8c: {  	_ =	swait.ge @p0 [sflag:s11], $0x2000  }
0x8d: {  	s12 =	simm.s32 @p0 $0x100;
	[sflag:s11] =	ssyncset.done @p0 $0x0  }
0x8e: {  	s13 =	simm.s32 @p0 $0x5000;
	[sflag:s11] =	ssyncadd.s32 @p0 $0xFFFFE000;
	s11 =	simm.s32 @p0 $0x80  }
0x8f: {  	[tilespmem:s13], [sflag:$0x1] =	stream.indirect.gather @p0 [spmem:s4], $0x40, s12, s11, $0xb8;
	[tilespmem:$0x1D580] =	vst v63  }
0x90: {  	s12 =	simm.s32 @p0 $0x2880;
	s13 =	simm.s32 @p0 $0x7000  }
0x91: {  	[spmem:s1] =	stream.indirect.scatter.add.f32 @p0 [tilespmem:s13], [sflag:$0x4], $0x40, s12, s11, $0xb8;
	[tilespmem:$0x1D580] =	vst v63  }
0x92: {  	s11 =	simm.s32 @!p0 $0x80;
	s13 =	simm.s32 @!p0 $0x2800;
	s12 =	simm.s32 @!p0 $0x9000  }
0x93: {  	[spmem:s3] =	stream.indirect.scatter.add.f32 @!p0 [tilespmem:s12], [sflag:$0x6], $0x1, s13, s11, $0xb8;
	[tilespmem:$0x1D580] =	vst v63  }
0x94: {  	s13 =	simm.s32 @!p0 $0x6  }
0x95: {  	_ =	swait.ge @!p0 [sflag:s13], $0x80  }
0x96: {  	[sflag:s13] =	ssyncset.done @!p0 $0x0  }
0x97: {  	s14 =	simm.s32 @!p0 $0x2;
	[sflag:s13] =	ssyncadd.s32 @!p0 $0xFFFFFF80  }
0x98: {  	_ =	swait.ge @!p0 [sflag:s14], $0x2000  }
0x99: {  	[sflag:s14] =	ssyncset.done @!p0 $0x0  }
0x9a: {  	[sflag:s14] =	ssyncadd.s32 @!p0 $0xFFFFE000;
	s14 =	simm.s32 @!p0 $0x3  }
0x9b: {  	_ =	swait.ge @!p0 [sflag:s14], $0x2000  }
0x9c: {  	[sflag:s14] =	ssyncset.done @!p0 $0x0  }
0x9d: {  	s21 =	simm.s32 @!p0 $0x5000;
	[sflag:s14] =	ssyncadd.s32 @!p0 $0xFFFFE000;
	s14 =	simm.s32 @!p0 $0x100  }
0x9e: {  	[tilespmem:s21], [sflag:$0x1] =	stream.indirect.gather @!p0 [spmem:s4], $0x40, s14, s11, $0xb8;
	[tilespmem:$0x1D580] =	vst v63  }
0x9f: {  	s14 =	simm.s32 @!p0 $0x2880;
	s21 =	simm.s32 @!p0 $0x7000  }
0xa0: {  	[spmem:s1] =	stream.indirect.scatter.add.f32 @!p0 [tilespmem:s21], [sflag:$0x4], $0x40, s14, s11, $0xb8;
	[tilespmem:$0x1D580] =	vst v63  }
0xa1: {  	_ = 	snop  }
0xa2: {  	[spmem:s3] =	stream.indirect.scatter.add.f32 @!p0 [tilespmem:s12], [sflag:$0x5], $0x1, s14, s11, $0xb8;
	[tilespmem:$0x1D580] =	vst v63  }
0xa3: {  	s14 =	simm.s32 @!p0 $0x5  }
0xa4: {  	_ =	swait.ge @!p0 [sflag:s14], $0x80  }
0xa5: {  	[sflag:s14] =	ssyncset.done @!p0 $0x0  }
0xa6: {  	[sflag:s14] =	ssyncadd.s32 @!p0 $0xFFFFFF80  }
0xa7: {  	_ =	swait.ge [sflag:s29], $0x2000  }
0xa8: {  	[sflag:s29] =	ssyncset.done $0x0  }
0xa9: {  	[sflag:s29] =	ssyncadd.s32 $0xFFFFE000  }
0xaa: {  	_ =	swait.ge [sflag:s0], $0x2000  }
0xab: {  	[sflag:s0] =	ssyncset.done $0x0  }
0xac: {  	s22 =	simm.s32 $0x180;
	[sflag:s0] =	ssyncadd.s32 $0xFFFFE000  }
0xad: {  	[tilespmem:s31], [sflag:$0x2] =	stream.indirect.gather [spmem:s4], $0x40, s22, s30, $0xb8;
	[tilespmem:$0x1D580] =	vst v63  }
0xae: {  	s21 =	simm.s32 $0x2900  }
0xaf: {  	[spmem:s1] =	stream.indirect.scatter.add.f32 [tilespmem:s24], [sflag:$0x3], $0x40, s21, s30, $0xb8;
	[tilespmem:$0x1D580] =	vst v63  }
0xb0: {  	_ = 	snop  }
0xb1: {  	[spmem:s3] =	stream.indirect.scatter.add.f32 @!p0 [tilespmem:s12], [sflag:$0x6], $0x1, s21, s11, $0xb8;
	[tilespmem:$0x1D580] =	vst v63  }
0xb2: {  	_ =	swait.ge @!p0 [sflag:s13], $0x80  }
0xb3: {  	[sflag:s13] =	ssyncset.done @!p0 $0x0  }
0xb4: {  	[sflag:s13] =	ssyncadd.s32 @!p0 $0xFFFFFF80  }
0xb5: {  	_ =	swait.ge [sflag:s6], $0x2000  }
0xb6: {  	[sflag:s6] =	ssyncset.done $0x0  }
0xb7: {  	[sflag:s6] =	ssyncadd.s32 $0xFFFFE000  }
0xb8: {  	_ =	swait.ge [sflag:s7], $0x2000  }
0xb9: {  	[sflag:s7] =	ssyncset.done $0x0  }
0xba: {  	s23 =	simm.s32 $0x200;
	[sflag:s7] =	ssyncadd.s32 $0xFFFFE000  }
0xbb: {  	[tilespmem:s24], [sflag:$0x1] =	stream.indirect.gather [spmem:s4], $0x40, s23, s30, $0xb8;
	[tilespmem:$0x1D580] =	vst v63  }
0xbc: {  	s21 =	simm.s32 $0x2980  }
0xbd: {  	[spmem:s1] =	stream.indirect.scatter.add.f32 [tilespmem:s31], [sflag:$0x4], $0x40, s21, s30, $0xb8;
	[tilespmem:$0x1D580] =	vst v63  }
0xbe: {  	_ = 	snop  }
0xbf: {  	[spmem:s3] =	stream.indirect.scatter.add.f32 @!p0 [tilespmem:s12], [sflag:$0x5], $0x1, s21, s11, $0xb8;
	[tilespmem:$0x1D580] =	vst v63  }
0xc0: {  	_ =	swait.ge @!p0 [sflag:s14], $0x80  }
0xc1: {  	s21 =	simm.s32 $0xFFFF6C00;
	[sflag:s14] =	ssyncset.done @!p0 $0x0  }
.LBB2_4:
0xc2: {  	[sflag:s14] =	ssyncadd.s32 @!p0 $0xFFFFFF80;
	s22 =	smov.u32 s21;
	s21 =	sadd.s32 $0x400, s21  }
0xc3: {  	p2 =	sne.s32 s21, $0x0  }
0xc4: {  	_ =	swait.ge [sflag:s29], $0x2000  }
0xc5: {  	[sflag:s29] =	ssyncset.done $0x0  }
0xc6: {  	[sflag:s29] =	ssyncadd.s32 $0xFFFFE000  }
0xc7: {  	_ =	swait.ge [sflag:s0], $0x2000  }
0xc8: {  	s22 =	sshra.s32 s22, $0x2;
	[sflag:s0] =	ssyncset.done $0x0  }
0xc9: {  	s23 =	sadd.s32 $0x2780, s22;
	[sflag:s0] =	ssyncadd.s32 $0xFFFFE000  }
0xca: {  	[tilespmem:s31], [sflag:$0x2] =	stream.indirect.gather [spmem:s4], $0x40, s23, s30, $0xb8;
	[tilespmem:$0x1D580] =	vst v63  }
0xcb: {  	s23 =	sadd.s32 $0x4F00, s22  }
0xcc: {  	[spmem:s1] =	stream.indirect.scatter.add.f32 [tilespmem:s24], [sflag:$0x3], $0x40, s23, s30, $0xb8;
	[tilespmem:$0x1D580] =	vst v63  }
0xcd: {  	_ = 	snop  }
0xce: {  	[spmem:s3] =	stream.indirect.scatter.add.f32 @!p0 [tilespmem:s12], [sflag:$0x6], $0x1, s23, s11, $0xb8;
	[tilespmem:$0x1D580] =	vst v63  }
0xcf: {  	_ =	swait.ge @!p0 [sflag:s13], $0x80  }
0xd0: {  	[sflag:s13] =	ssyncset.done @!p0 $0x0  }
0xd1: {  	[sflag:s13] =	ssyncadd.s32 @!p0 $0xFFFFFF80  }
0xd2: {  	_ =	swait.ge [sflag:s6], $0x2000  }
0xd3: {  	[sflag:s6] =	ssyncset.done $0x0  }
0xd4: {  	[sflag:s6] =	ssyncadd.s32 $0xFFFFE000  }
0xd5: {  	_ =	swait.ge [sflag:s7], $0x2000  }
0xd6: {  	[sflag:s7] =	ssyncset.done $0x0  }
0xd7: {  	s23 =	sadd.s32 $0x2800, s22;
	[sflag:s7] =	ssyncadd.s32 $0xFFFFE000  }
0xd8: {  	[tilespmem:s24], [sflag:$0x1] =	stream.indirect.gather [spmem:s4], $0x40, s23, s30, $0xb8;
	[tilespmem:$0x1D580] =	vst v63  }
0xd9: {  	s22 =	sadd.s32 $0x4F80, s22  }
0xda: {  	[spmem:s1] =	stream.indirect.scatter.add.f32 [tilespmem:s31], [sflag:$0x4], $0x40, s22, s30, $0xb8;
	[tilespmem:$0x1D580] =	vst v63  }
.Ltmp1:
0xdb: {  	_ = 	snop;
	(pc) =	sbr.rel @p2 .LBB2_4-.Ltmp1, $4  }
0xdc: {  	_ = 	snop  }
0xdd: {  	[spmem:s3] =	stream.indirect.scatter.add.f32 @!p0 [tilespmem:s12], [sflag:$0x5], $0x1, s22, s11, $0xb8;
	[tilespmem:$0x1D580] =	vst v63  }
0xde: {  	_ =	swait.ge @!p0 [sflag:s14], $0x80  }
0xdf: {  	[sflag:s14] =	ssyncset.done @!p0 $0x0  }
0xe0: {  	[sflag:s14] =	ssyncadd.s32 @!p0 $0xFFFFFF80  }
0xe1: {  	_ =	swait.ge [sflag:s29], $0x2000  }
0xe2: {  	[sflag:s29] =	ssyncset.done $0x0  }
0xe3: {  	[sflag:s29] =	ssyncadd.s32 $0xFFFFE000  }
0xe4: {  	_ =	swait.ge [sflag:s0], $0x2000  }
0xe5: {  	[sflag:s0] =	ssyncset.done $0x0  }
0xe6: {  	[sflag:s0] =	ssyncadd.s32 $0xFFFFE000  }
0xe7: {  	[tilespmem:s31], [sflag:$0x2] =	stream.indirect.gather [spmem:s4], $0x40, s8, s30, $0xb8;
	[tilespmem:$0x1D580] =	vst v63  }
0xe8: {  	s11 =	simm.s32 @p0 $0x2  }
0xe9: {  	[spmem:s1] =	stream.indirect.scatter.add.f32 [tilespmem:s24], [sflag:$0x3], $0x40, s9, s30, $0xb8;
	[tilespmem:$0x1D580] =	vst v63  }
0xea: {  	_ =	swait.ge @p0 [sflag:s11], $0x2000  }
0xeb: {  	s12 =	simm.s32 @p0 $0x4F80;
	[sflag:s11] =	ssyncset.done @p0 $0x0  }
0xec: {  	s13 =	simm.s32 @p0 $0x7000;
	[sflag:s11] =	ssyncadd.s32 @p0 $0xFFFFE000;
	s11 =	simm.s32 @p0 $0x80  }
0xed: {  	[spmem:s1] =	stream.indirect.scatter.add.f32 @p0 [tilespmem:s13], [sflag:$0x4], $0x40, s12, s11, $0xb8;
	[tilespmem:$0x1D580] =	vst v63  }
0xee: {  	s11 =	simm.s32 @!p0 $0x80;
	s12 =	simm.s32 @!p0 $0x4F00;
	s13 =	simm.s32 @!p0 $0x9000  }
0xef: {  	[spmem:s3] =	stream.indirect.scatter.add.f32 @!p0 [tilespmem:s13], [sflag:$0x6], $0x1, s12, s11, $0xb8;
	[tilespmem:$0x1D580] =	vst v63  }
0xf0: {  	s12 =	simm.s32 @!p0 $0x6  }
0xf1: {  	_ =	swait.ge @!p0 [sflag:s12], $0x80  }
0xf2: {  	[sflag:s12] =	ssyncset.done @!p0 $0x0  }
0xf3: {  	[sflag:s12] =	ssyncadd.s32 @!p0 $0xFFFFFF80;
	s12 =	simm.s32 @!p0 $0x2  }
0xf4: {  	_ =	swait.ge @!p0 [sflag:s12], $0x2000  }
0xf5: {  	[sflag:s12] =	ssyncset.done @!p0 $0x0  }
0xf6: {  	s14 =	simm.s32 @!p0 $0x7000;
	[sflag:s12] =	ssyncadd.s32 @!p0 $0xFFFFE000;
	s12 =	simm.s32 @!p0 $0x4F80  }
0xf7: {  	[spmem:s1] =	stream.indirect.scatter.add.f32 @!p0 [tilespmem:s14], [sflag:$0x4], $0x40, s12, s11, $0xb8;
	[tilespmem:$0x1D580] =	vst v63  }
0xf8: {  	_ = 	snop  }
0xf9: {  	[spmem:s3] =	stream.indirect.scatter.add.f32 @!p0 [tilespmem:s13], [sflag:$0x5], $0x1, s12, s11, $0xb8;
	[tilespmem:$0x1D580] =	vst v63  }
0xfa: {  	s11 =	simm.s32 @!p0 $0x5  }
0xfb: {  	_ =	swait.ge @!p0 [sflag:s11], $0x80  }
0xfc: {  	[sflag:s11] =	ssyncset.done @!p0 $0x0  }
0xfd: {  	[sflag:s11] =	ssyncadd.s32 @!p0 $0xFFFFFF80  }
0xfe: {  	_ =	swait.ge [sflag:s7], $0x2000  }
0xff: {  	[sflag:s7] =	ssyncset.done $0x0  }
0x100: {  	[sflag:s7] =	ssyncadd.s32 $0xFFFFE000  }
0x101: {  	_ =	swait.ge [sflag:s0], $0x2000  }
0x102: {  	[sflag:s0] =	ssyncset.done $0x0  }
0x103: {  	s14 =	rddreg [dreg:$0x8];
	[sflag:s0] =	ssyncadd.s32 $0xFFFFE000  }
0x104: {  	[tilespmem:s5], [sflag:$0x5] =	stream.linear.gather [hbm4b:s14+s5], $0x2800, $0x38;
	[tilespmem:$0x1D580] =	vst v63  }
0x105: {  	_ =	swait.ge [sflag:s26], $0x2800  }
0x106: {  	[sflag:s26] =	ssyncset.done $0x0  }
0x107: {  	s21 =	rddreg [dreg:$0x9];
	[sflag:s26] =	ssyncadd.s32 $0xFFFFD800  }
0x108: {  	[tilespmem:s2], [sflag:$0x5] =	stream.linear.gather [hbm4b:s21+s5], $0x2800, $0x38;
	[tilespmem:$0x1D580] =	vst v63  }
0x109: {  	_ =	swait.ge [sflag:s26], $0x2800  }
0x10a: {  	[sflag:s26] =	ssyncset.done $0x0  }
0x10b: {  	[sflag:s26] =	ssyncadd.s32 $0xFFFFD800  }
0x10c: {  	[tilespmem:s24], [sflag:$0x1] =	stream.indirect.gather [spmem:s4], $0x40, s5, s30, $0xb8;
	[tilespmem:$0x1D580] =	vst v63  }
0x10d: {  	_ =	swait.ge [sflag:s29], $0x2000  }
0x10e: {  	[sflag:s29] =	ssyncset.done $0x0  }
0x10f: {  	[sflag:s29] =	ssyncadd.s32 $0xFFFFE000  }
0x110: {  	[tilespmem:s31], [sflag:$0x2] =	stream.indirect.gather [spmem:s4], $0x40, s30, s30, $0xb8;
	[tilespmem:$0x1D580] =	vst v63  }
0x111: {  	s11 =	simm.s32 @p1 $0x2  }
0x112: {  	[spmem:s1] =	stream.indirect.scatter.add.f32 [tilespmem:s24], [sflag:$0x3], $0x40, s2, s30, $0xb8;
	[tilespmem:$0x1D580] =	vst v63  }
0x113: {  	_ =	swait.ge @p1 [sflag:s11], $0x2000  }
0x114: {  	[sflag:s11] =	ssyncset.done @p1 $0x0  }
0x115: {  	[sflag:s11] =	ssyncadd.s32 @p1 $0xFFFFE000;
	s11 =	simm.s32 @p1 $0x3  }
0x116: {  	_ =	swait.ge @p1 [sflag:s11], $0x2000  }
0x117: {  	s12 =	simm.s32 @p1 $0x100;
	[sflag:s11] =	ssyncset.done @p1 $0x0  }
0x118: {  	s13 =	simm.s32 @p1 $0x5000;
	[sflag:s11] =	ssyncadd.s32 @p1 $0xFFFFE000;
	s11 =	simm.s32 @p1 $0x80  }
0x119: {  	[tilespmem:s13], [sflag:$0x1] =	stream.indirect.gather @p1 [spmem:s4], $0x40, s12, s11, $0xb8;
	[tilespmem:$0x1D580] =	vst v63  }
0x11a: {  	s12 =	simm.s32 @p1 $0x2880;
	s13 =	simm.s32 @p1 $0x7000  }
0x11b: {  	[spmem:s1] =	stream.indirect.scatter.add.f32 @p1 [tilespmem:s13], [sflag:$0x4], $0x40, s12, s11, $0xb8;
	[tilespmem:$0x1D580] =	vst v63  }
0x11c: {  	s11 =	simm.s32 @!p1 $0x80;
	s13 =	simm.s32 @!p1 $0x2800;
	s12 =	simm.s32 @!p1 $0x9000  }
0x11d: {  	[spmem:s3] =	stream.indirect.scatter.add.f32 @!p1 [tilespmem:s12], [sflag:$0x6], $0x1, s13, s11, $0xb8;
	[tilespmem:$0x1D580] =	vst v63  }
0x11e: {  	s13 =	simm.s32 @!p1 $0x6  }
0x11f: {  	_ =	swait.ge @!p1 [sflag:s13], $0x80  }
0x120: {  	[sflag:s13] =	ssyncset.done @!p1 $0x0  }
0x121: {  	s14 =	simm.s32 @!p1 $0x2;
	[sflag:s13] =	ssyncadd.s32 @!p1 $0xFFFFFF80  }
0x122: {  	_ =	swait.ge @!p1 [sflag:s14], $0x2000  }
0x123: {  	[sflag:s14] =	ssyncset.done @!p1 $0x0  }
0x124: {  	[sflag:s14] =	ssyncadd.s32 @!p1 $0xFFFFE000;
	s14 =	simm.s32 @!p1 $0x3  }
0x125: {  	_ =	swait.ge @!p1 [sflag:s14], $0x2000  }
0x126: {  	[sflag:s14] =	ssyncset.done @!p1 $0x0  }
0x127: {  	s21 =	simm.s32 @!p1 $0x5000;
	[sflag:s14] =	ssyncadd.s32 @!p1 $0xFFFFE000;
	s14 =	simm.s32 @!p1 $0x100  }
0x128: {  	[tilespmem:s21], [sflag:$0x1] =	stream.indirect.gather @!p1 [spmem:s4], $0x40, s14, s11, $0xb8;
	[tilespmem:$0x1D580] =	vst v63  }
0x129: {  	s14 =	simm.s32 @!p1 $0x2880;
	s21 =	simm.s32 @!p1 $0x7000  }
0x12a: {  	[spmem:s1] =	stream.indirect.scatter.add.f32 @!p1 [tilespmem:s21], [sflag:$0x4], $0x40, s14, s11, $0xb8;
	[tilespmem:$0x1D580] =	vst v63  }
0x12b: {  	_ = 	snop  }
0x12c: {  	[spmem:s3] =	stream.indirect.scatter.add.f32 @!p1 [tilespmem:s12], [sflag:$0x5], $0x1, s14, s11, $0xb8;
	[tilespmem:$0x1D580] =	vst v63  }
0x12d: {  	s14 =	simm.s32 @!p1 $0x5  }
0x12e: {  	_ =	swait.ge @!p1 [sflag:s14], $0x80  }
0x12f: {  	[sflag:s14] =	ssyncset.done @!p1 $0x0  }
0x130: {  	[sflag:s14] =	ssyncadd.s32 @!p1 $0xFFFFFF80  }
0x131: {  	_ =	swait.ge [sflag:s29], $0x2000  }
0x132: {  	[sflag:s29] =	ssyncset.done $0x0  }
0x133: {  	[sflag:s29] =	ssyncadd.s32 $0xFFFFE000  }
0x134: {  	_ =	swait.ge [sflag:s0], $0x2000  }
0x135: {  	[sflag:s0] =	ssyncset.done $0x0  }
0x136: {  	s22 =	simm.s32 $0x180;
	[sflag:s0] =	ssyncadd.s32 $0xFFFFE000  }
0x137: {  	[tilespmem:s31], [sflag:$0x2] =	stream.indirect.gather [spmem:s4], $0x40, s22, s30, $0xb8;
	[tilespmem:$0x1D580] =	vst v63  }
0x138: {  	s21 =	simm.s32 $0x2900  }
0x139: {  	[spmem:s1] =	stream.indirect.scatter.add.f32 [tilespmem:s24], [sflag:$0x3], $0x40, s21, s30, $0xb8;
	[tilespmem:$0x1D580] =	vst v63  }
0x13a: {  	_ = 	snop  }
0x13b: {  	[spmem:s3] =	stream.indirect.scatter.add.f32 @!p1 [tilespmem:s12], [sflag:$0x6], $0x1, s21, s11, $0xb8;
	[tilespmem:$0x1D580] =	vst v63  }
0x13c: {  	_ =	swait.ge @!p1 [sflag:s13], $0x80  }
0x13d: {  	[sflag:s13] =	ssyncset.done @!p1 $0x0  }
0x13e: {  	[sflag:s13] =	ssyncadd.s32 @!p1 $0xFFFFFF80  }
0x13f: {  	_ =	swait.ge [sflag:s6], $0x2000  }
0x140: {  	[sflag:s6] =	ssyncset.done $0x0  }
0x141: {  	[sflag:s6] =	ssyncadd.s32 $0xFFFFE000  }
0x142: {  	_ =	swait.ge [sflag:s7], $0x2000  }
0x143: {  	[sflag:s7] =	ssyncset.done $0x0  }
0x144: {  	s23 =	simm.s32 $0x200;
	[sflag:s7] =	ssyncadd.s32 $0xFFFFE000  }
0x145: {  	[tilespmem:s24], [sflag:$0x1] =	stream.indirect.gather [spmem:s4], $0x40, s23, s30, $0xb8;
	[tilespmem:$0x1D580] =	vst v63  }
0x146: {  	s21 =	simm.s32 $0x2980  }
0x147: {  	[spmem:s1] =	stream.indirect.scatter.add.f32 [tilespmem:s31], [sflag:$0x4], $0x40, s21, s30, $0xb8;
	[tilespmem:$0x1D580] =	vst v63  }
0x148: {  	_ = 	snop  }
0x149: {  	[spmem:s3] =	stream.indirect.scatter.add.f32 @!p1 [tilespmem:s12], [sflag:$0x5], $0x1, s21, s11, $0xb8;
	[tilespmem:$0x1D580] =	vst v63  }
0x14a: {  	_ =	swait.ge @!p1 [sflag:s14], $0x80  }
0x14b: {  	s21 =	simm.s32 $0xFFFF6C00;
	[sflag:s14] =	ssyncset.done @!p1 $0x0  }
.LBB2_6:
0x14c: {  	[sflag:s14] =	ssyncadd.s32 @!p1 $0xFFFFFF80;
	s22 =	smov.u32 s21;
	s21 =	sadd.s32 $0x400, s21  }
0x14d: {  	p2 =	sne.s32 s21, $0x0  }
0x14e: {  	_ =	swait.ge [sflag:s29], $0x2000  }
0x14f: {  	[sflag:s29] =	ssyncset.done $0x0  }
0x150: {  	[sflag:s29] =	ssyncadd.s32 $0xFFFFE000  }
0x151: {  	_ =	swait.ge [sflag:s0], $0x2000  }
0x152: {  	s22 =	sshra.s32 s22, $0x2;
	[sflag:s0] =	ssyncset.done $0x0  }
0x153: {  	s23 =	sadd.s32 $0x2780, s22;
	[sflag:s0] =	ssyncadd.s32 $0xFFFFE000  }
0x154: {  	[tilespmem:s31], [sflag:$0x2] =	stream.indirect.gather [spmem:s4], $0x40, s23, s30, $0xb8;
	[tilespmem:$0x1D580] =	vst v63  }
0x155: {  	s23 =	sadd.s32 $0x4F00, s22  }
0x156: {  	[spmem:s1] =	stream.indirect.scatter.add.f32 [tilespmem:s24], [sflag:$0x3], $0x40, s23, s30, $0xb8;
	[tilespmem:$0x1D580] =	vst v63  }
0x157: {  	_ = 	snop  }
0x158: {  	[spmem:s3] =	stream.indirect.scatter.add.f32 @!p1 [tilespmem:s12], [sflag:$0x6], $0x1, s23, s11, $0xb8;
	[tilespmem:$0x1D580] =	vst v63  }
0x159: {  	_ =	swait.ge @!p1 [sflag:s13], $0x80  }
0x15a: {  	[sflag:s13] =	ssyncset.done @!p1 $0x0  }
0x15b: {  	[sflag:s13] =	ssyncadd.s32 @!p1 $0xFFFFFF80  }
0x15c: {  	_ =	swait.ge [sflag:s6], $0x2000  }
0x15d: {  	[sflag:s6] =	ssyncset.done $0x0  }
0x15e: {  	[sflag:s6] =	ssyncadd.s32 $0xFFFFE000  }
0x15f: {  	_ =	swait.ge [sflag:s7], $0x2000  }
0x160: {  	[sflag:s7] =	ssyncset.done $0x0  }
0x161: {  	s23 =	sadd.s32 $0x2800, s22;
	[sflag:s7] =	ssyncadd.s32 $0xFFFFE000  }
0x162: {  	[tilespmem:s24], [sflag:$0x1] =	stream.indirect.gather [spmem:s4], $0x40, s23, s30, $0xb8;
	[tilespmem:$0x1D580] =	vst v63  }
0x163: {  	s22 =	sadd.s32 $0x4F80, s22  }
0x164: {  	[spmem:s1] =	stream.indirect.scatter.add.f32 [tilespmem:s31], [sflag:$0x4], $0x40, s22, s30, $0xb8;
	[tilespmem:$0x1D580] =	vst v63  }
.Ltmp2:
0x165: {  	_ = 	snop;
	(pc) =	sbr.rel @p2 .LBB2_6-.Ltmp2, $4  }
0x166: {  	_ = 	snop  }
0x167: {  	[spmem:s3] =	stream.indirect.scatter.add.f32 @!p1 [tilespmem:s12], [sflag:$0x5], $0x1, s22, s11, $0xb8;
	[tilespmem:$0x1D580] =	vst v63  }
0x168: {  	_ =	swait.ge @!p1 [sflag:s14], $0x80  }
0x169: {  	[sflag:s14] =	ssyncset.done @!p1 $0x0  }
0x16a: {  	[sflag:s14] =	ssyncadd.s32 @!p1 $0xFFFFFF80  }
0x16b: {  	_ =	swait.ge [sflag:s29], $0x2000  }
0x16c: {  	[sflag:s29] =	ssyncset.done $0x0  }
0x16d: {  	[sflag:s29] =	ssyncadd.s32 $0xFFFFE000  }
0x16e: {  	_ =	swait.ge [sflag:s0], $0x2000  }
0x16f: {  	[sflag:s0] =	ssyncset.done $0x0  }
0x170: {  	[sflag:s0] =	ssyncadd.s32 $0xFFFFE000  }
0x171: {  	[tilespmem:s31], [sflag:$0x2] =	stream.indirect.gather [spmem:s4], $0x40, s8, s30, $0xb8;
	[tilespmem:$0x1D580] =	vst v63  }
0x172: {  	s11 =	simm.s32 @p1 $0x2  }
0x173: {  	[spmem:s1] =	stream.indirect.scatter.add.f32 [tilespmem:s24], [sflag:$0x3], $0x40, s9, s30, $0xb8;
	[tilespmem:$0x1D580] =	vst v63  }
0x174: {  	_ =	swait.ge @p1 [sflag:s11], $0x2000  }
0x175: {  	s12 =	simm.s32 @p1 $0x4F80;
	[sflag:s11] =	ssyncset.done @p1 $0x0  }
0x176: {  	s13 =	simm.s32 @p1 $0x7000;
	[sflag:s11] =	ssyncadd.s32 @p1 $0xFFFFE000;
	s11 =	simm.s32 @p1 $0x80  }
0x177: {  	[spmem:s1] =	stream.indirect.scatter.add.f32 @p1 [tilespmem:s13], [sflag:$0x4], $0x40, s12, s11, $0xb8;
	[tilespmem:$0x1D580] =	vst v63  }
0x178: {  	s11 =	simm.s32 @!p1 $0x80;
	s12 =	simm.s32 @!p1 $0x4F00;
	s13 =	simm.s32 @!p1 $0x9000  }
0x179: {  	[spmem:s3] =	stream.indirect.scatter.add.f32 @!p1 [tilespmem:s13], [sflag:$0x6], $0x1, s12, s11, $0xb8;
	[tilespmem:$0x1D580] =	vst v63  }
0x17a: {  	s12 =	simm.s32 @!p1 $0x6  }
0x17b: {  	_ =	swait.ge @!p1 [sflag:s12], $0x80  }
0x17c: {  	[sflag:s12] =	ssyncset.done @!p1 $0x0  }
0x17d: {  	[sflag:s12] =	ssyncadd.s32 @!p1 $0xFFFFFF80;
	s12 =	simm.s32 @!p1 $0x2  }
0x17e: {  	_ =	swait.ge @!p1 [sflag:s12], $0x2000  }
0x17f: {  	[sflag:s12] =	ssyncset.done @!p1 $0x0  }
0x180: {  	s14 =	simm.s32 @!p1 $0x7000;
	[sflag:s12] =	ssyncadd.s32 @!p1 $0xFFFFE000;
	s12 =	simm.s32 @!p1 $0x4F80  }
0x181: {  	[spmem:s1] =	stream.indirect.scatter.add.f32 @!p1 [tilespmem:s14], [sflag:$0x4], $0x40, s12, s11, $0xb8;
	[tilespmem:$0x1D580] =	vst v63  }
0x182: {  	_ = 	snop  }
0x183: {  	[spmem:s3] =	stream.indirect.scatter.add.f32 @!p1 [tilespmem:s13], [sflag:$0x5], $0x1, s12, s11, $0xb8;
	[tilespmem:$0x1D580] =	vst v63  }
0x184: {  	s11 =	simm.s32 @!p1 $0x5  }
0x185: {  	_ =	swait.ge @!p1 [sflag:s11], $0x80  }
0x186: {  	[sflag:s11] =	ssyncset.done @!p1 $0x0  }
0x187: {  	[sflag:s11] =	ssyncadd.s32 @!p1 $0xFFFFFF80  }
0x188: {  	_ =	swait.ge [sflag:s7], $0x2000  }
0x189: {  	[sflag:s7] =	ssyncset.done $0x0  }
0x18a: {  	[sflag:s7] =	ssyncadd.s32 $0xFFFFE000  }
0x18b: {  	_ =	swait.ge [sflag:s0], $0x2000  }
0x18c: {  	[sflag:s0] =	ssyncset.done $0x0  }
0x18d: {  	[sflag:s0] =	ssyncadd.s32 $0xFFFFE000  }
0x18e: {  	[bflag:$0x0] =	sbarrier.arrive $0xFFFF  }
0x18f: {  	[tilespmem:s24], [sflag:$0x5] =	stream.linear.gather [spmem:s15], $0x2000, $0x38;
	[tilespmem:$0x1D580] =	vst v63  }
0x190: {  	_ =	swait.ge [sflag:s26], $0x2000  }
0x191: {  	[sflag:s26] =	ssyncset.done $0x0  }
0x192: {  	s23 =	rddreg [dreg:$0xa];
	[sflag:s26] =	ssyncadd.s32 $0xFFFFE000  }
0x193: {  	[hbm4b:s23+s5] =	stream.linear.scatter [tilespmem:s24], [sflag:$0x5], $0x2000, $0x38;
	[tilespmem:$0x1D580] =	vst v63  }
0x194: {  	_ =	swait.ge [sflag:s26], $0x2000  }
0x195: {  	[sflag:s26] =	ssyncset.done $0x0  }
0x196: {  	[sflag:s26] =	ssyncadd.s32 $0xFFFFE000  }
0x197: {  	[tilespmem:s24], [sflag:$0x5] =	stream.linear.gather [spmem:s16], $0x2000, $0x38;
	[tilespmem:$0x1D580] =	vst v63  }
0x198: {  	_ =	swait.ge [sflag:s26], $0x2000  }
0x199: {  	[sflag:s26] =	ssyncset.done $0x0  }
0x19a: {  	s12 =	rddreg [dreg:$0xb];
	[sflag:s26] =	ssyncadd.s32 $0xFFFFE000  }
0x19b: {  	[hbm4b:s12+s5] =	stream.linear.scatter [tilespmem:s24], [sflag:$0x5], $0x2000, $0x38;
	[tilespmem:$0x1D580] =	vst v63  }
0x19c: {  	_ =	swait.ge [sflag:s26], $0x2000  }
0x19d: {  	[sflag:s26] =	ssyncset.done $0x0  }
0x19e: {  	[sflag:s26] =	ssyncadd.s32 $0xFFFFE000  }
0x19f: {  	[tilespmem:s24], [sflag:$0x5] =	stream.linear.gather [spmem:s17], $0x2000, $0x38;
	[tilespmem:$0x1D580] =	vst v63  }
0x1a0: {  	_ =	swait.ge [sflag:s26], $0x2000  }
0x1a1: {  	[sflag:s26] =	ssyncset.done $0x0  }
0x1a2: {  	s13 =	rddreg [dreg:$0xc];
	[sflag:s26] =	ssyncadd.s32 $0xFFFFE000  }
0x1a3: {  	[hbm4b:s13+s5] =	stream.linear.scatter [tilespmem:s24], [sflag:$0x5], $0x2000, $0x38;
	[tilespmem:$0x1D580] =	vst v63  }
0x1a4: {  	_ =	swait.ge [sflag:s26], $0x2000  }
0x1a5: {  	[sflag:s26] =	ssyncset.done $0x0  }
0x1a6: {  	[sflag:s26] =	ssyncadd.s32 $0xFFFFE000  }
0x1a7: {  	[tilespmem:s24], [sflag:$0x5] =	stream.linear.gather [spmem:s18], $0x2000, $0x38;
	[tilespmem:$0x1D580] =	vst v63  }
0x1a8: {  	_ =	swait.ge [sflag:s26], $0x2000  }
0x1a9: {  	[sflag:s26] =	ssyncset.done $0x0  }
0x1aa: {  	s14 =	rddreg [dreg:$0xd];
	[sflag:s26] =	ssyncadd.s32 $0xFFFFE000  }
0x1ab: {  	[hbm4b:s14+s5] =	stream.linear.scatter [tilespmem:s24], [sflag:$0x5], $0x2000, $0x38;
	[tilespmem:$0x1D580] =	vst v63  }
0x1ac: {  	_ =	swait.ge [sflag:s26], $0x2000  }
0x1ad: {  	[sflag:s26] =	ssyncset.done $0x0  }
0x1ae: {  	[sflag:s26] =	ssyncadd.s32 $0xFFFFE000  }
0x1af: {  	[tilespmem:s24], [sflag:$0x5] =	stream.linear.gather [spmem:s19], $0x2000, $0x38;
	[tilespmem:$0x1D580] =	vst v63  }
0x1b0: {  	_ =	swait.ge [sflag:s26], $0x2000  }
0x1b1: {  	[sflag:s26] =	ssyncset.done $0x0  }
0x1b2: {  	s21 =	rddreg [dreg:$0xe];
	[sflag:s26] =	ssyncadd.s32 $0xFFFFE000  }
0x1b3: {  	[hbm4b:s21+s5] =	stream.linear.scatter [tilespmem:s24], [sflag:$0x5], $0x2000, $0x38;
	[tilespmem:$0x1D580] =	vst v63  }
0x1b4: {  	_ =	swait.ge [sflag:s26], $0x2000  }
0x1b5: {  	[sflag:s26] =	ssyncset.done $0x0  }
0x1b6: {  	[sflag:s26] =	ssyncadd.s32 $0xFFFFE000  }
0x1b7: {  	[tilespmem:s28], [sflag:$0x5] =	stream.linear.gather [spmem:s20], $0x280, $0x38;
	[tilespmem:$0x1D580] =	vst v63  }
0x1b8: {  	_ =	swait.ge [sflag:s26], $0x280  }
0x1b9: {  	[sflag:s26] =	ssyncset.done $0x0  }
0x1ba: {  	s22 =	rddreg [dreg:$0x10];
	[sflag:s26] =	ssyncadd.s32 $0xFFFFFD80  }
0x1bb: {  	[hbm4b:s22+s5] =	stream.linear.scatter [tilespmem:s28], [sflag:$0x5], $0x280, $0x38;
	[tilespmem:$0x1D580] =	vst v63  }
0x1bc: {  	_ =	swait.ge [sflag:s26], $0x280  }
0x1bd: {  	s10 =	sadd.s32 $0x1, s10;
	s23 =	rddreg [dreg:$0x11]  }
0x1be: {  	p2 =	sne.s32 s10, s23  }
.Ltmp3:
0x1bf: {  	_ = 	snop;
	(pc) =	sbr.rel @p2 .LBB2_1-.Ltmp3, $3  }
0x1c0: {  	_ =	sdelay $0x1  }
0x1c1: {  	[sflag:s26] =	ssyncset.done $0x0  }
0x1c2: {  	[sflag:s26] =	ssyncadd.s32 $0xFFFFFD80  }
0x1c3: {  	_ =	sfence.sel $0x180000  }
0x1c4: {  	[bflag:$0x0] =	sbarrier.arrive $0xFFFF  }
0x1c5: {  	_ =	strace $0x90000047  }
0x1c6: {  	s0 =	stileid.u32;
	[bflag:$0x2] =	sbarrier.arrive $0xFFFF  }
0x1c7: {  	p0 =	sne.s32 s0, $0x0;
	s0 =	rddreg [dreg:$0x5]  }
0x1c8: {  	s0 =	sadd.s32 @!p0 $0x100000, s0  }
0x1c9: {  	[sflag:s0] =	ssyncadd.tile.s32 @!p0 $0x1;
	_ =	shalt  }
.Lfunc_end2:
_tile_overlayer_lowered:
.L_overlay_start_2:
0x1ca: {  	(tag) =	ssettag $0x2  }
0x1cb: {  	s0 =	rddreg [dreg:$0x0];
	s2 =	stileid.u32  }
0x1cc: {  	s1 =	rddreg [dreg:$0x1];
	p0 =	sne.s32 s2, $0x0  }
0x1cd: {  	s3 =	rddreg [dreg:$0x2];
	[bflag:$0x3] =	sbarrier.arrive $0xFFFF;
	s2 =	simm.s32 @!p0 $0x1C05  }
0x1ce: {  	[timem:s3], [sflag:s2] =	dma.local @!p0 [hbm:s0], s1  }
0x1cf: {  	s0 =	simm.s32 @!p0 $0x5  }
0x1d0: {  	_ =	swait.ge @!p0 [sflag:s0], s1  }
0x1d1: {  	s1 =	ssub.s32 @!p0 $0x0, s1;
	[sflag:s0] =	ssyncset.done @!p0 $0x0  }
0x1d2: {  	[sflag:s0] =	ssyncadd.s32 @!p0 s1  }
0x1d3: {  	[bflag:$0x3] =	sbarrier.arrive $0xFFFF  }
0x1d4: {  	_ =	shalt  }

// kernel: kernel.9.cloned.1.call-start
scs
__scs_entry_jumppad:
0x0: {  	(pc) =	sbr.rel $0x88, $3  }
0x1: {  	(tag) =	ssettag $0x0;
	lr =	simm.s32 $0x1  }
0x2: {  	[smem:$0x3F9B] =	sst lr;
	_ =	strace $0xD0000000  }
0x3: {  	_ = 	snop  }
0x4: {  	_ = 	snop  }
0x5: {  	_ = 	snop  }
0x6: {  	_ = 	snop  }
0x7: {  	_ = 	snop  }
__scs_overlays_trampoline_lowered:
0x8: {  	[smem:$0x3FAA] =	sst s0  }
0x9: {  	[smem:$0x3FAB] =	sst s1  }
0xa: {  	[smem:$0x3FAC] =	sst s2  }
0xb: {  	[smem:$0x3FAD] =	sst s3  }
0xc: {  	[smem:$0x3FAE] =	sst s4  }
0xd: {  	[smem:$0x3FAF] =	sst s5  }
0xe: {  	[smem:$0x3FB0] =	sst s6  }
0xf: {  	[smem:$0x3FB1] =	sst s7  }
0x10: {  	[smem:$0x3FB2] =	sst s8  }
0x11: {  	[smem:$0x3FB3] =	sst s9;
	s0 =	simm.s32 @!p0 $0x0  }
0x12: {  	s1 =	sld [smem:$0x3F99];
	s0 =	simm.s32 @p0 $0x1  }
0x13: {  	[smem:$0x3FB4] =	sst s0;
	s0 =	simm.s32 @!p1 $0x0  }
0x14: {  	s2 =	sld [smem:$0x3F98];
	s0 =	simm.s32 @p1 $0x1  }
0x15: {  	[smem:$0x3FB5] =	sst s0;
	s0 =	simm.s32 @!p2 $0x0  }
0x16: {  	s3 =	sld [smem:$0x3FDB];
	s0 =	simm.s32 @p2 $0x1  }
0x17: {  	s4 =	simm.s32 $0x1BF5;
	[smem:$0x3FB7] =	sst s0  }
0x18: {  	s0 =	sld [smem:$0x3F9A];
	_ =	swait.ge [sflag:s4], $0x0  }
0x19: {  	s7 =	sld [smem:$0x3F9B]  }
0x1a: {  	s8 =	sadd.s32 $0xFFFFE003, lr  }
0x1b: {  	s9 =	sadd.s32 $0xFFFFFEF7, lr;
	s5 =	simm.s32 $0xFFFFFFFF;
	p2 =	slt.u32 s8, $0xFFFFF086  }
0x1c: {  	p1 =	slt.u32 s9, $0xF7A;
	s5 =	simm.s32 @!p2 $0x0  }
0x1d: {  	s5 =	simm.s32 @p1 $0x1;
	p0 =	seq.s32 s7, s2  }
0x1e: {  	s7 =	smul.u32 @!p0 $0xF7A, s2;
	p2 =	seq.s32 @!p0 s5, $0x0  }
0x1f: {  	s9 =	smul.u32 $0xF7A, s1;
	s8 =	simm.s32 @!p0 $0x1BF5;
	p2 =	por !p2, p0  }
0x20: {  	[sflag:s8] =	ssyncset.s32 @!p0 $0xFFFFF086;
	s6 =	sadd.s32 @!p0 s3, s7;
	s7 =	simm.s32 @!p0 $0x108  }
0x21: {  	s3 =	sadd.s32 s3, s9;
	s6 =	sadd.s32 @!p0 $0x88, s6;
	s7 =	simm.s32 @p2 $0x1082  }
0x22: {  	[simem:s7], [sflag:s8] =	dma.local @!p0 [hbm:s6], $0xF7A  }
0x23: {  	s9 =	sor.u32 $0xD0000000, s2;
	s6 =	simm.s32 $0x108;
	_ =	swait.ge @!p0 [sflag:s8], $0x0  }
0x24: {  	s3 =	sadd.s32 $0x88, s3;
	s6 =	simm.s32 @!p1 $0x1082;
	[sflag:s4] =	ssyncset.s32 $0xFFFFF086  }
0x25: {  	[simem:s6], [sflag:s4] =	dma.local [hbm:s3], $0xF7A  }
0x26: {  	[smem:$0x3F9B] =	sst s1;
	(tag) =	ssettag s2;
	_ =	strace s9  }
0x27: {  	s1 =	sld [smem:$0x3FAB]  }
0x28: {  	s2 =	sld [smem:$0x3FAC]  }
0x29: {  	s4 =	sld [smem:$0x3FAE]  }
0x2a: {  	p0 =	seq.s32 s5, $0x0;
	s5 =	sld [smem:$0x3FAF]  }
0x2b: {  	s6 =	sld [smem:$0x3FB0]  }
0x2c: {  	s7 =	sld [smem:$0x3FB1]  }
0x2d: {  	s3 =	simm.s32 $0x108;
	s8 =	sld [smem:$0x3FB2]  }
0x2e: {  	s3 =	simm.s32 @!p0 $0x1082;
	s9 =	sld [smem:$0x3FB3]  }
0x2f: {  	lr =	sadd.s32 s0, s3;
	s0 =	sld [smem:$0x3FAA]  }
0x30: {  	s3 =	sld [smem:$0x3FAD]  }
0x31: {  	[smem:$0x3FB6] =	sst s10  }
0x32: {  	s10 =	sld [smem:$0x3FB4];
	_ =	sdelay $0x3  }
0x33: {  	p0 =	seq.s32 s10, $0x1;
	s10 =	sld [smem:$0x3FB6];
	_ =	sdelay $0x3  }
0x34: {  	[smem:$0x3FB6] =	sst s10  }
0x35: {  	s10 =	sld [smem:$0x3FB5];
	_ =	sdelay $0x3  }
0x36: {  	p1 =	seq.s32 s10, $0x1;
	s10 =	sld [smem:$0x3FB6];
	_ =	sdelay $0x3  }
0x37: {  	[smem:$0x3FB6] =	sst s10  }
0x38: {  	s10 =	sld [smem:$0x3FB7]  }
0x39: {  	_ = 	snop;
	(pc) =	sbr.ind lr, $3  }
0x3a: {  	_ = 	snop  }
0x3b: {  	_ = 	snop  }
0x3c: {  	p2 =	seq.s32 s10, $0x1;
	s10 =	sld [smem:$0x3FB6]  }
0x3d: {  	_ =	shalt  }
0x3e: {  	_ =	shalt  }
0x3f: {  	_ =	shalt  }
0x40: {  	_ =	shalt  }
0x41: {  	_ =	shalt  }
0x42: {  	_ =	shalt  }
0x43: {  	_ =	shalt  }
0x44: {  	_ =	shalt  }
0x45: {  	_ =	shalt  }
0x46: {  	_ =	shalt  }
0x47: {  	_ =	shalt  }
0x48: {  	_ =	shalt  }
0x49: {  	_ =	shalt  }
0x4a: {  	_ =	shalt  }
0x4b: {  	_ =	shalt  }
0x4c: {  	_ =	shalt  }
0x4d: {  	_ =	shalt  }
0x4e: {  	_ =	shalt  }
0x4f: {  	_ =	shalt  }
0x50: {  	_ =	shalt  }
0x51: {  	_ =	shalt  }
0x52: {  	_ =	shalt  }
0x53: {  	_ =	shalt  }
0x54: {  	_ =	shalt  }
0x55: {  	_ =	shalt  }
0x56: {  	_ =	shalt  }
0x57: {  	_ =	shalt  }
0x58: {  	_ =	shalt  }
0x59: {  	_ =	shalt  }
0x5a: {  	_ =	shalt  }
0x5b: {  	_ =	shalt  }
0x5c: {  	_ =	shalt  }
0x5d: {  	_ =	shalt  }
0x5e: {  	_ =	shalt  }
0x5f: {  	_ =	shalt  }
0x60: {  	_ =	shalt  }
0x61: {  	_ =	shalt  }
0x62: {  	_ =	shalt  }
0x63: {  	_ =	shalt  }
0x64: {  	_ =	shalt  }
0x65: {  	_ =	shalt  }
0x66: {  	_ =	shalt  }
0x67: {  	_ =	shalt  }
0x68: {  	_ =	shalt  }
0x69: {  	_ =	shalt  }
0x6a: {  	_ =	shalt  }
0x6b: {  	_ =	shalt  }
0x6c: {  	_ =	shalt  }
0x6d: {  	_ =	shalt  }
0x6e: {  	_ =	shalt  }
0x6f: {  	_ =	shalt  }
0x70: {  	_ =	shalt  }
0x71: {  	_ =	shalt  }
0x72: {  	_ =	shalt  }
0x73: {  	_ =	shalt  }
0x74: {  	_ =	shalt  }
0x75: {  	_ =	shalt  }
0x76: {  	_ =	shalt  }
0x77: {  	_ =	shalt  }
0x78: {  	_ =	shalt  }
0x79: {  	_ =	shalt  }
0x7a: {  	_ =	shalt  }
0x7b: {  	_ =	shalt  }
0x7c: {  	_ =	shalt  }
0x7d: {  	_ =	shalt  }
0x7e: {  	_ =	shalt  }
0x7f: {  	_ =	shalt  }
0x80: {  	_ =	shalt  }
0x81: {  	_ =	shalt  }
0x82: {  	_ =	shalt  }
0x83: {  	_ =	shalt  }
0x84: {  	_ =	shalt  }
0x85: {  	_ =	shalt  }
0x86: {  	_ =	shalt  }
0x87: {  	_ =	shalt  }
.Lfunc_end0:
.L_simem_size_0:
called_computation.1_lowered:
.L_overlay_start_0:
0x88: {  	s2 =	sld [smem:$0x3FD9]  }
0x89: {  	s3 =	sld [smem:$0x3FFE];
	_ =	sdelay $0x1  }
0x8a: {  	s1 =	srdreg.scid  }
0x8b: {  	s0 =	sand.u32 $0x1, s1  }
0x8c: {  	s17 =	sshll.u32 s0, $0xA;
	s2 =	sadd.s32 s3, s2  }
0x8d: {  	s2 =	sadd.s32 s2, s17  }
0x8e: {  	[smem:$0x3FC2] =	sst s2  }
0x8f: {  	_ = 	snop  }
0x90: {  	s2 =	sld [smem:$0x3FD0];
	(tm) =	ssettm $0x1  }
0x91: {  	s18 =	sld [smem:$0x3FFB];
	_ =	sdelay $0x3  }
0x92: {  	_ =	strace s18  }
0x93: {  	s3 =	sld [smem:$0x3FFC];
	_ =	sdelay $0x3  }
0x94: {  	_ =	strace s3  }
0x95: {  	s3 =	sld [smem:$0x3FFD];
	_ =	sdelay $0x3  }
0x96: {  	_ =	strace s3  }
0x97: {  	_ =	strace $0x8FFFFFFF  }
0x98: {  	s19 =	sld [smem:$0x3FDB];
	_ =	sdelay $0x1  }
0x99: {  	s4 =	simm.s32 $_scs_section_size  }
0x9a: {  	s5 =	simm.s32 $_size__tile_overlayer_lowered;
	s6 =	simm.s32 $_tile_overlayer_lowered  }
0x9b: {  	s22 =	simm.s32 $0x1BFF;
	s21 =	sshll.u32 s6, $0x1;
	s3 =	sadd.s32 s4, s19  }
0x9c: {  	s7 =	simm.s32 $0x0;
	s20 =	sshll.u32 s5, $0x1;
	s5 =	sadd.s32 s21, s3  }
0x9d: {  	[timem:s7], [sflag:s22] =	dma.local [hbm:s5], s20  }
0x9e: {  	_ =	swait.ge [sflag:s22], s20  }
0x9f: {  	s4 =	ssub.s32 $0x0, s20;
	[sflag:s22] =	ssyncset.done $0x0  }
0xa0: {  	[sflag:s22] =	ssyncadd.s32 s4;
	_ =	sdelay $0x1  }
0xa1: {  	s23 =	simm.s32 $0x1B8B  }
0xa2: {  	_ =	swait.ge [sflag:s23], $0x1  }
0xa3: {  	[sflag:s23] =	ssyncset.done $0x0  }
0xa4: {  	s25 =	simm.s32 $0x1B8E;
	s24 =	sld [smem:$0x3FFE];
	[sflag:s23] =	ssyncadd.s32 $0xFFFFFFFF  }
0xa5: {  	s26 =	simm.s32 $execute0_lowered;
	[smem:$0x3FD2] =	sst s25  }
0xa6: {  	s5 =	sshll.u32 s26, $0x1;
	_ =	strace $0x80000049;
	[dreg:$0x1] =	wrdreg $0xFFFFFFFF  }
0xa7: {  	s28 =	simm.s32 $_size_execute0_lowered;
	s3 =	sadd.s32 s3, s5;
	[dreg:$0x0] =	wrdreg $0x0  }
0xa8: {  	s5 =	sshll.u32 s28, $0x1;
	[dreg:$0x2] =	wrdreg s3  }
0xa9: {  	[dreg:$0x3] =	wrdreg s5  }
0xaa: {  	[dreg:$0x4] =	wrdreg $0xC0  }
0xab: {  	_ =	task [dreg:s7], $0x5FFFF  }
0xac: {  	[dreg:$0x1] =	wrdreg $0xFFFFFFFF  }
0xad: {  	[dreg:$0x0] =	wrdreg $0x60  }
0xae: {  	[dreg:$0x2] =	wrdreg s24  }
0xaf: {  	[dreg:$0x3] =	wrdreg s2  }
0xb0: {  	[dreg:$0x4] =	wrdreg $0x133000  }
0xb1: {  	[dreg:$0x5] =	wrdreg $0x1D3000  }
0xb2: {  	[dreg:$0x6] =	wrdreg $0x93000  }
0xb3: {  	[dreg:$0x7] =	wrdreg $0x9  }
0xb4: {  	_ =	task.clear_ibuf [dreg:s7], $0x8FFFF;
	_ =	strace $0x90000049  }
0xb5: {  	s29 =	simm.s32 $0x9;
	_ =	strace $0x8000004B  }
0xb6: {  	_ =	swait.ge [sflag:s29], $0x1  }
0xb7: {  	[sflag:s29] =	ssyncadd.s32 $0xFFFFFFFF  }
0xb8: {  	_ =	strace $0x9000004B  }
0xb9: {  	_ =	sfence  }
0xba: {  	s30 =	sld [smem:$0x0];
	_ =	sdelay $0x2  }
0xbb: {  	s31 =	sshll.u32 s1, $0xD;
	s1 =	sshrl.u32 s1, $0x2  }
0xbc: {  	s3 =	sand.u32 $0x4000, s31;
	s1 =	sadd.s32 s1, s30  }
0xbd: {  	s0 =	sor.u32 s3, s0;
	s1 =	sshll.u32 s1, $0x11  }
0xbe: {  	s0 =	sor.u32 s1, s0  }
0xbf: {  	s0 =	sadd.s32 $0x8F2B, s0  }
0xc0: {  	[sflag:s0] =	ssyncadd.remote.s32 $0x1  }
0xc1: {  	_ =	sfence.sel $0xFFFF  }
0xc2: {  	[dreg:$0x0] =	wrdreg $0xFFFFFFFF;
	(pc) =	sbr.abs _section_cstart, $3  }
0xc3: {  	[dreg:$0x1] =	wrdreg $0xFFFFFFFF  }
0xc4: {  	_ =	task.clear_ibuf [dreg:s7], $0x2FFFF;
	_ =	strace $0x9FFFFFFF  }
0xc5: {  	(tm) =	ssettm $0x7FFFFFFF  }
tec
execute0_lowered:
.L_overlay_start_1:
0x0: {  	(tag) =	ssettag $0x1  }
0x1: {  	s0 =	rddreg [dreg:$0x0]  }
0x2: {  	s2 =	rddreg [dreg:$0x1]  }
0x3: {  	s1 =	rddreg [dreg:$0x2]  }
0x4: {  	s10 =	rddreg [dreg:$0x3]  }
0x5: {  	s4 =	srdreg.scid;
	s21 =	stileid.u32  }
0x6: {  	s3 =	rddreg [dreg:$0x4];
	s30 =	simm.s32 $0x2800;
	s5 =	smul.u32 $0x14000, s21  }
0x7: {  	s31 =	simm.s32 $0x80;
	s28 =	simm.s32 $0x100;
	s13 =	smul.u32 $0xA000, s21  }
0x8: {  	s29 =	simm.s32 $0x2880;
	s11 =	sand.u32 $0x1, s4;
	s9 =	smul.u32 $0xA00, s21  }
0x9: {  	s4 =	simm.s32 $0x0;
	s14 =	sadd.s32 $0x2A600, s0;
	s21 =	smul.u32 $0x5000, s21  }
0xa: {  	s6 =	sshll.u32 s11, $0x6;
	[smem:$0x7FF] =	sst s4;
	s22 =	ssub.s32 $0x2, s11  }
0xb: {  	s11 =	smul.u32 $0xA0000, s11;
	s5 =	sor.u32 s6, s5;
	_ =	strace $0x8000004A  }
0xc: {  	s23 =	sshrl.u32 s22, $0x1;
	s16 =	sadd.s32 $0x2000, s13;
	s18 =	sadd.s32 $0x4000, s13  }
0xd: {  	s19 =	sadd.s32 $0x6000, s13;
	s20 =	sadd.s32 $0x8000, s13;
	s17 =	sshrl.u32 s9, $0x2  }
0xe: {  	s24 =	sshrl.u32 s21, $0x3;
	s5 =	sshrl.u32 s5, $0x3;
	s15 =	ssub.s32 s22, s23  }
0xf: {  	s6 =	sadd.s32 s16, s1;
	s7 =	sadd.s32 s18, s1;
	s8 =	sadd.s32 s19, s1  }
0x10: {  	s9 =	sadd.s32 s20, s1;
	s10 =	sadd.s32 s17, s10;
	s25 =	sadd.s32 s2, s24  }
0x11: {  	s26 =	sadd.s32 s14, s24;
	s17 =	sadd.s32 s13, s11;
	s21 =	sadd.s32 s11, s16  }
0x12: {  	s12 =	sadd.s32 s5, s0;
	s0 =	sadd.s32 $0x5D000, s0;
	[dreg:$0x6] =	wrdreg s10  }
0x13: {  	s5 =	sadd.s32 s13, s1;
	s10 =	sadd.s32 s13, s3;
	[dreg:$0x8] =	wrdreg s25  }
0x14: {  	[dreg:$0x9] =	wrdreg s26;
	s22 =	sshrl.u32 s21, $0x3;
	s25 =	sadd.s32 s11, s19  }
0x15: {  	s21 =	smax.u32 s15, $0x1;
	s13 =	simm.s32 $0x0;
	s12 =	sadd.s32 $0x2600, s12  }
0x16: {  	s23 =	sadd.s32 s0, s22;
	s26 =	sshrl.u32 s25, $0x3;
	s22 =	simm.s32 $0x5000  }
0x17: {  	s25 =	sshrl.u32 s10, $0x3;
	s10 =	simm.s32 $0x4;
	[dreg:$0x7] =	wrdreg s12  }
0x18: {  	s12 =	sadd.s32 $0x500, s24;
	[dreg:$0xd] =	wrdreg s23;
	s24 =	sadd.s32 s11, s18  }
0x19: {  	s11 =	sadd.s32 s11, s20;
	s19 =	sadd.s32 s0, s26;
	s2 =	sadd.s32 s2, s12  }
0x1a: {  	s23 =	simm.s32 $0x5;
	s12 =	sadd.s32 s14, s12;
	[dreg:$0xa] =	wrdreg s2  }
0x1b: {  	s26 =	simm.s32 $0x1;
	s11 =	sshrl.u32 s11, $0x3;
	[dreg:$0xb] =	wrdreg s12  }
0x1c: {  	s2 =	sshrl.u32 s17, $0x3;
	s20 =	sadd.s32 s0, s11;
	s11 =	simm.s32 $0x180  }
0x1d: {  	s12 =	simm.s32 $0x2900;
	s17 =	simm.s32 $0x10;
	s2 =	sadd.s32 s0, s2  }
0x1e: {  	[dreg:$0xc] =	wrdreg s2;
	s2 =	sshrl.u32 s24, $0x3;
	s24 =	simm.s32 $0x2  }
0x1f: {  	v0 =	vimm.f32 $0.0e+00;
	v1 =	vimm.f32 $1.000000000e+00;
	s18 =	sadd.s32 s0, s2;
	s2 =	simm.s32 $0x7000;
	s0 =	simm.s32 $0x3  }
.LBB2_1:
0x20: {  	s15 =	simm.s32 $0x100;
	s14 =	simm.s32 $0x0  }
.LBB2_2:
0x21: {  	p0 =	sne.s32 s15, $0x7F00;
	[tilespmem:s14+$0x5030] =	vst v0;
	s16 =	smov.u32 s15;
	s15 =	sadd.s32 $0x100, s15  }
.Ltmp0:
0x22: {  	[tilespmem:s14+$0x5020] =	vst v0;
	(pc) =	sbr.rel @p0 .LBB2_2-.Ltmp0, $3  }
0x23: {  	[tilespmem:s14+$0x5000] =	vst v0  }
0x24: {  	[tilespmem:s14+$0x5010] =	vst v0;
	_ =	sdelay $0x1  }
0x25: {  	s14 =	sshra.s32 s16, $0x2  }
0x26: {  	[tilespmem:s14+$0x5030] =	vst v0  }
0x27: {  	[tilespmem:s14+$0x5020] =	vst v0  }
0x28: {  	[tilespmem:s14+$0x5000] =	vst v0  }
0x29: {  	[tilespmem:s14+$0x5010] =	vst v0  }
0x2a: {  	[tilespmem:$0x9080] =	vst v0  }
0x2b: {  	[tilespmem:$0x9090] =	vst v0  }
0x2c: {  	[tilespmem:$0x90A0] =	vst v0  }
0x2d: {  	[tilespmem:$0x90B0] =	vst v0  }
0x2e: {  	[tilespmem:$0x90C0] =	vst v0  }
0x2f: {  	[tilespmem:$0x90D0] =	vst v0  }
0x30: {  	[tilespmem:$0x90E0] =	vst v0  }
0x31: {  	[tilespmem:$0x90F0] =	vst v0  }
0x32: {  	[tilespmem:$0x9100] =	vst v0  }
0x33: {  	[tilespmem:$0x9110] =	vst v0  }
0x34: {  	[tilespmem:$0x9120] =	vst v0  }
0x35: {  	[tilespmem:$0x9130] =	vst v0  }
0x36: {  	[tilespmem:$0x9140] =	vst v0  }
0x37: {  	[tilespmem:$0x9150] =	vst v0  }
0x38: {  	[tilespmem:$0x9160] =	vst v0  }
0x39: {  	[tilespmem:$0x9170] =	vst v0  }
0x3a: {  	[tilespmem:$0x9180] =	vst v0  }
0x3b: {  	[tilespmem:$0x9190] =	vst v0  }
0x3c: {  	[tilespmem:$0x91A0] =	vst v0  }
0x3d: {  	[tilespmem:$0x91B0] =	vst v0  }
0x3e: {  	[tilespmem:$0x91C0] =	vst v0  }
0x3f: {  	[tilespmem:$0x91D0] =	vst v0  }
0x40: {  	[tilespmem:$0x91E0] =	vst v0  }
0x41: {  	[tilespmem:$0x91F0] =	vst v0  }
0x42: {  	[tilespmem:$0x9200] =	vst v0  }
0x43: {  	[tilespmem:$0x9210] =	vst v0  }
0x44: {  	[tilespmem:$0x9220] =	vst v0  }
0x45: {  	[tilespmem:$0x9230] =	vst v0  }
0x46: {  	[tilespmem:$0x9240] =	vst v0  }
0x47: {  	[tilespmem:$0x9250] =	vst v0  }
0x48: {  	[tilespmem:$0x9260] =	vst v0  }
0x49: {  	[tilespmem:$0x9270] =	vst v0  }
0x4a: {  	[tilespmem:$0x9280] =	vst v0  }
0x4b: {  	[tilespmem:$0x9290] =	vst v0  }
0x4c: {  	[tilespmem:$0x92A0] =	vst v0  }
0x4d: {  	[tilespmem:$0x92B0] =	vst v0  }
0x4e: {  	[tilespmem:$0x92C0] =	vst v0  }
0x4f: {  	[tilespmem:$0x92D0] =	vst v0  }
0x50: {  	[tilespmem:$0x92E0] =	vst v0  }
0x51: {  	[tilespmem:$0x92F0] =	vst v0  }
0x52: {  	[tilespmem:$0x9000] =	vst v1  }
0x53: {  	[tilespmem:$0x9010] =	vst v1  }
0x54: {  	[tilespmem:$0x9020] =	vst v1  }
0x55: {  	[tilespmem:$0x9030] =	vst v1  }
0x56: {  	[tilespmem:$0x9040] =	vst v1  }
0x57: {  	[tilespmem:$0x9050] =	vst v1  }
0x58: {  	[tilespmem:$0x9060] =	vst v1  }
0x59: {  	[tilespmem:$0x9070] =	vst v1  }
0x5a: {  	[spmem:s5] =	stream.linear.scatter [tilespmem:s22], [sflag:$0x5], $0x2000, $0x38;
	[tilespmem:$0x1D580] =	vst v63  }
0x5b: {  	_ =	swait.ge [sflag:s23], $0x2000  }
0x5c: {  	[sflag:s23] =	ssyncset.done $0x0  }
0x5d: {  	[sflag:s23] =	ssyncadd.s32 $0xFFFFE000  }
0x5e: {  	[spmem:s6] =	stream.linear.scatter [tilespmem:s22], [sflag:$0x5], $0x2000, $0x38;
	[tilespmem:$0x1D580] =	vst v63  }
0x5f: {  	_ =	swait.ge [sflag:s23], $0x2000  }
0x60: {  	[sflag:s23] =	ssyncset.done $0x0  }
0x61: {  	[sflag:s23] =	ssyncadd.s32 $0xFFFFE000  }
0x62: {  	[spmem:s7] =	stream.linear.scatter [tilespmem:s22], [sflag:$0x5], $0x2000, $0x38;
	[tilespmem:$0x1D580] =	vst v63  }
0x63: {  	_ =	swait.ge [sflag:s23], $0x2000  }
0x64: {  	[sflag:s23] =	ssyncset.done $0x0  }
0x65: {  	[sflag:s23] =	ssyncadd.s32 $0xFFFFE000  }
0x66: {  	[spmem:s8] =	stream.linear.scatter [tilespmem:s22], [sflag:$0x5], $0x2000, $0x38;
	[tilespmem:$0x1D580] =	vst v63  }
0x67: {  	_ =	swait.ge [sflag:s23], $0x2000  }
0x68: {  	[sflag:s23] =	ssyncset.done $0x0  }
0x69: {  	[sflag:s23] =	ssyncadd.s32 $0xFFFFE000  }
0x6a: {  	[spmem:s9] =	stream.linear.scatter [tilespmem:s22], [sflag:$0x5], $0x2000, $0x38;
	[tilespmem:$0x1D580] =	vst v63  }
0x6b: {  	_ =	swait.ge [sflag:s23], $0x2000  }
0x6c: {  	[sflag:s23] =	ssyncset.done $0x0  }
0x6d: {  	s15 =	simm.s32 $0x9080;
	s16 =	rddreg [dreg:$0x6];
	[sflag:s23] =	ssyncadd.s32 $0xFFFFE000  }
0x6e: {  	[spmem:s16] =	stream.linear.scatter [tilespmem:s15], [sflag:$0x5], $0x280, $0x38;
	[tilespmem:$0x1D580] =	vst v63  }
0x6f: {  	s16 =	stileid.u32;
	_ =	swait.ge [sflag:s23], $0x280  }
0x70: {  	s14 =	sshll.u32 s16, $0x6;
	s16 =	simm.s32 $0x8;
	[sflag:s23] =	ssyncset.done $0x0  }
0x71: {  	s14 =	sor.u32 $0x1C05, s14;
	s15 =	rddreg [dreg:$0x7];
	[sflag:s23] =	ssyncadd.s32 $0xFFFFFD80  }
0x72: {  	[spmem:s25@s16], [sflag:s14] =	dma.strided [hbm:s15@s17], $0x1400, s26, $0x8   }
0x73: {  	_ =	swait.ge [sflag:s23], $0x1400  }
0x74: {  	[sflag:s23] =	ssyncset.done $0x0  }
0x75: {  	[sflag:s23] =	ssyncadd.s32 $0xFFFFEC00  }
0x76: {  	[bflag:$0x0] =	sbarrier.arrive $0xFFFF  }
0x77: {  	s15 =	rddreg [dreg:$0x8]  }
0x78: {  	[tilespmem:s4], [sflag:$0x5] =	stream.linear.gather [hbm4b:s15+s4], $0x2800, $0x38;
	[tilespmem:$0x1D580] =	vst v63  }
0x79: {  	_ =	swait.ge [sflag:s23], $0x2800  }
0x7a: {  	[sflag:s23] =	ssyncset.done $0x0  }
0x7b: {  	s16 =	rddreg [dreg:$0x9];
	[sflag:s23] =	ssyncadd.s32 $0xFFFFD800  }
0x7c: {  	[tilespmem:s30], [sflag:$0x5] =	stream.linear.gather [hbm4b:s16+s4], $0x2800, $0x38;
	[tilespmem:$0x1D580] =	vst v63  }
0x7d: {  	_ =	swait.ge [sflag:s23], $0x2800  }
0x7e: {  	[sflag:s23] =	ssyncset.done $0x0  }
0x7f: {  	[sflag:s23] =	ssyncadd.s32 $0xFFFFD800  }
0x80: {  	[tilespmem:s22], [sflag:$0x1] =	stream.indirect.gather [spmem:s3], $0x40, s4, s31, $0xb8;
	[tilespmem:$0x1D580] =	vst v63  }
0x81: {  	_ =	swait.ge [sflag:s26], $0x2000  }
0x82: {  	[sflag:s26] =	ssyncset.done $0x0  }
0x83: {  	[sflag:s26] =	ssyncadd.s32 $0xFFFFE000  }
0x84: {  	[tilespmem:s2], [sflag:$0x2] =	stream.indirect.gather [spmem:s3], $0x40, s31, s31, $0xb8;
	[tilespmem:$0x1D580] =	vst v63  }
0x85: {  	_ = 	snop  }
0x86: {  	[spmem:s1] =	stream.indirect.scatter.add.f32 [tilespmem:s22], [sflag:$0x3], $0x40, s30, s31, $0xb8;
	[tilespmem:$0x1D580] =	vst v63  }
0x87: {  	_ =	swait.ge [sflag:s24], $0x2000  }
0x88: {  	[sflag:s24] =	ssyncset.done $0x0  }
0x89: {  	[sflag:s24] =	ssyncadd.s32 $0xFFFFE000  }
0x8a: {  	_ =	swait.ge [sflag:s0], $0x2000  }
0x8b: {  	[sflag:s0] =	ssyncset.done $0x0  }
0x8c: {  	[sflag:s0] =	ssyncadd.s32 $0xFFFFE000  }
0x8d: {  	[tilespmem:s22], [sflag:$0x1] =	stream.indirect.gather [spmem:s3], $0x40, s28, s31, $0xb8;
	[tilespmem:$0x1D580] =	vst v63  }
0x8e: {  	_ = 	snop  }
0x8f: {  	[spmem:s1] =	stream.indirect.scatter.add.f32 [tilespmem:s2], [sflag:$0x4], $0x40, s29, s31, $0xb8;
	[tilespmem:$0x1D580] =	vst v63  }
0x90: {  	_ =	swait.ge [sflag:s26], $0x2000  }
0x91: {  	[sflag:s26] =	ssyncset.done $0x0  }
0x92: {  	[sflag:s26] =	ssyncadd.s32 $0xFFFFE000  }
0x93: {  	_ =	swait.ge [sflag:s10], $0x2000  }
0x94: {  	[sflag:s10] =	ssyncset.done $0x0  }
0x95: {  	[sflag:s10] =	ssyncadd.s32 $0xFFFFE000  }
0x96: {  	[tilespmem:s2], [sflag:$0x2] =	stream.indirect.gather [spmem:s3], $0x40, s11, s31, $0xb8;
	[tilespmem:$0x1D580] =	vst v63  }
0x97: {  	_ = 	snop  }
0x98: {  	[spmem:s1] =	stream.indirect.scatter.add.f32 [tilespmem:s22], [sflag:$0x3], $0x40, s12, s31, $0xb8;
	[tilespmem:$0x1D580] =	vst v63  }
0x99: {  	_ =	swait.ge [sflag:s24], $0x2000  }
0x9a: {  	[sflag:s24] =	ssyncset.done $0x0  }
0x9b: {  	[sflag:s24] =	ssyncadd.s32 $0xFFFFE000  }
0x9c: {  	_ =	swait.ge [sflag:s0], $0x2000  }
0x9d: {  	[sflag:s0] =	ssyncset.done $0x0  }
0x9e: {  	s15 =	simm.s32 $0x200;
	[sflag:s0] =	ssyncadd.s32 $0xFFFFE000  }
0x9f: {  	[tilespmem:s22], [sflag:$0x1] =	stream.indirect.gather [spmem:s3], $0x40, s15, s31, $0xb8;
	[tilespmem:$0x1D580] =	vst v63  }
0xa0: {  	s16 =	simm.s32 $0x2980  }
0xa1: {  	[spmem:s1] =	stream.indirect.scatter.add.f32 [tilespmem:s2], [sflag:$0x4], $0x40, s16, s31, $0xb8;
	[tilespmem:$0x1D580] =	vst v63  }
0xa2: {  	_ =	swait.ge [sflag:s26], $0x2000  }
0xa3: {  	[sflag:s26] =	ssyncset.done $0x0  }
0xa4: {  	[sflag:s26] =	ssyncadd.s32 $0xFFFFE000  }
0xa5: {  	_ =	swait.ge [sflag:s10], $0x2000  }
0xa6: {  	[sflag:s10] =	ssyncset.done $0x0  }
0xa7: {  	s15 =	simm.s32 $0x280;
	[sflag:s10] =	ssyncadd.s32 $0xFFFFE000  }
0xa8: {  	[tilespmem:s2], [sflag:$0x2] =	stream.indirect.gather [spmem:s3], $0x40, s15, s31, $0xb8;
	[tilespmem:$0x1D580] =	vst v63  }
0xa9: {  	s16 =	simm.s32 $0x2A00  }
0xaa: {  	[spmem:s1] =	stream.indirect.scatter.add.f32 [tilespmem:s22], [sflag:$0x3], $0x40, s16, s31, $0xb8;
	[tilespmem:$0x1D580] =	vst v63  }
0xab: {  	_ =	swait.ge [sflag:s24], $0x2000  }
0xac: {  	s14 =	simm.s32 $0xFFFF6C00;
	[sflag:s24] =	ssyncset.done $0x0  }
.LBB2_4:
0xad: {  	[sflag:s24] =	ssyncadd.s32 $0xFFFFE000;
	s15 =	smov.u32 s14;
	s14 =	sadd.s32 $0x400, s14  }
0xae: {  	p0 =	sne.s32 s14, $0x0  }
0xaf: {  	_ =	swait.ge [sflag:s0], $0x2000  }
0xb0: {  	s15 =	sshra.s32 s15, $0x2;
	[sflag:s0] =	ssyncset.done $0x0  }
0xb1: {  	s16 =	sadd.s32 $0x2800, s15;
	[sflag:s0] =	ssyncadd.s32 $0xFFFFE000  }
0xb2: {  	[tilespmem:s22], [sflag:$0x1] =	stream.indirect.gather [spmem:s3], $0x40, s16, s31, $0xb8;
	[tilespmem:$0x1D580] =	vst v63  }
0xb3: {  	s16 =	sadd.s32 $0x4F80, s15  }
0xb4: {  	[spmem:s1] =	stream.indirect.scatter.add.f32 [tilespmem:s2], [sflag:$0x4], $0x40, s16, s31, $0xb8;
	[tilespmem:$0x1D580] =	vst v63  }
0xb5: {  	_ =	swait.ge [sflag:s26], $0x2000  }
0xb6: {  	[sflag:s26] =	ssyncset.done $0x0  }
0xb7: {  	[sflag:s26] =	ssyncadd.s32 $0xFFFFE000  }
0xb8: {  	_ =	swait.ge [sflag:s10], $0x2000  }
0xb9: {  	[sflag:s10] =	ssyncset.done $0x0  }
0xba: {  	s16 =	sadd.s32 $0x2880, s15;
	[sflag:s10] =	ssyncadd.s32 $0xFFFFE000  }
0xbb: {  	[tilespmem:s2], [sflag:$0x2] =	stream.indirect.gather [spmem:s3], $0x40, s16, s31, $0xb8;
	[tilespmem:$0x1D580] =	vst v63  }
.Ltmp1:
0xbc: {  	_ = 	snop;
	(pc) =	sbr.rel @p0 .LBB2_4-.Ltmp1, $4  }
0xbd: {  	s15 =	sadd.s32 $0x5000, s15  }
0xbe: {  	[spmem:s1] =	stream.indirect.scatter.add.f32 [tilespmem:s22], [sflag:$0x3], $0x40, s15, s31, $0xb8;
	[tilespmem:$0x1D580] =	vst v63  }
0xbf: {  	_ =	swait.ge [sflag:s24], $0x2000  }
0xc0: {  	[sflag:s24] =	ssyncset.done $0x0  }
0xc1: {  	s14 =	sshra.s32 s14, $0x2  }
0xc2: {  	[sflag:s24] =	ssyncadd.s32 $0xFFFFE000;
	s14 =	sadd.s32 $0x4F80, s14  }
0xc3: {  	[spmem:s1] =	stream.indirect.scatter.add.f32 [tilespmem:s2], [sflag:$0x4], $0x40, s14, s31, $0xb8;
	[tilespmem:$0x1D580] =	vst v63  }
0xc4: {  	_ =	swait.ge [sflag:s0], $0x2000  }
0xc5: {  	[sflag:s0] =	ssyncset.done $0x0  }
0xc6: {  	[sflag:s0] =	ssyncadd.s32 $0xFFFFE000  }
0xc7: {  	_ =	swait.ge [sflag:s10], $0x2000  }
0xc8: {  	[sflag:s10] =	ssyncset.done $0x0  }
0xc9: {  	s15 =	rddreg [dreg:$0xa];
	[sflag:s10] =	ssyncadd.s32 $0xFFFFE000  }
0xca: {  	[tilespmem:s4], [sflag:$0x5] =	stream.linear.gather [hbm4b:s15+s4], $0x2800, $0x38;
	[tilespmem:$0x1D580] =	vst v63  }
0xcb: {  	_ =	swait.ge [sflag:s23], $0x2800  }
0xcc: {  	[sflag:s23] =	ssyncset.done $0x0  }
0xcd: {  	s16 =	rddreg [dreg:$0xb];
	[sflag:s23] =	ssyncadd.s32 $0xFFFFD800  }
0xce: {  	[tilespmem:s30], [sflag:$0x5] =	stream.linear.gather [hbm4b:s16+s4], $0x2800, $0x38;
	[tilespmem:$0x1D580] =	vst v63  }
0xcf: {  	_ =	swait.ge [sflag:s23], $0x2800  }
0xd0: {  	[sflag:s23] =	ssyncset.done $0x0  }
0xd1: {  	[sflag:s23] =	ssyncadd.s32 $0xFFFFD800  }
0xd2: {  	[tilespmem:s22], [sflag:$0x1] =	stream.indirect.gather [spmem:s3], $0x40, s4, s31, $0xb8;
	[tilespmem:$0x1D580] =	vst v63  }
0xd3: {  	_ =	swait.ge [sflag:s26], $0x2000  }
0xd4: {  	[sflag:s26] =	ssyncset.done $0x0  }
0xd5: {  	[sflag:s26] =	ssyncadd.s32 $0xFFFFE000  }
0xd6: {  	[tilespmem:s2], [sflag:$0x2] =	stream.indirect.gather [spmem:s3], $0x40, s31, s31, $0xb8;
	[tilespmem:$0x1D580] =	vst v63  }
0xd7: {  	_ = 	snop  }
0xd8: {  	[spmem:s1] =	stream.indirect.scatter.add.f32 [tilespmem:s22], [sflag:$0x3], $0x40, s30, s31, $0xb8;
	[tilespmem:$0x1D580] =	vst v63  }
0xd9: {  	_ =	swait.ge [sflag:s24], $0x2000  }
0xda: {  	[sflag:s24] =	ssyncset.done $0x0  }
0xdb: {  	[sflag:s24] =	ssyncadd.s32 $0xFFFFE000  }
0xdc: {  	_ =	swait.ge [sflag:s0], $0x2000  }
0xdd: {  	[sflag:s0] =	ssyncset.done $0x0  }
0xde: {  	[sflag:s0] =	ssyncadd.s32 $0xFFFFE000  }
0xdf: {  	[tilespmem:s22], [sflag:$0x1] =	stream.indirect.gather [spmem:s3], $0x40, s28, s31, $0xb8;
	[tilespmem:$0x1D580] =	vst v63  }
0xe0: {  	_ = 	snop  }
0xe1: {  	[spmem:s1] =	stream.indirect.scatter.add.f32 [tilespmem:s2], [sflag:$0x4], $0x40, s29, s31, $0xb8;
	[tilespmem:$0x1D580] =	vst v63  }
0xe2: {  	_ =	swait.ge [sflag:s26], $0x2000  }
0xe3: {  	[sflag:s26] =	ssyncset.done $0x0  }
0xe4: {  	[sflag:s26] =	ssyncadd.s32 $0xFFFFE000  }
0xe5: {  	_ =	swait.ge [sflag:s10], $0x2000  }
0xe6: {  	[sflag:s10] =	ssyncset.done $0x0  }
0xe7: {  	[sflag:s10] =	ssyncadd.s32 $0xFFFFE000  }
0xe8: {  	[tilespmem:s2], [sflag:$0x2] =	stream.indirect.gather [spmem:s3], $0x40, s11, s31, $0xb8;
	[tilespmem:$0x1D580] =	vst v63  }
0xe9: {  	_ = 	snop  }
0xea: {  	[spmem:s1] =	stream.indirect.scatter.add.f32 [tilespmem:s22], [sflag:$0x3], $0x40, s12, s31, $0xb8;
	[tilespmem:$0x1D580] =	vst v63  }
0xeb: {  	_ =	swait.ge [sflag:s24], $0x2000  }
0xec: {  	[sflag:s24] =	ssyncset.done $0x0  }
0xed: {  	[sflag:s24] =	ssyncadd.s32 $0xFFFFE000  }
0xee: {  	_ =	swait.ge [sflag:s0], $0x2000  }
0xef: {  	[sflag:s0] =	ssyncset.done $0x0  }
0xf0: {  	s15 =	simm.s32 $0x200;
	[sflag:s0] =	ssyncadd.s32 $0xFFFFE000  }
0xf1: {  	[tilespmem:s22], [sflag:$0x1] =	stream.indirect.gather [spmem:s3], $0x40, s15, s31, $0xb8;
	[tilespmem:$0x1D580] =	vst v63  }
0xf2: {  	s16 =	simm.s32 $0x2980  }
0xf3: {  	[spmem:s1] =	stream.indirect.scatter.add.f32 [tilespmem:s2], [sflag:$0x4], $0x40, s16, s31, $0xb8;
	[tilespmem:$0x1D580] =	vst v63  }
0xf4: {  	_ =	swait.ge [sflag:s26], $0x2000  }
0xf5: {  	[sflag:s26] =	ssyncset.done $0x0  }
0xf6: {  	[sflag:s26] =	ssyncadd.s32 $0xFFFFE000  }
0xf7: {  	_ =	swait.ge [sflag:s10], $0x2000  }
0xf8: {  	[sflag:s10] =	ssyncset.done $0x0  }
0xf9: {  	s15 =	simm.s32 $0x280;
	[sflag:s10] =	ssyncadd.s32 $0xFFFFE000  }
0xfa: {  	[tilespmem:s2], [sflag:$0x2] =	stream.indirect.gather [spmem:s3], $0x40, s15, s31, $0xb8;
	[tilespmem:$0x1D580] =	vst v63  }
0xfb: {  	s16 =	simm.s32 $0x2A00  }
0xfc: {  	[spmem:s1] =	stream.indirect.scatter.add.f32 [tilespmem:s22], [sflag:$0x3], $0x40, s16, s31, $0xb8;
	[tilespmem:$0x1D580] =	vst v63  }
0xfd: {  	_ =	swait.ge [sflag:s24], $0x2000  }
0xfe: {  	s14 =	simm.s32 $0xFFFF6C00;
	[sflag:s24] =	ssyncset.done $0x0  }
.LBB2_6:
0xff: {  	[sflag:s24] =	ssyncadd.s32 $0xFFFFE000;
	s15 =	smov.u32 s14;
	s14 =	sadd.s32 $0x400, s14  }
0x100: {  	p0 =	sne.s32 s14, $0x0  }
0x101: {  	_ =	swait.ge [sflag:s0], $0x2000  }
0x102: {  	s15 =	sshra.s32 s15, $0x2;
	[sflag:s0] =	ssyncset.done $0x0  }
0x103: {  	s16 =	sadd.s32 $0x2800, s15;
	[sflag:s0] =	ssyncadd.s32 $0xFFFFE000  }
0x104: {  	[tilespmem:s22], [sflag:$0x1] =	stream.indirect.gather [spmem:s3], $0x40, s16, s31, $0xb8;
	[tilespmem:$0x1D580] =	vst v63  }
0x105: {  	s16 =	sadd.s32 $0x4F80, s15  }
0x106: {  	[spmem:s1] =	stream.indirect.scatter.add.f32 [tilespmem:s2], [sflag:$0x4], $0x40, s16, s31, $0xb8;
	[tilespmem:$0x1D580] =	vst v63  }
0x107: {  	_ =	swait.ge [sflag:s26], $0x2000  }
0x108: {  	[sflag:s26] =	ssyncset.done $0x0  }
0x109: {  	[sflag:s26] =	ssyncadd.s32 $0xFFFFE000  }
0x10a: {  	_ =	swait.ge [sflag:s10], $0x2000  }
0x10b: {  	[sflag:s10] =	ssyncset.done $0x0  }
0x10c: {  	s16 =	sadd.s32 $0x2880, s15;
	[sflag:s10] =	ssyncadd.s32 $0xFFFFE000  }
0x10d: {  	[tilespmem:s2], [sflag:$0x2] =	stream.indirect.gather [spmem:s3], $0x40, s16, s31, $0xb8;
	[tilespmem:$0x1D580] =	vst v63  }
.Ltmp2:
0x10e: {  	_ = 	snop;
	(pc) =	sbr.rel @p0 .LBB2_6-.Ltmp2, $4  }
0x10f: {  	s15 =	sadd.s32 $0x5000, s15  }
0x110: {  	[spmem:s1] =	stream.indirect.scatter.add.f32 [tilespmem:s22], [sflag:$0x3], $0x40, s15, s31, $0xb8;
	[tilespmem:$0x1D580] =	vst v63  }
0x111: {  	_ =	swait.ge [sflag:s24], $0x2000  }
0x112: {  	[sflag:s24] =	ssyncset.done $0x0  }
0x113: {  	s14 =	sshra.s32 s14, $0x2  }
0x114: {  	[sflag:s24] =	ssyncadd.s32 $0xFFFFE000;
	s14 =	sadd.s32 $0x4F80, s14  }
0x115: {  	[spmem:s1] =	stream.indirect.scatter.add.f32 [tilespmem:s2], [sflag:$0x4], $0x40, s14, s31, $0xb8;
	[tilespmem:$0x1D580] =	vst v63  }
0x116: {  	_ =	swait.ge [sflag:s0], $0x2000  }
0x117: {  	[sflag:s0] =	ssyncset.done $0x0  }
0x118: {  	[sflag:s0] =	ssyncadd.s32 $0xFFFFE000  }
0x119: {  	_ =	swait.ge [sflag:s10], $0x2000  }
0x11a: {  	[sflag:s10] =	ssyncset.done $0x0  }
0x11b: {  	[sflag:s10] =	ssyncadd.s32 $0xFFFFE000  }
0x11c: {  	[bflag:$0x0] =	sbarrier.arrive $0xFFFF  }
0x11d: {  	[tilespmem:s22], [sflag:$0x5] =	stream.linear.gather [spmem:s5], $0x2000, $0x38;
	[tilespmem:$0x1D580] =	vst v63  }
0x11e: {  	_ =	swait.ge [sflag:s23], $0x2000  }
0x11f: {  	[sflag:s23] =	ssyncset.done $0x0  }
0x120: {  	s15 =	rddreg [dreg:$0xc];
	[sflag:s23] =	ssyncadd.s32 $0xFFFFE000  }
0x121: {  	[hbm4b:s15+s4] =	stream.linear.scatter [tilespmem:s22], [sflag:$0x5], $0x2000, $0x38;
	[tilespmem:$0x1D580] =	vst v63  }
0x122: {  	_ =	swait.ge [sflag:s23], $0x2000  }
0x123: {  	[sflag:s23] =	ssyncset.done $0x0  }
0x124: {  	[sflag:s23] =	ssyncadd.s32 $0xFFFFE000  }
0x125: {  	[tilespmem:s22], [sflag:$0x5] =	stream.linear.gather [spmem:s6], $0x2000, $0x38;
	[tilespmem:$0x1D580] =	vst v63  }
0x126: {  	_ =	swait.ge [sflag:s23], $0x2000  }
0x127: {  	[sflag:s23] =	ssyncset.done $0x0  }
0x128: {  	s16 =	rddreg [dreg:$0xd];
	[sflag:s23] =	ssyncadd.s32 $0xFFFFE000  }
0x129: {  	[hbm4b:s16+s4] =	stream.linear.scatter [tilespmem:s22], [sflag:$0x5], $0x2000, $0x38;
	[tilespmem:$0x1D580] =	vst v63  }
0x12a: {  	_ =	swait.ge [sflag:s23], $0x2000  }
0x12b: {  	[sflag:s23] =	ssyncset.done $0x0  }
0x12c: {  	[sflag:s23] =	ssyncadd.s32 $0xFFFFE000  }
0x12d: {  	[tilespmem:s22], [sflag:$0x5] =	stream.linear.gather [spmem:s7], $0x2000, $0x38;
	[tilespmem:$0x1D580] =	vst v63  }
0x12e: {  	_ =	swait.ge [sflag:s23], $0x2000  }
0x12f: {  	[sflag:s23] =	ssyncset.done $0x0  }
0x130: {  	[sflag:s23] =	ssyncadd.s32 $0xFFFFE000  }
0x131: {  	[hbm4b:s18+s4] =	stream.linear.scatter [tilespmem:s22], [sflag:$0x5], $0x2000, $0x38;
	[tilespmem:$0x1D580] =	vst v63  }
0x132: {  	_ =	swait.ge [sflag:s23], $0x2000  }
0x133: {  	[sflag:s23] =	ssyncset.done $0x0  }
0x134: {  	[sflag:s23] =	ssyncadd.s32 $0xFFFFE000  }
0x135: {  	[tilespmem:s22], [sflag:$0x5] =	stream.linear.gather [spmem:s8], $0x2000, $0x38;
	[tilespmem:$0x1D580] =	vst v63  }
0x136: {  	_ =	swait.ge [sflag:s23], $0x2000  }
0x137: {  	[sflag:s23] =	ssyncset.done $0x0  }
0x138: {  	[sflag:s23] =	ssyncadd.s32 $0xFFFFE000  }
0x139: {  	[hbm4b:s19+s4] =	stream.linear.scatter [tilespmem:s22], [sflag:$0x5], $0x2000, $0x38;
	[tilespmem:$0x1D580] =	vst v63  }
0x13a: {  	_ =	swait.ge [sflag:s23], $0x2000  }
0x13b: {  	[sflag:s23] =	ssyncset.done $0x0  }
0x13c: {  	[sflag:s23] =	ssyncadd.s32 $0xFFFFE000  }
0x13d: {  	[tilespmem:s22], [sflag:$0x5] =	stream.linear.gather [spmem:s9], $0x2000, $0x38;
	[tilespmem:$0x1D580] =	vst v63  }
0x13e: {  	s13 =	sadd.s32 $0x1, s13;
	_ =	swait.ge [sflag:s23], $0x2000  }
0x13f: {  	p0 =	sne.s32 s13, s21;
	[sflag:s23] =	ssyncset.done $0x0  }
.Ltmp3:
0x140: {  	[sflag:s23] =	ssyncadd.s32 $0xFFFFE000;
	(pc) =	sbr.rel @p0 .LBB2_1-.Ltmp3, $4  }
0x141: {  	[hbm4b:s20+s4] =	stream.linear.scatter [tilespmem:s22], [sflag:$0x5], $0x2000, $0x38;
	[tilespmem:$0x1D580] =	vst v63  }
0x142: {  	_ =	swait.ge [sflag:s23], $0x2000  }
0x143: {  	[sflag:s23] =	ssyncset.done $0x0  }
0x144: {  	[sflag:s23] =	ssyncadd.s32 $0xFFFFE000  }
0x145: {  	_ =	sfence.sel $0x180000  }
0x146: {  	[bflag:$0x0] =	sbarrier.arrive $0xFFFF  }
0x147: {  	_ =	strace $0x9000004A  }
0x148: {  	s0 =	stileid.u32;
	[bflag:$0x2] =	sbarrier.arrive $0xFFFF  }
0x149: {  	p0 =	sne.s32 s0, $0x0;
	s0 =	rddreg [dreg:$0x5]  }
0x14a: {  	s0 =	sadd.s32 @!p0 $0x100000, s0  }
0x14b: {  	[sflag:s0] =	ssyncadd.tile.s32 @!p0 $0x1;
	_ =	shalt  }
.Lfunc_end2:
_tile_overlayer_lowered:
.L_overlay_start_2:
0x14c: {  	(tag) =	ssettag $0x2  }
0x14d: {  	s0 =	rddreg [dreg:$0x0];
	s2 =	stileid.u32  }
0x14e: {  	s1 =	rddreg [dreg:$0x1];
	p0 =	sne.s32 s2, $0x0  }
0x14f: {  	s3 =	rddreg [dreg:$0x2];
	[bflag:$0x3] =	sbarrier.arrive $0xFFFF;
	s2 =	simm.s32 @!p0 $0x1C05  }
0x150: {  	[timem:s3], [sflag:s2] =	dma.local @!p0 [hbm:s0], s1  }
0x151: {  	s0 =	simm.s32 @!p0 $0x5  }
0x152: {  	_ =	swait.ge @!p0 [sflag:s0], s1  }
0x153: {  	s1 =	ssub.s32 @!p0 $0x0, s1;
	[sflag:s0] =	ssyncset.done @!p0 $0x0  }
0x154: {  	[sflag:s0] =	ssyncadd.s32 @!p0 s1  }
0x155: {  	[bflag:$0x3] =	sbarrier.arrive $0xFFFF  }
0x156: {  	_ =	shalt  }

</sc_bundles>
